<compile_context>
chip_gen: v7x
topology: tpu7x:2x2x1
jax: 0.10.2.dev20260603
libtpu: 0.0.44.dev20260713+nightly
codegen_flags: <defaults>
</compile_context>

<pallas_src>
import functools

import jax
import jax.numpy as jnp
from jax import lax
from jax.experimental import pallas as pl
from jax.experimental.pallas import tpu as pltpu
from jax.experimental.pallas import tpu_sc as plsc

_CH = 256
_BLK = 4
_NW = 32
_G = 64
_H = 16
_GRID = 49


def _sc_degree(ei3, n, npad):
    _, rows, ch = ei3.shape
    nbt = rows // _BLK
    nbw = (nbt + _NW - 1) // _NW
    nbw = nbw + (nbw % 2)
    mesh = plsc.VectorSubcoreMesh(core_axis_name="c", subcore_axis_name="s")

    @functools.partial(
        pl.kernel,
        out_type=jax.ShapeDtypeStruct((2, 1, npad), jnp.float32),
        mesh=mesh,
        scratch_types=[
            pltpu.VMEM((_BLK, ch), jnp.int32),
            pltpu.VMEM((_BLK, ch), jnp.int32),
            pltpu.VMEM((ch,), jnp.float32),
            pltpu.VMEM_SHARED((n,), jnp.float32),
            pltpu.SemaphoreType.DMA,
            pltpu.SemaphoreType.DMA,
        ],
        compiler_params=pltpu.CompilerParams(use_tc_tiling_on_sc=False),
    )
    def deg_kernel(ei_hbm, ones_hbm, z_hbm, out_hbm,
                   colv0, colv1, onesv, acc, sem0, sem1):
        cid = lax.axis_index("c")
        sid = lax.axis_index("s")
        wid = cid * 16 + sid
        col_hbm = ei_hbm.at[1]

        @pl.when(sid == 0)
        def _zero():
            pltpu.sync_copy(z_hbm, acc)

        pltpu.sync_copy(ones_hbm, onesv)
        plsc.subcore_barrier()

        def fire(colv, sem):
            for j in range(_BLK):
                pltpu.async_copy(onesv, acc.at[colv.at[j]], sem, add=True)

        def wait(colv, sem):
            for j in range(_BLK):
                pltpu.make_async_copy(onesv, acc.at[colv.at[j]], sem).wait()

        def body(g, carry):
            be = (2 * g) * _NW + wid
            bo = be + _NW

            @pl.when((bo - 2 * _NW >= 0) & (bo - 2 * _NW < nbt))
            def _():
                wait(colv1, sem1)

            @pl.when(be < nbt)
            def _():
                pltpu.sync_copy(col_hbm.at[pl.ds(be * _BLK, _BLK)], colv0)
                fire(colv0, sem0)

            @pl.when(bo < nbt)
            def _():
                pltpu.sync_copy(col_hbm.at[pl.ds(bo * _BLK, _BLK)], colv1)
                fire(colv1, sem1)

            @pl.when(be < nbt)
            def _():
                wait(colv0, sem0)

            return carry

        lax.fori_loop(0, nbw // 2, body, 0)
        blast = (nbw - 1) * _NW + wid

        @pl.when(blast < nbt)
        def _():
            wait(colv1, sem1)

        plsc.subcore_barrier()

        @pl.when(sid == 0)
        def _out():
            pltpu.sync_copy(acc, out_hbm.at[cid, 0, pl.ds(0, n)])

    return deg_kernel(ei3, jnp.ones((ch,), jnp.float32),
                      jnp.zeros((n,), jnp.float32))


def _sc_scatter(ei3, u, n):
    _, rows, ch = ei3.shape
    npad, f = u.shape
    nbt = rows // _BLK
    nbw = (nbt + _NW - 1) // _NW
    nbw = nbw + (nbw % 2)
    hb = _BLK // 2
    mesh = plsc.VectorSubcoreMesh(core_axis_name="c", subcore_axis_name="s")

    @functools.partial(
        pl.kernel,
        out_type=jax.ShapeDtypeStruct((2, npad, f), jnp.float32),
        mesh=mesh,
        scratch_types=[
            pltpu.VMEM((_BLK, ch), jnp.int32),
            pltpu.VMEM((_BLK, ch), jnp.int32),
            pltpu.VMEM((_BLK, ch), jnp.int32),
            pltpu.VMEM((_BLK, ch), jnp.int32),
            pltpu.VMEM((_BLK // 2 * ch, f), jnp.float32),
            pltpu.VMEM((_BLK // 2 * ch, f), jnp.float32),
            pltpu.VMEM_SHARED((n, f), jnp.float32),
            pltpu.SemaphoreType.DMA,
            pltpu.SemaphoreType.DMA,
            pltpu.SemaphoreType.DMA,
            pltpu.SemaphoreType.DMA,
        ],
        compiler_params=pltpu.CompilerParams(use_tc_tiling_on_sc=False),
    )
    def scat_kernel(ei_hbm, u_hbm, z_hbm, out_hbm,
                    rowv0, colv0, rowv1, colv1, data0, data1, acc,
                    semg0, semg1, sems0, sems1):
        hb_ = _BLK // 2
        cid = lax.axis_index("c")
        sid = lax.axis_index("s")
        wid = cid * 16 + sid
        row_hbm = ei_hbm.at[0]
        col_hbm = ei_hbm.at[1]

        @pl.when(sid == 0)
        def _zero():
            pltpu.sync_copy(z_hbm, acc)

        plsc.subcore_barrier()

        def load(b, rowv, colv):
            pltpu.sync_copy(row_hbm.at[pl.ds(b * _BLK, _BLK)], rowv)
            pltpu.sync_copy(col_hbm.at[pl.ds(b * _BLK, _BLK)], colv)

        def fire_g(rowv, j0, datav, sem):
            for j in range(hb_):
                pltpu.async_copy(u_hbm.at[rowv.at[j0 + j]],
                                 datav.at[pl.ds(j * ch, ch)], sem)

        def wait_g(rowv, j0, datav, sem):
            for j in range(hb_):
                pltpu.make_async_copy(
                    u_hbm.at[rowv.at[j0 + j]],
                    datav.at[pl.ds(j * ch, ch)], sem).wait()

        def fire_s(colv, j0, datav, sem):
            for j in range(hb_):
                pltpu.async_copy(datav.at[pl.ds(j * ch, ch)],
                                 acc.at[colv.at[j0 + j]], sem, add=True)

        def wait_s(colv, j0, datav, sem):
            for j in range(hb_):
                pltpu.make_async_copy(
                    datav.at[pl.ds(j * ch, ch)],
                    acc.at[colv.at[j0 + j]], sem).wait()

        def body(g, carry):
            be = (2 * g) * _NW + wid
            bo = be + _NW
            bp = bo - 2 * _NW
            cp = (bp >= 0) & (bp < nbt)
            ce = be < nbt
            co = bo < nbt

            @pl.when(cp)
            def _():
                wait_s(colv1, 0, data0, sems0)

            @pl.when(ce)
            def _():
                load(be, rowv0, colv0)
                fire_g(rowv0, 0, data0, semg0)

            @pl.when(cp)
            def _():
                wait_s(colv1, hb_, data1, sems1)

            @pl.when(ce)
            def _():
                fire_g(rowv0, hb_, data1, semg1)
                wait_g(rowv0, 0, data0, semg0)
                fire_s(colv0, 0, data0, sems0)

            @pl.when(co)
            def _():
                load(bo, rowv1, colv1)

            @pl.when(ce)
            def _():
                wait_g(rowv0, hb_, data1, semg1)
                fire_s(colv0, hb_, data1, sems1)

            @pl.when(co)
            def _():
                wait_s(colv0, 0, data0, sems0)
                fire_g(rowv1, 0, data0, semg0)
                wait_g(rowv1, 0, data0, semg0)
                fire_s(colv1, 0, data0, sems0)
                wait_s(colv0, hb_, data1, sems1)
                fire_g(rowv1, hb_, data1, semg1)
                wait_g(rowv1, hb_, data1, semg1)
                fire_s(colv1, hb_, data1, sems1)

            return carry

        lax.fori_loop(0, nbw // 2, body, 0)
        bo_last = (nbw - 1) * _NW + wid
        ce_last = (bo_last - _NW) < nbt
        co_last = bo_last < nbt

        @pl.when(co_last)
        def _():
            wait_s(colv1, 0, data0, sems0)
            wait_s(colv1, hb_, data1, sems1)

        @pl.when(ce_last & jnp.logical_not(co_last))
        def _():
            wait_s(colv0, 0, data0, sems0)
            wait_s(colv0, hb_, data1, sems1)

        plsc.subcore_barrier()

        @pl.when(sid == 0)
        def _out():
            pltpu.sync_copy(acc, out_hbm.at[cid, pl.ds(0, n)])

    return scat_kernel(ei3, u, jnp.zeros((n, f), jnp.float32))


def _tc_prep(dw, xw):
    r = dw.shape[0]
    rb = r // _GRID

    def body(d_ref, x_ref, dis_ref, u1_ref):
        dis = lax.rsqrt(d_ref[...] + 1.0)
        dis_ref[...] = dis
        u1_ref[...] = x_ref[...] * dis

    return pl.pallas_call(
        body,
        grid=(_GRID,),
        in_specs=[pl.BlockSpec((rb, 128), lambda i: (i, 0))] * 2,
        out_specs=[pl.BlockSpec((rb, 128), lambda i: (i, 0))] * 2,
        out_shape=[jax.ShapeDtypeStruct((r, 128), jnp.float32)] * 2,
    )(dw, xw)


def _tc_layer(a0w, a1w, uw, dis16w, bigW, biasw):
    r = a0w.shape[0]
    rb = r // _GRID

    def body(a0_ref, a1_ref, u_ref, dis_ref, w_ref, b_ref, o_ref):
        dis = dis_ref[...]
        t = dis * (a0_ref[...] + a1_ref[...] + u_ref[...])
        h = jnp.maximum(
            lax.dot_general(t, w_ref[...], (((1,), (0,)), ((), ())),
                            preferred_element_type=jnp.float32) + b_ref[...],
            0.0)
        o_ref[...] = h * dis

    return pl.pallas_call(
        body,
        grid=(_GRID,),
        in_specs=[
            pl.BlockSpec((rb, 128), lambda i: (i, 0)),
            pl.BlockSpec((rb, 128), lambda i: (i, 0)),
            pl.BlockSpec((rb, 128), lambda i: (i, 0)),
            pl.BlockSpec((rb, 128), lambda i: (i, 0)),
            pl.BlockSpec((128, 128), lambda i: (0, 0)),
            pl.BlockSpec((1, 128), lambda i: (0, 0)),
        ],
        out_specs=pl.BlockSpec((rb, 128), lambda i: (i, 0)),
        out_shape=jax.ShapeDtypeStruct((r, 128), jnp.float32),
    )(a0w, a1w, uw, dis16w, bigW, biasw)


def _tc_final(a0w, a1w, u2w, dis16w, bigW, biasw, bat8, efold,
              f1W, f1b, f2W, f2b):
    r = a0w.shape[0]
    rb = r // _GRID

    def body(a0_ref, a1_ref, u_ref, dis_ref, w_ref, b_ref, bat_ref,
             ef_ref, f1w_ref, f1b_ref, f2w_ref, f2b_ref, out_ref,
             pooled, cnts):
        i = pl.program_id(0)

        @pl.when(i == 0)
        def _init():
            pooled[...] = jnp.zeros_like(pooled)
            cnts[...] = jnp.zeros_like(cnts)

        dis = dis_ref[...]
        t = dis * (a0_ref[...] + a1_ref[...] + u_ref[...])
        h2 = jnp.maximum(
            lax.dot_general(t, w_ref[...], (((1,), (0,)), ((), ())),
                            preferred_element_type=jnp.float32) + b_ref[...],
            0.0)
        h2 = jnp.where(jnp.abs(h2) < 1e30, h2, 0.0)

        gcol = lax.broadcasted_iota(jnp.int32, (_G, rb), 0)
        slot = lax.broadcasted_iota(jnp.int32, (_G, 128), 1) // _H
        ones = jnp.ones((rb, 128), jnp.float32)
        psum = jnp.zeros((_G, 128), jnp.float32)
        csum = jnp.zeros((_G, 128), jnp.float32)
        for a in range(8):
            ba = bat_ref[a:a + 1, :]
            oh = (jnp.broadcast_to(ba, (_G, rb)) == gcol).astype(jnp.float32)
            m = (slot == a).astype(jnp.float32)
            psum += lax.dot_general(oh, h2, (((1,), (0,)), ((), ())),
                                    preferred_element_type=jnp.float32) * m
            csum += lax.dot_general(oh, ones, (((1,), (0,)), ((), ())),
                                    preferred_element_type=jnp.float32) * m

        ef = ef_ref[...]
        pooled[...] += lax.dot_general(psum, ef, (((1,), (0,)), ((), ())),
                                       preferred_element_type=jnp.float32)
        cnts[...] += lax.dot_general(csum, ef, (((1,), (0,)), ((), ())),
                                     preferred_element_type=jnp.float32)

        @pl.when(i == pl.num_programs(0) - 1)
        def _fin():
            mean = pooled[...] / jnp.maximum(cnts[...], 1.0)
            hm = jnp.maximum(
                lax.dot_general(mean, f1w_ref[...], (((1,), (0,)), ((), ())),
                                preferred_element_type=jnp.float32)
                + f1b_ref[...], 0.0)
            out_ref[...] = lax.dot_general(
                hm, f2w_ref[...], (((1,), (0,)), ((), ())),
                preferred_element_type=jnp.float32) + f2b_ref[...]

    return pl.pallas_call(
        body,
        grid=(_GRID,),
        in_specs=[
            pl.BlockSpec((rb, 128), lambda i: (i, 0)),
            pl.BlockSpec((rb, 128), lambda i: (i, 0)),
            pl.BlockSpec((rb, 128), lambda i: (i, 0)),
            pl.BlockSpec((rb, 128), lambda i: (i, 0)),
            pl.BlockSpec((128, 128), lambda i: (0, 0)),
            pl.BlockSpec((1, 128), lambda i: (0, 0)),
            pl.BlockSpec((8, rb), lambda i: (0, i)),
            pl.BlockSpec((128, _H), lambda i: (0, 0)),
            pl.BlockSpec((_H, _H), lambda i: (0, 0)),
            pl.BlockSpec((1, _H), lambda i: (0, 0)),
            pl.BlockSpec((_H, 1), lambda i: (0, 0)),
            pl.BlockSpec((1, 1), lambda i: (0, 0)),
        ],
        out_specs=pl.BlockSpec((_G, 1), lambda i: (0, 0)),
        out_shape=jax.ShapeDtypeStruct((_G, 1), jnp.float32),
        scratch_shapes=[
            pltpu.VMEM((_G, _H), jnp.float32),
            pltpu.VMEM((_G, _H), jnp.float32),
        ],
    )(a0w, a1w, u2w, dis16w, bigW, biasw, bat8, efold, f1W, f1b, f2W, f2b)


def _widen16(v, npad):
    return jnp.broadcast_to(v[:, None], (npad, _H)).reshape(npad // 8, 128)


def _blockdiag(W, b):
    Wp = jnp.zeros((_H, _H), jnp.float32).at[:W.shape[0], :].set(W)
    bigW = jnp.kron(jnp.eye(8, dtype=jnp.float32), Wp)
    biasw = jnp.tile(b, 8).reshape(1, 128)
    return bigW, biasw


def kernel(x, edge_index, batch, W1, b1, W2, b2, fc1_W, fc1_b, fc2_W, fc2_b):
    n = x.shape[0]
    e = edge_index.shape[1]
    npad = ((n + 1023) // 1024) * 1024
    r = npad // 8

    ei3 = edge_index.reshape(2, e // _CH, _CH)

    degp = _sc_degree(ei3, n, npad)
    dw = _widen16(degp[0, 0] + degp[1, 0], npad)
    xw = jnp.pad(x, ((0, npad - n), (0, _H - x.shape[1]))).reshape(r, 128)
    dis16w, u1w = _tc_prep(dw, xw)

    agg1 = _sc_scatter(ei3, u1w.reshape(npad, _H), n)
    bigW1, b1w = _blockdiag(W1, b1)
    u2w = _tc_layer(agg1[0].reshape(r, 128), agg1[1].reshape(r, 128),
                    u1w, dis16w, bigW1, b1w)

    agg2 = _sc_scatter(ei3, u2w.reshape(npad, _H), n)
    bigW2, b2w = _blockdiag(W2, b2)
    batp = jnp.pad(batch, (0, npad - n), constant_values=_G + 1)
    bat8 = batp.reshape(r, 8).T
    efold = (jnp.arange(128)[:, None] % _H ==
             jnp.arange(_H)[None, :]).astype(jnp.float32)
    out = _tc_final(agg2[0].reshape(r, 128), agg2[1].reshape(r, 128),
                    u2w, dis16w, bigW2, b2w, bat8, efold,
                    fc1_W, fc1_b.reshape(1, -1), fc2_W, fc2_b.reshape(1, 1))
    return out

# --- scband reference (transcript-rebuilt; emitter-appended) ---
"""Pipeline reference for scband-gnn-73787538145803 (READ-ONLY COPY).

The authoritative reference and input builder live on the scoring server;
editing this copy changes nothing except your own understanding.
"""

import jax, jax.numpy as jnp
import numpy as np

N = 100000
E = 3200000
H = 16
G = 64

def setup_inputs(seed: int = 0) -> dict:
    key = jax.random.key(seed)
    ks = jax.random.split(key, 12)
    x = jax.random.normal(ks[0], (N, 2), jnp.float32)
    edge_index = jax.random.randint(ks[1], (2, E), 0, N, jnp.int32)
    batch = jnp.sort(jax.random.randint(ks[2], (N,), 0, G, jnp.int32))
    W1 = jax.random.normal(ks[3], (2, H), jnp.float32) * (1.0 / np.sqrt(2))
    b1 = jnp.zeros((H,), jnp.float32)
    W2 = jax.random.normal(ks[4], (H, H), jnp.float32) * (1.0 / np.sqrt(H))
    b2 = jnp.zeros((H,), jnp.float32)
    fc1_W = jax.random.normal(ks[5], (H, H), jnp.float32) * (1.0 / np.sqrt(H))
    fc1_b = jnp.zeros((H,), jnp.float32)
    fc2_W = jax.random.normal(ks[6], (H, 1), jnp.float32) * (1.0 / np.sqrt(H))
    fc2_b = jnp.zeros((1,), jnp.float32)
    return {"x": x, "edge_index": edge_index, "batch": batch, "W1": W1, "b1": b1, "W2": W2, "b2": b2, "fc1_W": fc1_W, "fc1_b": fc1_b, "fc2_W": fc2_W, "fc2_b": fc2_b}

def _gcn_conv(x, row, col, W, b):
    # PyG GCNConv: h = x @ W; symmetric normalization with self-loops; aggregate-sum at dst; add bias
    deg = jax.ops.segment_sum(jnp.ones_like(row, dtype=x.dtype), col, num_segments=N)
    dis = jnp.where(deg > 0, jax.lax.rsqrt(jnp.maximum(deg, 1e-12)), 0.0)
    norm = dis[row] * dis[col]
    h = x @ W
    msg = h[row] * norm[:, None]
    out = jax.ops.segment_sum(msg, col, num_segments=N)
    return out + b

def reference(x, edge_index, batch, W1, b1, W2, b2, fc1_W, fc1_b, fc2_W, fc2_b):
    loops = jnp.arange(N, dtype=edge_index.dtype)
    row = jnp.concatenate([edge_index[0], loops])
    col = jnp.concatenate([edge_index[1], loops])
    h = jax.nn.relu(_gcn_conv(x, row, col, W1, b1))
    h = jax.nn.relu(_gcn_conv(h, row, col, W2, b2))
    # global_mean_pool over batch assignment
    sums = jax.ops.segment_sum(h, batch, num_segments=G)
    cnts = jax.ops.segment_sum(jnp.ones((N,), h.dtype), batch, num_segments=G)
    pooled = sums / jnp.maximum(cnts, 1.0)[:, None]
    h = jax.nn.relu(pooled @ fc1_W + fc1_b)
    out = h @ fc2_W + fc2_b
    return out

if __name__ == "__main__":
    import jax
    _d = setup_inputs()
    print(jax.jit(kernel)(*tuple(_d.values())))

</pallas_src>

<mosaic_0001>
#map = affine_map<(d0, d1) -> (0, 0, 0)>
#map1 = affine_map<(d0, d1) -> (0, 0)>
module attributes {stable_mosaic.version = 14 : i64} {
  func.func @scat_kernel(%arg0: i32, %arg1: i32, %arg2: memref<2x12500x256xi32, #tpu.memory_space<hbm>>, %arg3: memref<100352x16xf32, #tpu.memory_space<hbm>>, %arg4: memref<100000x16xf32, #tpu.memory_space<hbm>>, %arg5: memref<2x100352x16xf32, #tpu.memory_space<hbm>>, %arg6: memref<4x256xi32, #tpu.memory_space<vmem>>, %arg7: memref<4x256xi32, #tpu.memory_space<vmem>>, %arg8: memref<4x256xi32, #tpu.memory_space<vmem>>, %arg9: memref<4x256xi32, #tpu.memory_space<vmem>>, %arg10: memref<512x16xf32, #tpu.memory_space<vmem>>, %arg11: memref<512x16xf32, #tpu.memory_space<vmem>>, %arg12: memref<100000x16xf32, #tpu.memory_space<vmem_shared>>, %arg13: memref<!tpu.dma_semaphore, #tpu.memory_space<semaphore_mem>>, %arg14: memref<!tpu.dma_semaphore, #tpu.memory_space<semaphore_mem>>, %arg15: memref<!tpu.dma_semaphore, #tpu.memory_space<semaphore_mem>>, %arg16: memref<!tpu.dma_semaphore, #tpu.memory_space<semaphore_mem>>) attributes {dimension_semantics = [#tpu.dimension_semantics<core_parallel>, #tpu.dimension_semantics<subcore_parallel>], iteration_bounds = array<i64: 2, 16>, scalar_prefetch = 0 : i64, scratch_operands = 11 : i64, tpu.core_type = #tpu.core_type<sc_vector_subcore>, window_params = [{transform_indices = #map}, {transform_indices = #map1}, {transform_indices = #map1}, {transform_indices = #map}]} {
    %mul3A = arith.constant 16 : i32
    %mul3A_0 = arith.muli %arg0, %mul3A : i32
    %add3A = arith.addi %mul3A_0, %arg1 : i32
    %eq3A = arith.constant 0 : i32
    %eq3A_1 = arith.cmpi eq, %arg1, %eq3A : i32
    %convert_element_type3A = arith.extui %eq3A_1 : i1 to i32
    %cond3A = arith.constant 0 : i32
    %cond3A_2 = arith.cmpi ne, %convert_element_type3A, %cond3A : i32
    scf.if %cond3A_2 {
      "tpu.region"() ({
        %run_scoped3A = tpu.sem_alloc : memref<!tpu.dma_semaphore, #tpu.memory_space<semaphore_mem>>
        tpu.enqueue_dma source(%arg4 : memref<100000x16xf32, #tpu.memory_space<hbm>>) target(%arg12 : memref<100000x16xf32, #tpu.memory_space<vmem_shared>>) target_semaphore(%run_scoped3A : memref<!tpu.dma_semaphore, #tpu.memory_space<semaphore_mem>>)
        tpu.wait_dma2 semaphore(%run_scoped3A : memref<!tpu.dma_semaphore, #tpu.memory_space<semaphore_mem>>) src(%arg4 : memref<100000x16xf32, #tpu.memory_space<hbm>>) dst(%arg12 : memref<100000x16xf32, #tpu.memory_space<vmem_shared>>)
        tpu.yield
      }) : () -> ()
    } else {
    }
    %barrier3A = arith.constant 0 : index
    tpu.barrier barrier_id(%barrier3A)
    %scan3A = arith.constant 0 : i32
    %scan3A_3 = arith.constant 0 : i32
    %scan3A_4 = arith.constant 1 : i32
    %scan3A_5 = arith.constant 0 : i32
    %scan3A_6 = arith.constant 49 : i32
    %scan3A_7 = arith.addi %scan3A_5, %scan3A_6 : i32
    %scan3A_8 = arith.constant 1 : i32
    scf.for %scan3A_29 = %scan3A_5 to %scan3A_7 step %scan3A_8  : i32 {
      %mul3A_30 = arith.constant 2 : i32
      %mul3A_31 = arith.muli %mul3A_30, %scan3A_29 : i32
      %mul3A_32 = arith.constant 32 : i32
      %mul3A_33 = arith.muli %mul3A_31, %mul3A_32 : i32
      %add3A_34 = arith.addi %mul3A_33, %add3A : i32
      %add3A_35 = arith.constant 32 : i32
      %add3A_36 = arith.addi %add3A_34, %add3A_35 : i32
      %sub3A_37 = arith.constant 64 : i32
      %sub3A_38 = arith.subi %add3A_36, %sub3A_37 : i32
      %ge3A = arith.constant 0 : i32
      %ge3A_39 = arith.cmpi sge, %sub3A_38, %ge3A : i32
      %lt3A_40 = arith.constant 3125 : i32
      %lt3A_41 = arith.cmpi slt, %sub3A_38, %lt3A_40 : i32
      %and3A_42 = arith.andi %ge3A_39, %lt3A_41 : i1
      %lt3A_43 = arith.constant 3125 : i32
      %lt3A_44 = arith.cmpi slt, %add3A_34, %lt3A_43 : i32
      %lt3A_45 = arith.constant 3125 : i32
      %lt3A_46 = arith.cmpi slt, %add3A_36, %lt3A_45 : i32
      %convert_element_type3A_47 = arith.extui %and3A_42 : i1 to i32
      %cond3A_48 = arith.constant 0 : i32
      %cond3A_49 = arith.cmpi ne, %convert_element_type3A_47, %cond3A_48 : i32
      scf.if %cond3A_49 {
        %dma_wait3A = arith.constant 0 : i32
        %dma_wait3A_68 = arith.constant 0 : i32
        %dma_wait3A_69 = arith.constant 0 : i32
        %dma_wait3A_70 = tpu.memref_slice %arg10[%dma_wait3A_68, %dma_wait3A_69] : memref<512x16xf32, #tpu.memory_space<vmem>> -> memref<256x16xf32, #tpu.memory_space<vmem>>
        %dma_wait3A_71 = arith.constant 0 : i32
        %dma_wait3A_72 = tpu.memref_slice %arg9[%dma_wait3A, %dma_wait3A_71] : memref<4x256xi32, #tpu.memory_space<vmem>> -> memref<1x256xi32, #tpu.memory_space<vmem>>
        %dma_wait3A_73 = tpu.memref_squeeze %dma_wait3A_72 : memref<1x256xi32, #tpu.memory_space<vmem>> -> memref<256xi32, #tpu.memory_space<vmem>>
        %dma_wait3A_74 = arith.constant 0 : i32
        %dma_wait3A_75 = arith.constant 0 : i32
        %dma_wait3A_76 = tpu.memref_slice %arg12[%dma_wait3A_74, %dma_wait3A_75] : memref<100000x16xf32, #tpu.memory_space<vmem_shared>> -> memref<100000x16xf32, #tpu.memory_space<vmem_shared>>
        tpu.wait_indirect_dma semaphore(%arg15 : memref<!tpu.dma_semaphore, #tpu.memory_space<semaphore_mem>>) src(%dma_wait3A_70 : memref<256x16xf32, #tpu.memory_space<vmem>>) dst(%dma_wait3A_76 : memref<100000x16xf32, #tpu.memory_space<vmem_shared>>)
        %dma_wait3A_77 = arith.constant 1 : i32
        %dma_wait3A_78 = arith.constant 256 : i32
        %dma_wait3A_79 = arith.constant 0 : i32
        %dma_wait3A_80 = tpu.memref_slice %arg10[%dma_wait3A_78, %dma_wait3A_79] : memref<512x16xf32, #tpu.memory_space<vmem>> -> memref<256x16xf32, #tpu.memory_space<vmem>>
        %dma_wait3A_81 = arith.constant 0 : i32
        %dma_wait3A_82 = tpu.memref_slice %arg9[%dma_wait3A_77, %dma_wait3A_81] : memref<4x256xi32, #tpu.memory_space<vmem>> -> memref<1x256xi32, #tpu.memory_space<vmem>>
        %dma_wait3A_83 = tpu.memref_squeeze %dma_wait3A_82 : memref<1x256xi32, #tpu.memory_space<vmem>> -> memref<256xi32, #tpu.memory_space<vmem>>
        %dma_wait3A_84 = arith.constant 0 : i32
        %dma_wait3A_85 = arith.constant 0 : i32
        %dma_wait3A_86 = tpu.memref_slice %arg12[%dma_wait3A_84, %dma_wait3A_85] : memref<100000x16xf32, #tpu.memory_space<vmem_shared>> -> memref<100000x16xf32, #tpu.memory_space<vmem_shared>>
        tpu.wait_indirect_dma semaphore(%arg15 : memref<!tpu.dma_semaphore, #tpu.memory_space<semaphore_mem>>) src(%dma_wait3A_80 : memref<256x16xf32, #tpu.memory_space<vmem>>) dst(%dma_wait3A_86 : memref<100000x16xf32, #tpu.memory_space<vmem_shared>>)
      } else {
      }
      %convert_element_type3A_50 = arith.extui %lt3A_44 : i1 to i32
      %cond3A_51 = arith.constant 0 : i32
      %cond3A_52 = arith.cmpi ne, %convert_element_type3A_50, %cond3A_51 : i32
      scf.if %cond3A_52 {
        %mul3A_68 = arith.constant 4 : i32
        %mul3A_69 = arith.muli %add3A_34, %mul3A_68 : i32
        "tpu.region"() ({
          %run_scoped3A = tpu.sem_alloc : memref<!tpu.dma_semaphore, #tpu.memory_space<semaphore_mem>>
          %dma_start3A_91 = arith.constant 0 : i32
          %dma_start3A_92 = arith.constant 0 : i32
          %dma_start3A_93 = tpu.memref_slice %arg2[%scan3A_3, %dma_start3A_91, %dma_start3A_92] : memref<2x12500x256xi32, #tpu.memory_space<hbm>> -> memref<1x12500x256xi32, #tpu.memory_space<hbm>>
          %dma_start3A_94 = tpu.memref_squeeze %dma_start3A_93 : memref<1x12500x256xi32, #tpu.memory_space<hbm>> -> memref<12500x256xi32, #tpu.memory_space<hbm>>
          %dma_start3A_95 = arith.constant 0 : i32
          %dma_start3A_96 = tpu.memref_slice %dma_start3A_94[%mul3A_69, %dma_start3A_95] : memref<12500x256xi32, #tpu.memory_space<hbm>> -> memref<4x256xi32, #tpu.memory_space<hbm>>
          %dma_start3A_97 = arith.constant 0 : i32
          %dma_start3A_98 = arith.constant 0 : i32
          %dma_start3A_99 = tpu.memref_slice %arg2[%scan3A_3, %dma_start3A_97, %dma_start3A_98] : memref<2x12500x256xi32, #tpu.memory_space<hbm>> -> memref<1x12500x256xi32, #tpu.memory_space<hbm>>
          %dma_start3A_100 = tpu.memref_squeeze %dma_start3A_99 : memref<1x12500x256xi32, #tpu.memory_space<hbm>> -> memref<12500x256xi32, #tpu.memory_space<hbm>>
          %dma_start3A_101 = arith.constant 0 : i32
          %dma_start3A_102 = tpu.memref_slice %dma_start3A_100[%mul3A_69, %dma_start3A_101] : memref<12500x256xi32, #tpu.memory_space<hbm>> -> memref<4x256xi32, #tpu.memory_space<hbm>>
          tpu.enqueue_dma source(%dma_start3A_102 : memref<4x256xi32, #tpu.memory_space<hbm>>) target(%arg6 : memref<4x256xi32, #tpu.memory_space<vmem>>) target_semaphore(%run_scoped3A : memref<!tpu.dma_semaphore, #tpu.memory_space<semaphore_mem>>)
          %dma_wait3A = arith.constant 0 : i32
          %dma_wait3A_103 = arith.constant 0 : i32
          %dma_wait3A_104 = tpu.memref_slice %arg2[%scan3A_3, %dma_wait3A, %dma_wait3A_103] : memref<2x12500x256xi32, #tpu.memory_space<hbm>> -> memref<1x12500x256xi32, #tpu.memory_space<hbm>>
          %dma_wait3A_105 = tpu.memref_squeeze %dma_wait3A_104 : memref<1x12500x256xi32, #tpu.memory_space<hbm>> -> memref<12500x256xi32, #tpu.memory_space<hbm>>
          %dma_wait3A_106 = arith.constant 0 : i32
          %dma_wait3A_107 = tpu.memref_slice %dma_wait3A_105[%mul3A_69, %dma_wait3A_106] : memref<12500x256xi32, #tpu.memory_space<hbm>> -> memref<4x256xi32, #tpu.memory_space<hbm>>
          %dma_wait3A_108 = arith.constant 0 : i32
          %dma_wait3A_109 = arith.constant 0 : i32
          %dma_wait3A_110 = tpu.memref_slice %arg2[%scan3A_3, %dma_wait3A_108, %dma_wait3A_109] : memref<2x12500x256xi32, #tpu.memory_space<hbm>> -> memref<1x12500x256xi32, #tpu.memory_space<hbm>>
          %dma_wait3A_111 = tpu.memref_squeeze %dma_wait3A_110 : memref<1x12500x256xi32, #tpu.memory_space<hbm>> -> memref<12500x256xi32, #tpu.memory_space<hbm>>
          %dma_wait3A_112 = arith.constant 0 : i32
          %dma_wait3A_113 = tpu.memref_slice %dma_wait3A_111[%mul3A_69, %dma_wait3A_112] : memref<12500x256xi32, #tpu.memory_space<hbm>> -> memref<4x256xi32, #tpu.memory_space<hbm>>
          tpu.wait_dma2 semaphore(%run_scoped3A : memref<!tpu.dma_semaphore, #tpu.memory_space<semaphore_mem>>) src(%dma_wait3A_113 : memref<4x256xi32, #tpu.memory_space<hbm>>) dst(%arg6 : memref<4x256xi32, #tpu.memory_space<vmem>>)
          tpu.yield
        }) : () -> ()
        %mul3A_70 = arith.constant 4 : i32
        %mul3A_71 = arith.muli %add3A_34, %mul3A_70 : i32
        "tpu.region"() ({
          %run_scoped3A = tpu.sem_alloc : memref<!tpu.dma_semaphore, #tpu.memory_space<semaphore_mem>>
          %dma_start3A_91 = arith.constant 0 : i32
          %dma_start3A_92 = arith.constant 0 : i32
          %dma_start3A_93 = tpu.memref_slice %arg2[%scan3A_4, %dma_start3A_91, %dma_start3A_92] : memref<2x12500x256xi32, #tpu.memory_space<hbm>> -> memref<1x12500x256xi32, #tpu.memory_space<hbm>>
          %dma_start3A_94 = tpu.memref_squeeze %dma_start3A_93 : memref<1x12500x256xi32, #tpu.memory_space<hbm>> -> memref<12500x256xi32, #tpu.memory_space<hbm>>
          %dma_start3A_95 = arith.constant 0 : i32
          %dma_start3A_96 = tpu.memref_slice %dma_start3A_94[%mul3A_71, %dma_start3A_95] : memref<12500x256xi32, #tpu.memory_space<hbm>> -> memref<4x256xi32, #tpu.memory_space<hbm>>
          %dma_start3A_97 = arith.constant 0 : i32
          %dma_start3A_98 = arith.constant 0 : i32
          %dma_start3A_99 = tpu.memref_slice %arg2[%scan3A_4, %dma_start3A_97, %dma_start3A_98] : memref<2x12500x256xi32, #tpu.memory_space<hbm>> -> memref<1x12500x256xi32, #tpu.memory_space<hbm>>
          %dma_start3A_100 = tpu.memref_squeeze %dma_start3A_99 : memref<1x12500x256xi32, #tpu.memory_space<hbm>> -> memref<12500x256xi32, #tpu.memory_space<hbm>>
          %dma_start3A_101 = arith.constant 0 : i32
          %dma_start3A_102 = tpu.memref_slice %dma_start3A_100[%mul3A_71, %dma_start3A_101] : memref<12500x256xi32, #tpu.memory_space<hbm>> -> memref<4x256xi32, #tpu.memory_space<hbm>>
          tpu.enqueue_dma source(%dma_start3A_102 : memref<4x256xi32, #tpu.memory_space<hbm>>) target(%arg7 : memref<4x256xi32, #tpu.memory_space<vmem>>) target_semaphore(%run_scoped3A : memref<!tpu.dma_semaphore, #tpu.memory_space<semaphore_mem>>)
          %dma_wait3A = arith.constant 0 : i32
          %dma_wait3A_103 = arith.constant 0 : i32
          %dma_wait3A_104 = tpu.memref_slice %arg2[%scan3A_4, %dma_wait3A, %dma_wait3A_103] : memref<2x12500x256xi32, #tpu.memory_space<hbm>> -> memref<1x12500x256xi32, #tpu.memory_space<hbm>>
          %dma_wait3A_105 = tpu.memref_squeeze %dma_wait3A_104 : memref<1x12500x256xi32, #tpu.memory_space<hbm>> -> memref<12500x256xi32, #tpu.memory_space<hbm>>
          %dma_wait3A_106 = arith.constant 0 : i32
          %dma_wait3A_107 = tpu.memref_slice %dma_wait3A_105[%mul3A_71, %dma_wait3A_106] : memref<12500x256xi32, #tpu.memory_space<hbm>> -> memref<4x256xi32, #tpu.memory_space<hbm>>
          %dma_wait3A_108 = arith.constant 0 : i32
          %dma_wait3A_109 = arith.constant 0 : i32
          %dma_wait3A_110 = tpu.memref_slice %arg2[%scan3A_4, %dma_wait3A_108, %dma_wait3A_109] : memref<2x12500x256xi32, #tpu.memory_space<hbm>> -> memref<1x12500x256xi32, #tpu.memory_space<hbm>>
          %dma_wait3A_111 = tpu.memref_squeeze %dma_wait3A_110 : memref<1x12500x256xi32, #tpu.memory_space<hbm>> -> memref<12500x256xi32, #tpu.memory_space<hbm>>
          %dma_wait3A_112 = arith.constant 0 : i32
          %dma_wait3A_113 = tpu.memref_slice %dma_wait3A_111[%mul3A_71, %dma_wait3A_112] : memref<12500x256xi32, #tpu.memory_space<hbm>> -> memref<4x256xi32, #tpu.memory_space<hbm>>
          tpu.wait_dma2 semaphore(%run_scoped3A : memref<!tpu.dma_semaphore, #tpu.memory_space<semaphore_mem>>) src(%dma_wait3A_113 : memref<4x256xi32, #tpu.memory_space<hbm>>) dst(%arg7 : memref<4x256xi32, #tpu.memory_space<vmem>>)
          tpu.yield
        }) : () -> ()
        %dma_start3A = arith.constant 0 : i32
        %dma_start3A_72 = arith.constant 0 : i32
        %dma_start3A_73 = arith.constant 0 : i32
        %dma_start3A_74 = tpu.memref_slice %arg10[%dma_start3A_72, %dma_start3A_73] : memref<512x16xf32, #tpu.memory_space<vmem>> -> memref<256x16xf32, #tpu.memory_space<vmem>>
        %dma_start3A_75 = arith.constant 0 : i32
        %dma_start3A_76 = tpu.memref_slice %arg6[%dma_start3A, %dma_start3A_75] : memref<4x256xi32, #tpu.memory_space<vmem>> -> memref<1x256xi32, #tpu.memory_space<vmem>>
        %dma_start3A_77 = tpu.memref_squeeze %dma_start3A_76 : memref<1x256xi32, #tpu.memory_space<vmem>> -> memref<256xi32, #tpu.memory_space<vmem>>
        %dma_start3A_78 = arith.constant 0 : i32
        %dma_start3A_79 = arith.constant 0 : i32
        %dma_start3A_80 = tpu.memref_slice %arg3[%dma_start3A_78, %dma_start3A_79] : memref<100352x16xf32, #tpu.memory_space<hbm>> -> memref<100352x16xf32, #tpu.memory_space<hbm>>
        tpu.enqueue_indirect_dma source(%dma_start3A_80 : memref<100352x16xf32, #tpu.memory_space<hbm>>) target(%dma_start3A_74 : memref<256x16xf32, #tpu.memory_space<vmem>>) offsets(%dma_start3A_77 : memref<256xi32, #tpu.memory_space<vmem>>) semaphore(%arg13 : memref<!tpu.dma_semaphore, #tpu.memory_space<semaphore_mem>>)
        %dma_start3A_81 = arith.constant 1 : i32
        %dma_start3A_82 = arith.constant 256 : i32
        %dma_start3A_83 = arith.constant 0 : i32
        %dma_start3A_84 = tpu.memref_slice %arg10[%dma_start3A_82, %dma_start3A_83] : memref<512x16xf32, #tpu.memory_space<vmem>> -> memref<256x16xf32, #tpu.memory_space<vmem>>
        %dma_start3A_85 = arith.constant 0 : i32
        %dma_start3A_86 = tpu.memref_slice %arg6[%dma_start3A_81, %dma_start3A_85] : memref<4x256xi32, #tpu.memory_space<vmem>> -> memref<1x256xi32, #tpu.memory_space<vmem>>
        %dma_start3A_87 = tpu.memref_squeeze %dma_start3A_86 : memref<1x256xi32, #tpu.memory_space<vmem>> -> memref<256xi32, #tpu.memory_space<vmem>>
        %dma_start3A_88 = arith.constant 0 : i32
        %dma_start3A_89 = arith.constant 0 : i32
        %dma_start3A_90 = tpu.memref_slice %arg3[%dma_start3A_88, %dma_start3A_89] : memref<100352x16xf32, #tpu.memory_space<hbm>> -> memref<100352x16xf32, #tpu.memory_space<hbm>>
        tpu.enqueue_indirect_dma source(%dma_start3A_90 : memref<100352x16xf32, #tpu.memory_space<hbm>>) target(%dma_start3A_84 : memref<256x16xf32, #tpu.memory_space<vmem>>) offsets(%dma_start3A_87 : memref<256xi32, #tpu.memory_space<vmem>>) semaphore(%arg13 : memref<!tpu.dma_semaphore, #tpu.memory_space<semaphore_mem>>)
      } else {
      }
      %convert_element_type3A_53 = arith.extui %and3A_42 : i1 to i32
      %cond3A_54 = arith.constant 0 : i32
      %cond3A_55 = arith.cmpi ne, %convert_element_type3A_53, %cond3A_54 : i32
      scf.if %cond3A_55 {
        %dma_wait3A = arith.constant 2 : i32
        %dma_wait3A_68 = arith.constant 0 : i32
        %dma_wait3A_69 = arith.constant 0 : i32
        %dma_wait3A_70 = tpu.memref_slice %arg11[%dma_wait3A_68, %dma_wait3A_69] : memref<512x16xf32, #tpu.memory_space<vmem>> -> memref<256x16xf32, #tpu.memory_space<vmem>>
        %dma_wait3A_71 = arith.constant 0 : i32
        %dma_wait3A_72 = tpu.memref_slice %arg9[%dma_wait3A, %dma_wait3A_71] : memref<4x256xi32, #tpu.memory_space<vmem>> -> memref<1x256xi32, #tpu.memory_space<vmem>>
        %dma_wait3A_73 = tpu.memref_squeeze %dma_wait3A_72 : memref<1x256xi32, #tpu.memory_space<vmem>> -> memref<256xi32, #tpu.memory_space<vmem>>
        %dma_wait3A_74 = arith.constant 0 : i32
        %dma_wait3A_75 = arith.constant 0 : i32
        %dma_wait3A_76 = tpu.memref_slice %arg12[%dma_wait3A_74, %dma_wait3A_75] : memref<100000x16xf32, #tpu.memory_space<vmem_shared>> -> memref<100000x16xf32, #tpu.memory_space<vmem_shared>>
        tpu.wait_indirect_dma semaphore(%arg16 : memref<!tpu.dma_semaphore, #tpu.memory_space<semaphore_mem>>) src(%dma_wait3A_70 : memref<256x16xf32, #tpu.memory_space<vmem>>) dst(%dma_wait3A_76 : memref<100000x16xf32, #tpu.memory_space<vmem_shared>>)
        %dma_wait3A_77 = arith.constant 3 : i32
        %dma_wait3A_78 = arith.constant 256 : i32
        %dma_wait3A_79 = arith.constant 0 : i32
        %dma_wait3A_80 = tpu.memref_slice %arg11[%dma_wait3A_78, %dma_wait3A_79] : memref<512x16xf32, #tpu.memory_space<vmem>> -> memref<256x16xf32, #tpu.memory_space<vmem>>
        %dma_wait3A_81 = arith.constant 0 : i32
        %dma_wait3A_82 = tpu.memref_slice %arg9[%dma_wait3A_77, %dma_wait3A_81] : memref<4x256xi32, #tpu.memory_space<vmem>> -> memref<1x256xi32, #tpu.memory_space<vmem>>
        %dma_wait3A_83 = tpu.memref_squeeze %dma_wait3A_82 : memref<1x256xi32, #tpu.memory_space<vmem>> -> memref<256xi32, #tpu.memory_space<vmem>>
        %dma_wait3A_84 = arith.constant 0 : i32
        %dma_wait3A_85 = arith.constant 0 : i32
        %dma_wait3A_86 = tpu.memref_slice %arg12[%dma_wait3A_84, %dma_wait3A_85] : memref<100000x16xf32, #tpu.memory_space<vmem_shared>> -> memref<100000x16xf32, #tpu.memory_space<vmem_shared>>
        tpu.wait_indirect_dma semaphore(%arg16 : memref<!tpu.dma_semaphore, #tpu.memory_space<semaphore_mem>>) src(%dma_wait3A_80 : memref<256x16xf32, #tpu.memory_space<vmem>>) dst(%dma_wait3A_86 : memref<100000x16xf32, #tpu.memory_space<vmem_shared>>)
      } else {
      }
      %convert_element_type3A_56 = arith.extui %lt3A_44 : i1 to i32
      %cond3A_57 = arith.constant 0 : i32
      %cond3A_58 = arith.cmpi ne, %convert_element_type3A_56, %cond3A_57 : i32
      scf.if %cond3A_58 {
        %dma_start3A = arith.constant 2 : i32
        %dma_start3A_68 = arith.constant 0 : i32
        %dma_start3A_69 = arith.constant 0 : i32
        %dma_start3A_70 = tpu.memref_slice %arg11[%dma_start3A_68, %dma_start3A_69] : memref<512x16xf32, #tpu.memory_space<vmem>> -> memref<256x16xf32, #tpu.memory_space<vmem>>
        %dma_start3A_71 = arith.constant 0 : i32
        %dma_start3A_72 = tpu.memref_slice %arg6[%dma_start3A, %dma_start3A_71] : memref<4x256xi32, #tpu.memory_space<vmem>> -> memref<1x256xi32, #tpu.memory_space<vmem>>
        %dma_start3A_73 = tpu.memref_squeeze %dma_start3A_72 : memref<1x256xi32, #tpu.memory_space<vmem>> -> memref<256xi32, #tpu.memory_space<vmem>>
        %dma_start3A_74 = arith.constant 0 : i32
        %dma_start3A_75 = arith.constant 0 : i32
        %dma_start3A_76 = tpu.memref_slice %arg3[%dma_start3A_74, %dma_start3A_75] : memref<100352x16xf32, #tpu.memory_space<hbm>> -> memref<100352x16xf32, #tpu.memory_space<hbm>>
        tpu.enqueue_indirect_dma source(%dma_start3A_76 : memref<100352x16xf32, #tpu.memory_space<hbm>>) target(%dma_start3A_70 : memref<256x16xf32, #tpu.memory_space<vmem>>) offsets(%dma_start3A_73 : memref<256xi32, #tpu.memory_space<vmem>>) semaphore(%arg14 : memref<!tpu.dma_semaphore, #tpu.memory_space<semaphore_mem>>)
        %dma_start3A_77 = arith.constant 3 : i32
        %dma_start3A_78 = arith.constant 256 : i32
        %dma_start3A_79 = arith.constant 0 : i32
        %dma_start3A_80 = tpu.memref_slice %arg11[%dma_start3A_78, %dma_start3A_79] : memref<512x16xf32, #tpu.memory_space<vmem>> -> memref<256x16xf32, #tpu.memory_space<vmem>>
        %dma_start3A_81 = arith.constant 0 : i32
        %dma_start3A_82 = tpu.memref_slice %arg6[%dma_start3A_77, %dma_start3A_81] : memref<4x256xi32, #tpu.memory_space<vmem>> -> memref<1x256xi32, #tpu.memory_space<vmem>>
        %dma_start3A_83 = tpu.memref_squeeze %dma_start3A_82 : memref<1x256xi32, #tpu.memory_space<vmem>> -> memref<256xi32, #tpu.memory_space<vmem>>
        %dma_start3A_84 = arith.constant 0 : i32
        %dma_start3A_85 = arith.constant 0 : i32
        %dma_start3A_86 = tpu.memref_slice %arg3[%dma_start3A_84, %dma_start3A_85] : memref<100352x16xf32, #tpu.memory_space<hbm>> -> memref<100352x16xf32, #tpu.memory_space<hbm>>
        tpu.enqueue_indirect_dma source(%dma_start3A_86 : memref<100352x16xf32, #tpu.memory_space<hbm>>) target(%dma_start3A_80 : memref<256x16xf32, #tpu.memory_space<vmem>>) offsets(%dma_start3A_83 : memref<256xi32, #tpu.memory_space<vmem>>) semaphore(%arg14 : memref<!tpu.dma_semaphore, #tpu.memory_space<semaphore_mem>>)
        %dma_wait3A = arith.constant 0 : i32
        %dma_wait3A_87 = arith.constant 0 : i32
        %dma_wait3A_88 = arith.constant 0 : i32
        %dma_wait3A_89 = tpu.memref_slice %arg10[%dma_wait3A_87, %dma_wait3A_88] : memref<512x16xf32, #tpu.memory_space<vmem>> -> memref<256x16xf32, #tpu.memory_space<vmem>>
        %dma_wait3A_90 = arith.constant 0 : i32
        %dma_wait3A_91 = tpu.memref_slice %arg6[%dma_wait3A, %dma_wait3A_90] : memref<4x256xi32, #tpu.memory_space<vmem>> -> memref<1x256xi32, #tpu.memory_space<vmem>>
        %dma_wait3A_92 = tpu.memref_squeeze %dma_wait3A_91 : memref<1x256xi32, #tpu.memory_space<vmem>> -> memref<256xi32, #tpu.memory_space<vmem>>
        %dma_wait3A_93 = arith.constant 0 : i32
        %dma_wait3A_94 = arith.constant 0 : i32
        %dma_wait3A_95 = tpu.memref_slice %arg3[%dma_wait3A_93, %dma_wait3A_94] : memref<100352x16xf32, #tpu.memory_space<hbm>> -> memref<100352x16xf32, #tpu.memory_space<hbm>>
        tpu.wait_indirect_dma semaphore(%arg13 : memref<!tpu.dma_semaphore, #tpu.memory_space<semaphore_mem>>) src(%dma_wait3A_95 : memref<100352x16xf32, #tpu.memory_space<hbm>>) dst(%dma_wait3A_89 : memref<256x16xf32, #tpu.memory_space<vmem>>)
        %dma_wait3A_96 = arith.constant 1 : i32
        %dma_wait3A_97 = arith.constant 256 : i32
        %dma_wait3A_98 = arith.constant 0 : i32
        %dma_wait3A_99 = tpu.memref_slice %arg10[%dma_wait3A_97, %dma_wait3A_98] : memref<512x16xf32, #tpu.memory_space<vmem>> -> memref<256x16xf32, #tpu.memory_space<vmem>>
        %dma_wait3A_100 = arith.constant 0 : i32
        %dma_wait3A_101 = tpu.memref_slice %arg6[%dma_wait3A_96, %dma_wait3A_100] : memref<4x256xi32, #tpu.memory_space<vmem>> -> memref<1x256xi32, #tpu.memory_space<vmem>>
        %dma_wait3A_102 = tpu.memref_squeeze %dma_wait3A_101 : memref<1x256xi32, #tpu.memory_space<vmem>> -> memref<256xi32, #tpu.memory_space<vmem>>
        %dma_wait3A_103 = arith.constant 0 : i32
        %dma_wait3A_104 = arith.constant 0 : i32
        %dma_wait3A_105 = tpu.memref_slice %arg3[%dma_wait3A_103, %dma_wait3A_104] : memref<100352x16xf32, #tpu.memory_space<hbm>> -> memref<100352x16xf32, #tpu.memory_space<hbm>>
        tpu.wait_indirect_dma semaphore(%arg13 : memref<!tpu.dma_semaphore, #tpu.memory_space<semaphore_mem>>) src(%dma_wait3A_105 : memref<100352x16xf32, #tpu.memory_space<hbm>>) dst(%dma_wait3A_99 : memref<256x16xf32, #tpu.memory_space<vmem>>)
        %dma_start3A_106 = arith.constant 0 : i32
        %dma_start3A_107 = arith.constant 0 : i32
        %dma_start3A_108 = arith.constant 0 : i32
        %dma_start3A_109 = tpu.memref_slice %arg10[%dma_start3A_107, %dma_start3A_108] : memref<512x16xf32, #tpu.memory_space<vmem>> -> memref<256x16xf32, #tpu.memory_space<vmem>>
        %dma_start3A_110 = arith.constant 0 : i32
        %dma_start3A_111 = tpu.memref_slice %arg7[%dma_start3A_106, %dma_start3A_110] : memref<4x256xi32, #tpu.memory_space<vmem>> -> memref<1x256xi32, #tpu.memory_space<vmem>>
        %dma_start3A_112 = tpu.memref_squeeze %dma_start3A_111 : memref<1x256xi32, #tpu.memory_space<vmem>> -> memref<256xi32, #tpu.memory_space<vmem>>
        %dma_start3A_113 = arith.constant 0 : i32
        %dma_start3A_114 = arith.constant 0 : i32
        %dma_start3A_115 = tpu.memref_slice %arg12[%dma_start3A_113, %dma_start3A_114] : memref<100000x16xf32, #tpu.memory_space<vmem_shared>> -> memref<100000x16xf32, #tpu.memory_space<vmem_shared>>
        tpu.enqueue_indirect_dma source(%dma_start3A_109 : memref<256x16xf32, #tpu.memory_space<vmem>>) target(%dma_start3A_115 : memref<100000x16xf32, #tpu.memory_space<vmem_shared>>) offsets(%dma_start3A_112 : memref<256xi32, #tpu.memory_space<vmem>>) semaphore(%arg15 : memref<!tpu.dma_semaphore, #tpu.memory_space<semaphore_mem>>) {add = true}
        %dma_start3A_116 = arith.constant 1 : i32
        %dma_start3A_117 = arith.constant 256 : i32
        %dma_start3A_118 = arith.constant 0 : i32
        %dma_start3A_119 = tpu.memref_slice %arg10[%dma_start3A_117, %dma_start3A_118] : memref<512x16xf32, #tpu.memory_space<vmem>> -> memref<256x16xf32, #tpu.memory_space<vmem>>
        %dma_start3A_120 = arith.constant 0 : i32
        %dma_start3A_121 = tpu.memref_slice %arg7[%dma_start3A_116, %dma_start3A_120] : memref<4x256xi32, #tpu.memory_space<vmem>> -> memref<1x256xi32, #tpu.memory_space<vmem>>
        %dma_start3A_122 = tpu.memref_squeeze %dma_start3A_121 : memref<1x256xi32, #tpu.memory_space<vmem>> -> memref<256xi32, #tpu.memory_space<vmem>>
        %dma_start3A_123 = arith.constant 0 : i32
        %dma_start3A_124 = arith.constant 0 : i32
        %dma_start3A_125 = tpu.memref_slice %arg12[%dma_start3A_123, %dma_start3A_124] : memref<100000x16xf32, #tpu.memory_space<vmem_shared>> -> memref<100000x16xf32, #tpu.memory_space<vmem_shared>>
        tpu.enqueue_indirect_dma source(%dma_start3A_119 : memref<256x16xf32, #tpu.memory_space<vmem>>) target(%dma_start3A_125 : memref<100000x16xf32, #tpu.memory_space<vmem_shared>>) offsets(%dma_start3A_122 : memref<256xi32, #tpu.memory_space<vmem>>) semaphore(%arg15 : memref<!tpu.dma_semaphore, #tpu.memory_space<semaphore_mem>>) {add = true}
      } else {
      }
      %convert_element_type3A_59 = arith.extui %lt3A_46 : i1 to i32
      %cond3A_60 = arith.constant 0 : i32
      %cond3A_61 = arith.cmpi ne, %convert_element_type3A_59, %cond3A_60 : i32
      scf.if %cond3A_61 {
        %mul3A_68 = arith.constant 4 : i32
        %mul3A_69 = arith.muli %add3A_36, %mul3A_68 : i32
        "tpu.region"() ({
          %run_scoped3A = tpu.sem_alloc : memref<!tpu.dma_semaphore, #tpu.memory_space<semaphore_mem>>
          %dma_start3A = arith.constant 0 : i32
          %dma_start3A_72 = arith.constant 0 : i32
          %dma_start3A_73 = tpu.memref_slice %arg2[%scan3A_3, %dma_start3A, %dma_start3A_72] : memref<2x12500x256xi32, #tpu.memory_space<hbm>> -> memref<1x12500x256xi32, #tpu.memory_space<hbm>>
          %dma_start3A_74 = tpu.memref_squeeze %dma_start3A_73 : memref<1x12500x256xi32, #tpu.memory_space<hbm>> -> memref<12500x256xi32, #tpu.memory_space<hbm>>
          %dma_start3A_75 = arith.constant 0 : i32
          %dma_start3A_76 = tpu.memref_slice %dma_start3A_74[%mul3A_69, %dma_start3A_75] : memref<12500x256xi32, #tpu.memory_space<hbm>> -> memref<4x256xi32, #tpu.memory_space<hbm>>
          %dma_start3A_77 = arith.constant 0 : i32
          %dma_start3A_78 = arith.constant 0 : i32
          %dma_start3A_79 = tpu.memref_slice %arg2[%scan3A_3, %dma_start3A_77, %dma_start3A_78] : memref<2x12500x256xi32, #tpu.memory_space<hbm>> -> memref<1x12500x256xi32, #tpu.memory_space<hbm>>
          %dma_start3A_80 = tpu.memref_squeeze %dma_start3A_79 : memref<1x12500x256xi32, #tpu.memory_space<hbm>> -> memref<12500x256xi32, #tpu.memory_space<hbm>>
          %dma_start3A_81 = arith.constant 0 : i32
          %dma_start3A_82 = tpu.memref_slice %dma_start3A_80[%mul3A_69, %dma_start3A_81] : memref<12500x256xi32, #tpu.memory_space<hbm>> -> memref<4x256xi32, #tpu.memory_space<hbm>>
          tpu.enqueue_dma source(%dma_start3A_82 : memref<4x256xi32, #tpu.memory_space<hbm>>) target(%arg8 : memref<4x256xi32, #tpu.memory_space<vmem>>) target_semaphore(%run_scoped3A : memref<!tpu.dma_semaphore, #tpu.memory_space<semaphore_mem>>)
          %dma_wait3A = arith.constant 0 : i32
          %dma_wait3A_83 = arith.constant 0 : i32
          %dma_wait3A_84 = tpu.memref_slice %arg2[%scan3A_3, %dma_wait3A, %dma_wait3A_83] : memref<2x12500x256xi32, #tpu.memory_space<hbm>> -> memref<1x12500x256xi32, #tpu.memory_space<hbm>>
          %dma_wait3A_85 = tpu.memref_squeeze %dma_wait3A_84 : memref<1x12500x256xi32, #tpu.memory_space<hbm>> -> memref<12500x256xi32, #tpu.memory_space<hbm>>
          %dma_wait3A_86 = arith.constant 0 : i32
          %dma_wait3A_87 = tpu.memref_slice %dma_wait3A_85[%mul3A_69, %dma_wait3A_86] : memref<12500x256xi32, #tpu.memory_space<hbm>> -> memref<4x256xi32, #tpu.memory_space<hbm>>
          %dma_wait3A_88 = arith.constant 0 : i32
          %dma_wait3A_89 = arith.constant 0 : i32
          %dma_wait3A_90 = tpu.memref_slice %arg2[%scan3A_3, %dma_wait3A_88, %dma_wait3A_89] : memref<2x12500x256xi32, #tpu.memory_space<hbm>> -> memref<1x12500x256xi32, #tpu.memory_space<hbm>>
          %dma_wait3A_91 = tpu.memref_squeeze %dma_wait3A_90 : memref<1x12500x256xi32, #tpu.memory_space<hbm>> -> memref<12500x256xi32, #tpu.memory_space<hbm>>
          %dma_wait3A_92 = arith.constant 0 : i32
          %dma_wait3A_93 = tpu.memref_slice %dma_wait3A_91[%mul3A_69, %dma_wait3A_92] : memref<12500x256xi32, #tpu.memory_space<hbm>> -> memref<4x256xi32, #tpu.memory_space<hbm>>
          tpu.wait_dma2 semaphore(%run_scoped3A : memref<!tpu.dma_semaphore, #tpu.memory_space<semaphore_mem>>) src(%dma_wait3A_93 : memref<4x256xi32, #tpu.memory_space<hbm>>) dst(%arg8 : memref<4x256xi32, #tpu.memory_space<vmem>>)
          tpu.yield
        }) : () -> ()
        %mul3A_70 = arith.constant 4 : i32
        %mul3A_71 = arith.muli %add3A_36, %mul3A_70 : i32
        "tpu.region"() ({
          %run_scoped3A = tpu.sem_alloc : memref<!tpu.dma_semaphore, #tpu.memory_space<semaphore_mem>>
          %dma_start3A = arith.constant 0 : i32
          %dma_start3A_72 = arith.constant 0 : i32
          %dma_start3A_73 = tpu.memref_slice %arg2[%scan3A_4, %dma_start3A, %dma_start3A_72] : memref<2x12500x256xi32, #tpu.memory_space<hbm>> -> memref<1x12500x256xi32, #tpu.memory_space<hbm>>
          %dma_start3A_74 = tpu.memref_squeeze %dma_start3A_73 : memref<1x12500x256xi32, #tpu.memory_space<hbm>> -> memref<12500x256xi32, #tpu.memory_space<hbm>>
          %dma_start3A_75 = arith.constant 0 : i32
          %dma_start3A_76 = tpu.memref_slice %dma_start3A_74[%mul3A_71, %dma_start3A_75] : memref<12500x256xi32, #tpu.memory_space<hbm>> -> memref<4x256xi32, #tpu.memory_space<hbm>>
          %dma_start3A_77 = arith.constant 0 : i32
          %dma_start3A_78 = arith.constant 0 : i32
          %dma_start3A_79 = tpu.memref_slice %arg2[%scan3A_4, %dma_start3A_77, %dma_start3A_78] : memref<2x12500x256xi32, #tpu.memory_space<hbm>> -> memref<1x12500x256xi32, #tpu.memory_space<hbm>>
          %dma_start3A_80 = tpu.memref_squeeze %dma_start3A_79 : memref<1x12500x256xi32, #tpu.memory_space<hbm>> -> memref<12500x256xi32, #tpu.memory_space<hbm>>
          %dma_start3A_81 = arith.constant 0 : i32
          %dma_start3A_82 = tpu.memref_slice %dma_start3A_80[%mul3A_71, %dma_start3A_81] : memref<12500x256xi32, #tpu.memory_space<hbm>> -> memref<4x256xi32, #tpu.memory_space<hbm>>
          tpu.enqueue_dma source(%dma_start3A_82 : memref<4x256xi32, #tpu.memory_space<hbm>>) target(%arg9 : memref<4x256xi32, #tpu.memory_space<vmem>>) target_semaphore(%run_scoped3A : memref<!tpu.dma_semaphore, #tpu.memory_space<semaphore_mem>>)
          %dma_wait3A = arith.constant 0 : i32
          %dma_wait3A_83 = arith.constant 0 : i32
          %dma_wait3A_84 = tpu.memref_slice %arg2[%scan3A_4, %dma_wait3A, %dma_wait3A_83] : memref<2x12500x256xi32, #tpu.memory_space<hbm>> -> memref<1x12500x256xi32, #tpu.memory_space<hbm>>
          %dma_wait3A_85 = tpu.memref_squeeze %dma_wait3A_84 : memref<1x12500x256xi32, #tpu.memory_space<hbm>> -> memref<12500x256xi32, #tpu.memory_space<hbm>>
          %dma_wait3A_86 = arith.constant 0 : i32
          %dma_wait3A_87 = tpu.memref_slice %dma_wait3A_85[%mul3A_71, %dma_wait3A_86] : memref<12500x256xi32, #tpu.memory_space<hbm>> -> memref<4x256xi32, #tpu.memory_space<hbm>>
          %dma_wait3A_88 = arith.constant 0 : i32
          %dma_wait3A_89 = arith.constant 0 : i32
          %dma_wait3A_90 = tpu.memref_slice %arg2[%scan3A_4, %dma_wait3A_88, %dma_wait3A_89] : memref<2x12500x256xi32, #tpu.memory_space<hbm>> -> memref<1x12500x256xi32, #tpu.memory_space<hbm>>
          %dma_wait3A_91 = tpu.memref_squeeze %dma_wait3A_90 : memref<1x12500x256xi32, #tpu.memory_space<hbm>> -> memref<12500x256xi32, #tpu.memory_space<hbm>>
          %dma_wait3A_92 = arith.constant 0 : i32
          %dma_wait3A_93 = tpu.memref_slice %dma_wait3A_91[%mul3A_71, %dma_wait3A_92] : memref<12500x256xi32, #tpu.memory_space<hbm>> -> memref<4x256xi32, #tpu.memory_space<hbm>>
          tpu.wait_dma2 semaphore(%run_scoped3A : memref<!tpu.dma_semaphore, #tpu.memory_space<semaphore_mem>>) src(%dma_wait3A_93 : memref<4x256xi32, #tpu.memory_space<hbm>>) dst(%arg9 : memref<4x256xi32, #tpu.memory_space<vmem>>)
          tpu.yield
        }) : () -> ()
      } else {
      }
      %convert_element_type3A_62 = arith.extui %lt3A_44 : i1 to i32
      %cond3A_63 = arith.constant 0 : i32
      %cond3A_64 = arith.cmpi ne, %convert_element_type3A_62, %cond3A_63 : i32
      scf.if %cond3A_64 {
        %dma_wait3A = arith.constant 2 : i32
        %dma_wait3A_68 = arith.constant 0 : i32
        %dma_wait3A_69 = arith.constant 0 : i32
        %dma_wait3A_70 = tpu.memref_slice %arg11[%dma_wait3A_68, %dma_wait3A_69] : memref<512x16xf32, #tpu.memory_space<vmem>> -> memref<256x16xf32, #tpu.memory_space<vmem>>
        %dma_wait3A_71 = arith.constant 0 : i32
        %dma_wait3A_72 = tpu.memref_slice %arg6[%dma_wait3A, %dma_wait3A_71] : memref<4x256xi32, #tpu.memory_space<vmem>> -> memref<1x256xi32, #tpu.memory_space<vmem>>
        %dma_wait3A_73 = tpu.memref_squeeze %dma_wait3A_72 : memref<1x256xi32, #tpu.memory_space<vmem>> -> memref<256xi32, #tpu.memory_space<vmem>>
        %dma_wait3A_74 = arith.constant 0 : i32
        %dma_wait3A_75 = arith.constant 0 : i32
        %dma_wait3A_76 = tpu.memref_slice %arg3[%dma_wait3A_74, %dma_wait3A_75] : memref<100352x16xf32, #tpu.memory_space<hbm>> -> memref<100352x16xf32, #tpu.memory_space<hbm>>
        tpu.wait_indirect_dma semaphore(%arg14 : memref<!tpu.dma_semaphore, #tpu.memory_space<semaphore_mem>>) src(%dma_wait3A_76 : memref<100352x16xf32, #tpu.memory_space<hbm>>) dst(%dma_wait3A_70 : memref<256x16xf32, #tpu.memory_space<vmem>>)
        %dma_wait3A_77 = arith.constant 3 : i32
        %dma_wait3A_78 = arith.constant 256 : i32
        %dma_wait3A_79 = arith.constant 0 : i32
        %dma_wait3A_80 = tpu.memref_slice %arg11[%dma_wait3A_78, %dma_wait3A_79] : memref<512x16xf32, #tpu.memory_space<vmem>> -> memref<256x16xf32, #tpu.memory_space<vmem>>
        %dma_wait3A_81 = arith.constant 0 : i32
        %dma_wait3A_82 = tpu.memref_slice %arg6[%dma_wait3A_77, %dma_wait3A_81] : memref<4x256xi32, #tpu.memory_space<vmem>> -> memref<1x256xi32, #tpu.memory_space<vmem>>
        %dma_wait3A_83 = tpu.memref_squeeze %dma_wait3A_82 : memref<1x256xi32, #tpu.memory_space<vmem>> -> memref<256xi32, #tpu.memory_space<vmem>>
        %dma_wait3A_84 = arith.constant 0 : i32
        %dma_wait3A_85 = arith.constant 0 : i32
        %dma_wait3A_86 = tpu.memref_slice %arg3[%dma_wait3A_84, %dma_wait3A_85] : memref<100352x16xf32, #tpu.memory_space<hbm>> -> memref<100352x16xf32, #tpu.memory_space<hbm>>
        tpu.wait_indirect_dma semaphore(%arg14 : memref<!tpu.dma_semaphore, #tpu.memory_space<semaphore_mem>>) src(%dma_wait3A_86 : memref<100352x16xf32, #tpu.memory_space<hbm>>) dst(%dma_wait3A_80 : memref<256x16xf32, #tpu.memory_space<vmem>>)
        %dma_start3A = arith.constant 2 : i32
        %dma_start3A_87 = arith.constant 0 : i32
        %dma_start3A_88 = arith.constant 0 : i32
        %dma_start3A_89 = tpu.memref_slice %arg11[%dma_start3A_87, %dma_start3A_88] : memref<512x16xf32, #tpu.memory_space<vmem>> -> memref<256x16xf32, #tpu.memory_space<vmem>>
        %dma_start3A_90 = arith.constant 0 : i32
        %dma_start3A_91 = tpu.memref_slice %arg7[%dma_start3A, %dma_start3A_90] : memref<4x256xi32, #tpu.memory_space<vmem>> -> memref<1x256xi32, #tpu.memory_space<vmem>>
        %dma_start3A_92 = tpu.memref_squeeze %dma_start3A_91 : memref<1x256xi32, #tpu.memory_space<vmem>> -> memref<256xi32, #tpu.memory_space<vmem>>
        %dma_start3A_93 = arith.constant 0 : i32
        %dma_start3A_94 = arith.constant 0 : i32
        %dma_start3A_95 = tpu.memref_slice %arg12[%dma_start3A_93, %dma_start3A_94] : memref<100000x16xf32, #tpu.memory_space<vmem_shared>> -> memref<100000x16xf32, #tpu.memory_space<vmem_shared>>
        tpu.enqueue_indirect_dma source(%dma_start3A_89 : memref<256x16xf32, #tpu.memory_space<vmem>>) target(%dma_start3A_95 : memref<100000x16xf32, #tpu.memory_space<vmem_shared>>) offsets(%dma_start3A_92 : memref<256xi32, #tpu.memory_space<vmem>>) semaphore(%arg16 : memref<!tpu.dma_semaphore, #tpu.memory_space<semaphore_mem>>) {add = true}
        %dma_start3A_96 = arith.constant 3 : i32
        %dma_start3A_97 = arith.constant 256 : i32
        %dma_start3A_98 = arith.constant 0 : i32
        %dma_start3A_99 = tpu.memref_slice %arg11[%dma_start3A_97, %dma_start3A_98] : memref<512x16xf32, #tpu.memory_space<vmem>> -> memref<256x16xf32, #tpu.memory_space<vmem>>
        %dma_start3A_100 = arith.constant 0 : i32
        %dma_start3A_101 = tpu.memref_slice %arg7[%dma_start3A_96, %dma_start3A_100] : memref<4x256xi32, #tpu.memory_space<vmem>> -> memref<1x256xi32, #tpu.memory_space<vmem>>
        %dma_start3A_102 = tpu.memref_squeeze %dma_start3A_101 : memref<1x256xi32, #tpu.memory_space<vmem>> -> memref<256xi32, #tpu.memory_space<vmem>>
        %dma_start3A_103 = arith.constant 0 : i32
        %dma_start3A_104 = arith.constant 0 : i32
        %dma_start3A_105 = tpu.memref_slice %arg12[%dma_start3A_103, %dma_start3A_104] : memref<100000x16xf32, #tpu.memory_space<vmem_shared>> -> memref<100000x16xf32, #tpu.memory_space<vmem_shared>>
        tpu.enqueue_indirect_dma source(%dma_start3A_99 : memref<256x16xf32, #tpu.memory_space<vmem>>) target(%dma_start3A_105 : memref<100000x16xf32, #tpu.memory_space<vmem_shared>>) offsets(%dma_start3A_102 : memref<256xi32, #tpu.memory_space<vmem>>) semaphore(%arg16 : memref<!tpu.dma_semaphore, #tpu.memory_space<semaphore_mem>>) {add = true}
      } else {
      }
      %convert_element_type3A_65 = arith.extui %lt3A_46 : i1 to i32
      %cond3A_66 = arith.constant 0 : i32
      %cond3A_67 = arith.cmpi ne, %convert_element_type3A_65, %cond3A_66 : i32
      scf.if %cond3A_67 {
        %dma_wait3A = arith.constant 0 : i32
        %dma_wait3A_68 = arith.constant 0 : i32
        %dma_wait3A_69 = arith.constant 0 : i32
        %dma_wait3A_70 = tpu.memref_slice %arg10[%dma_wait3A_68, %dma_wait3A_69] : memref<512x16xf32, #tpu.memory_space<vmem>> -> memref<256x16xf32, #tpu.memory_space<vmem>>
        %dma_wait3A_71 = arith.constant 0 : i32
        %dma_wait3A_72 = tpu.memref_slice %arg7[%dma_wait3A, %dma_wait3A_71] : memref<4x256xi32, #tpu.memory_space<vmem>> -> memref<1x256xi32, #tpu.memory_space<vmem>>
        %dma_wait3A_73 = tpu.memref_squeeze %dma_wait3A_72 : memref<1x256xi32, #tpu.memory_space<vmem>> -> memref<256xi32, #tpu.memory_space<vmem>>
        %dma_wait3A_74 = arith.constant 0 : i32
        %dma_wait3A_75 = arith.constant 0 : i32
        %dma_wait3A_76 = tpu.memref_slice %arg12[%dma_wait3A_74, %dma_wait3A_75] : memref<100000x16xf32, #tpu.memory_space<vmem_shared>> -> memref<100000x16xf32, #tpu.memory_space<vmem_shared>>
        tpu.wait_indirect_dma semaphore(%arg15 : memref<!tpu.dma_semaphore, #tpu.memory_space<semaphore_mem>>) src(%dma_wait3A_70 : memref<256x16xf32, #tpu.memory_space<vmem>>) dst(%dma_wait3A_76 : memref<100000x16xf32, #tpu.memory_space<vmem_shared>>)
        %dma_wait3A_77 = arith.constant 1 : i32
        %dma_wait3A_78 = arith.constant 256 : i32
        %dma_wait3A_79 = arith.constant 0 : i32
        %dma_wait3A_80 = tpu.memref_slice %arg10[%dma_wait3A_78, %dma_wait3A_79] : memref<512x16xf32, #tpu.memory_space<vmem>> -> memref<256x16xf32, #tpu.memory_space<vmem>>
        %dma_wait3A_81 = arith.constant 0 : i32
        %dma_wait3A_82 = tpu.memref_slice %arg7[%dma_wait3A_77, %dma_wait3A_81] : memref<4x256xi32, #tpu.memory_space<vmem>> -> memref<1x256xi32, #tpu.memory_space<vmem>>
        %dma_wait3A_83 = tpu.memref_squeeze %dma_wait3A_82 : memref<1x256xi32, #tpu.memory_space<vmem>> -> memref<256xi32, #tpu.memory_space<vmem>>
        %dma_wait3A_84 = arith.constant 0 : i32
        %dma_wait3A_85 = arith.constant 0 : i32
        %dma_wait3A_86 = tpu.memref_slice %arg12[%dma_wait3A_84, %dma_wait3A_85] : memref<100000x16xf32, #tpu.memory_space<vmem_shared>> -> memref<100000x16xf32, #tpu.memory_space<vmem_shared>>
        tpu.wait_indirect_dma semaphore(%arg15 : memref<!tpu.dma_semaphore, #tpu.memory_space<semaphore_mem>>) src(%dma_wait3A_80 : memref<256x16xf32, #tpu.memory_space<vmem>>) dst(%dma_wait3A_86 : memref<100000x16xf32, #tpu.memory_space<vmem_shared>>)
        %dma_start3A = arith.constant 0 : i32
        %dma_start3A_87 = arith.constant 0 : i32
        %dma_start3A_88 = arith.constant 0 : i32
        %dma_start3A_89 = tpu.memref_slice %arg10[%dma_start3A_87, %dma_start3A_88] : memref<512x16xf32, #tpu.memory_space<vmem>> -> memref<256x16xf32, #tpu.memory_space<vmem>>
        %dma_start3A_90 = arith.constant 0 : i32
        %dma_start3A_91 = tpu.memref_slice %arg8[%dma_start3A, %dma_start3A_90] : memref<4x256xi32, #tpu.memory_space<vmem>> -> memref<1x256xi32, #tpu.memory_space<vmem>>
        %dma_start3A_92 = tpu.memref_squeeze %dma_start3A_91 : memref<1x256xi32, #tpu.memory_space<vmem>> -> memref<256xi32, #tpu.memory_space<vmem>>
        %dma_start3A_93 = arith.constant 0 : i32
        %dma_start3A_94 = arith.constant 0 : i32
        %dma_start3A_95 = tpu.memref_slice %arg3[%dma_start3A_93, %dma_start3A_94] : memref<100352x16xf32, #tpu.memory_space<hbm>> -> memref<100352x16xf32, #tpu.memory_space<hbm>>
        tpu.enqueue_indirect_dma source(%dma_start3A_95 : memref<100352x16xf32, #tpu.memory_space<hbm>>) target(%dma_start3A_89 : memref<256x16xf32, #tpu.memory_space<vmem>>) offsets(%dma_start3A_92 : memref<256xi32, #tpu.memory_space<vmem>>) semaphore(%arg13 : memref<!tpu.dma_semaphore, #tpu.memory_space<semaphore_mem>>)
        %dma_start3A_96 = arith.constant 1 : i32
        %dma_start3A_97 = arith.constant 256 : i32
        %dma_start3A_98 = arith.constant 0 : i32
        %dma_start3A_99 = tpu.memref_slice %arg10[%dma_start3A_97, %dma_start3A_98] : memref<512x16xf32, #tpu.memory_space<vmem>> -> memref<256x16xf32, #tpu.memory_space<vmem>>
        %dma_start3A_100 = arith.constant 0 : i32
        %dma_start3A_101 = tpu.memref_slice %arg8[%dma_start3A_96, %dma_start3A_100] : memref<4x256xi32, #tpu.memory_space<vmem>> -> memref<1x256xi32, #tpu.memory_space<vmem>>
        %dma_start3A_102 = tpu.memref_squeeze %dma_start3A_101 : memref<1x256xi32, #tpu.memory_space<vmem>> -> memref<256xi32, #tpu.memory_space<vmem>>
        %dma_start3A_103 = arith.constant 0 : i32
        %dma_start3A_104 = arith.constant 0 : i32
        %dma_start3A_105 = tpu.memref_slice %arg3[%dma_start3A_103, %dma_start3A_104] : memref<100352x16xf32, #tpu.memory_space<hbm>> -> memref<100352x16xf32, #tpu.memory_space<hbm>>
        tpu.enqueue_indirect_dma source(%dma_start3A_105 : memref<100352x16xf32, #tpu.memory_space<hbm>>) target(%dma_start3A_99 : memref<256x16xf32, #tpu.memory_space<vmem>>) offsets(%dma_start3A_102 : memref<256xi32, #tpu.memory_space<vmem>>) semaphore(%arg13 : memref<!tpu.dma_semaphore, #tpu.memory_space<semaphore_mem>>)
        %dma_wait3A_106 = arith.constant 0 : i32
        %dma_wait3A_107 = arith.constant 0 : i32
        %dma_wait3A_108 = arith.constant 0 : i32
        %dma_wait3A_109 = tpu.memref_slice %arg10[%dma_wait3A_107, %dma_wait3A_108] : memref<512x16xf32, #tpu.memory_space<vmem>> -> memref<256x16xf32, #tpu.memory_space<vmem>>
        %dma_wait3A_110 = arith.constant 0 : i32
        %dma_wait3A_111 = tpu.memref_slice %arg8[%dma_wait3A_106, %dma_wait3A_110] : memref<4x256xi32, #tpu.memory_space<vmem>> -> memref<1x256xi32, #tpu.memory_space<vmem>>
        %dma_wait3A_112 = tpu.memref_squeeze %dma_wait3A_111 : memref<1x256xi32, #tpu.memory_space<vmem>> -> memref<256xi32, #tpu.memory_space<vmem>>
        %dma_wait3A_113 = arith.constant 0 : i32
        %dma_wait3A_114 = arith.constant 0 : i32
        %dma_wait3A_115 = tpu.memref_slice %arg3[%dma_wait3A_113, %dma_wait3A_114] : memref<100352x16xf32, #tpu.memory_space<hbm>> -> memref<100352x16xf32, #tpu.memory_space<hbm>>
        tpu.wait_indirect_dma semaphore(%arg13 : memref<!tpu.dma_semaphore, #tpu.memory_space<semaphore_mem>>) src(%dma_wait3A_115 : memref<100352x16xf32, #tpu.memory_space<hbm>>) dst(%dma_wait3A_109 : memref<256x16xf32, #tpu.memory_space<vmem>>)
        %dma_wait3A_116 = arith.constant 1 : i32
        %dma_wait3A_117 = arith.constant 256 : i32
        %dma_wait3A_118 = arith.constant 0 : i32
        %dma_wait3A_119 = tpu.memref_slice %arg10[%dma_wait3A_117, %dma_wait3A_118] : memref<512x16xf32, #tpu.memory_space<vmem>> -> memref<256x16xf32, #tpu.memory_space<vmem>>
        %dma_wait3A_120 = arith.constant 0 : i32
        %dma_wait3A_121 = tpu.memref_slice %arg8[%dma_wait3A_116, %dma_wait3A_120] : memref<4x256xi32, #tpu.memory_space<vmem>> -> memref<1x256xi32, #tpu.memory_space<vmem>>
        %dma_wait3A_122 = tpu.memref_squeeze %dma_wait3A_121 : memref<1x256xi32, #tpu.memory_space<vmem>> -> memref<256xi32, #tpu.memory_space<vmem>>
        %dma_wait3A_123 = arith.constant 0 : i32
        %dma_wait3A_124 = arith.constant 0 : i32
        %dma_wait3A_125 = tpu.memref_slice %arg3[%dma_wait3A_123, %dma_wait3A_124] : memref<100352x16xf32, #tpu.memory_space<hbm>> -> memref<100352x16xf32, #tpu.memory_space<hbm>>
        tpu.wait_indirect_dma semaphore(%arg13 : memref<!tpu.dma_semaphore, #tpu.memory_space<semaphore_mem>>) src(%dma_wait3A_125 : memref<100352x16xf32, #tpu.memory_space<hbm>>) dst(%dma_wait3A_119 : memref<256x16xf32, #tpu.memory_space<vmem>>)
        %dma_start3A_126 = arith.constant 0 : i32
        %dma_start3A_127 = arith.constant 0 : i32
        %dma_start3A_128 = arith.constant 0 : i32
        %dma_start3A_129 = tpu.memref_slice %arg10[%dma_start3A_127, %dma_start3A_128] : memref<512x16xf32, #tpu.memory_space<vmem>> -> memref<256x16xf32, #tpu.memory_space<vmem>>
        %dma_start3A_130 = arith.constant 0 : i32
        %dma_start3A_131 = tpu.memref_slice %arg9[%dma_start3A_126, %dma_start3A_130] : memref<4x256xi32, #tpu.memory_space<vmem>> -> memref<1x256xi32, #tpu.memory_space<vmem>>
        %dma_start3A_132 = tpu.memref_squeeze %dma_start3A_131 : memref<1x256xi32, #tpu.memory_space<vmem>> -> memref<256xi32, #tpu.memory_space<vmem>>
        %dma_start3A_133 = arith.constant 0 : i32
        %dma_start3A_134 = arith.constant 0 : i32
        %dma_start3A_135 = tpu.memref_slice %arg12[%dma_start3A_133, %dma_start3A_134] : memref<100000x16xf32, #tpu.memory_space<vmem_shared>> -> memref<100000x16xf32, #tpu.memory_space<vmem_shared>>
        tpu.enqueue_indirect_dma source(%dma_start3A_129 : memref<256x16xf32, #tpu.memory_space<vmem>>) target(%dma_start3A_135 : memref<100000x16xf32, #tpu.memory_space<vmem_shared>>) offsets(%dma_start3A_132 : memref<256xi32, #tpu.memory_space<vmem>>) semaphore(%arg15 : memref<!tpu.dma_semaphore, #tpu.memory_space<semaphore_mem>>) {add = true}
        %dma_start3A_136 = arith.constant 1 : i32
        %dma_start3A_137 = arith.constant 256 : i32
        %dma_start3A_138 = arith.constant 0 : i32
        %dma_start3A_139 = tpu.memref_slice %arg10[%dma_start3A_137, %dma_start3A_138] : memref<512x16xf32, #tpu.memory_space<vmem>> -> memref<256x16xf32, #tpu.memory_space<vmem>>
        %dma_start3A_140 = arith.constant 0 : i32
        %dma_start3A_141 = tpu.memref_slice %arg9[%dma_start3A_136, %dma_start3A_140] : memref<4x256xi32, #tpu.memory_space<vmem>> -> memref<1x256xi32, #tpu.memory_space<vmem>>
        %dma_start3A_142 = tpu.memref_squeeze %dma_start3A_141 : memref<1x256xi32, #tpu.memory_space<vmem>> -> memref<256xi32, #tpu.memory_space<vmem>>
        %dma_start3A_143 = arith.constant 0 : i32
        %dma_start3A_144 = arith.constant 0 : i32
        %dma_start3A_145 = tpu.memref_slice %arg12[%dma_start3A_143, %dma_start3A_144] : memref<100000x16xf32, #tpu.memory_space<vmem_shared>> -> memref<100000x16xf32, #tpu.memory_space<vmem_shared>>
        tpu.enqueue_indirect_dma source(%dma_start3A_139 : memref<256x16xf32, #tpu.memory_space<vmem>>) target(%dma_start3A_145 : memref<100000x16xf32, #tpu.memory_space<vmem_shared>>) offsets(%dma_start3A_142 : memref<256xi32, #tpu.memory_space<vmem>>) semaphore(%arg15 : memref<!tpu.dma_semaphore, #tpu.memory_space<semaphore_mem>>) {add = true}
        %dma_wait3A_146 = arith.constant 2 : i32
        %dma_wait3A_147 = arith.constant 0 : i32
        %dma_wait3A_148 = arith.constant 0 : i32
        %dma_wait3A_149 = tpu.memref_slice %arg11[%dma_wait3A_147, %dma_wait3A_148] : memref<512x16xf32, #tpu.memory_space<vmem>> -> memref<256x16xf32, #tpu.memory_space<vmem>>
        %dma_wait3A_150 = arith.constant 0 : i32
        %dma_wait3A_151 = tpu.memref_slice %arg7[%dma_wait3A_146, %dma_wait3A_150] : memref<4x256xi32, #tpu.memory_space<vmem>> -> memref<1x256xi32, #tpu.memory_space<vmem>>
        %dma_wait3A_152 = tpu.memref_squeeze %dma_wait3A_151 : memref<1x256xi32, #tpu.memory_space<vmem>> -> memref<256xi32, #tpu.memory_space<vmem>>
        %dma_wait3A_153 = arith.constant 0 : i32
        %dma_wait3A_154 = arith.constant 0 : i32
        %dma_wait3A_155 = tpu.memref_slice %arg12[%dma_wait3A_153, %dma_wait3A_154] : memref<100000x16xf32, #tpu.memory_space<vmem_shared>> -> memref<100000x16xf32, #tpu.memory_space<vmem_shared>>
        tpu.wait_indirect_dma semaphore(%arg16 : memref<!tpu.dma_semaphore, #tpu.memory_space<semaphore_mem>>) src(%dma_wait3A_149 : memref<256x16xf32, #tpu.memory_space<vmem>>) dst(%dma_wait3A_155 : memref<100000x16xf32, #tpu.memory_space<vmem_shared>>)
        %dma_wait3A_156 = arith.constant 3 : i32
        %dma_wait3A_157 = arith.constant 256 : i32
        %dma_wait3A_158 = arith.constant 0 : i32
        %dma_wait3A_159 = tpu.memref_slice %arg11[%dma_wait3A_157, %dma_wait3A_158] : memref<512x16xf32, #tpu.memory_space<vmem>> -> memref<256x16xf32, #tpu.memory_space<vmem>>
        %dma_wait3A_160 = arith.constant 0 : i32
        %dma_wait3A_161 = tpu.memref_slice %arg7[%dma_wait3A_156, %dma_wait3A_160] : memref<4x256xi32, #tpu.memory_space<vmem>> -> memref<1x256xi32, #tpu.memory_space<vmem>>
        %dma_wait3A_162 = tpu.memref_squeeze %dma_wait3A_161 : memref<1x256xi32, #tpu.memory_space<vmem>> -> memref<256xi32, #tpu.memory_space<vmem>>
        %dma_wait3A_163 = arith.constant 0 : i32
        %dma_wait3A_164 = arith.constant 0 : i32
        %dma_wait3A_165 = tpu.memref_slice %arg12[%dma_wait3A_163, %dma_wait3A_164] : memref<100000x16xf32, #tpu.memory_space<vmem_shared>> -> memref<100000x16xf32, #tpu.memory_space<vmem_shared>>
        tpu.wait_indirect_dma semaphore(%arg16 : memref<!tpu.dma_semaphore, #tpu.memory_space<semaphore_mem>>) src(%dma_wait3A_159 : memref<256x16xf32, #tpu.memory_space<vmem>>) dst(%dma_wait3A_165 : memref<100000x16xf32, #tpu.memory_space<vmem_shared>>)
        %dma_start3A_166 = arith.constant 2 : i32
        %dma_start3A_167 = arith.constant 0 : i32
        %dma_start3A_168 = arith.constant 0 : i32
        %dma_start3A_169 = tpu.memref_slice %arg11[%dma_start3A_167, %dma_start3A_168] : memref<512x16xf32, #tpu.memory_space<vmem>> -> memref<256x16xf32, #tpu.memory_space<vmem>>
        %dma_start3A_170 = arith.constant 0 : i32
        %dma_start3A_171 = tpu.memref_slice %arg8[%dma_start3A_166, %dma_start3A_170] : memref<4x256xi32, #tpu.memory_space<vmem>> -> memref<1x256xi32, #tpu.memory_space<vmem>>
        %dma_start3A_172 = tpu.memref_squeeze %dma_start3A_171 : memref<1x256xi32, #tpu.memory_space<vmem>> -> memref<256xi32, #tpu.memory_space<vmem>>
        %dma_start3A_173 = arith.constant 0 : i32
        %dma_start3A_174 = arith.constant 0 : i32
        %dma_start3A_175 = tpu.memref_slice %arg3[%dma_start3A_173, %dma_start3A_174] : memref<100352x16xf32, #tpu.memory_space<hbm>> -> memref<100352x16xf32, #tpu.memory_space<hbm>>
        tpu.enqueue_indirect_dma source(%dma_start3A_175 : memref<100352x16xf32, #tpu.memory_space<hbm>>) target(%dma_start3A_169 : memref<256x16xf32, #tpu.memory_space<vmem>>) offsets(%dma_start3A_172 : memref<256xi32, #tpu.memory_space<vmem>>) semaphore(%arg14 : memref<!tpu.dma_semaphore, #tpu.memory_space<semaphore_mem>>)
        %dma_start3A_176 = arith.constant 3 : i32
        %dma_start3A_177 = arith.constant 256 : i32
        %dma_start3A_178 = arith.constant 0 : i32
        %dma_start3A_179 = tpu.memref_slice %arg11[%dma_start3A_177, %dma_start3A_178] : memref<512x16xf32, #tpu.memory_space<vmem>> -> memref<256x16xf32, #tpu.memory_space<vmem>>
        %dma_start3A_180 = arith.constant 0 : i32
        %dma_start3A_181 = tpu.memref_slice %arg8[%dma_start3A_176, %dma_start3A_180] : memref<4x256xi32, #tpu.memory_space<vmem>> -> memref<1x256xi32, #tpu.memory_space<vmem>>
        %dma_start3A_182 = tpu.memref_squeeze %dma_start3A_181 : memref<1x256xi32, #tpu.memory_space<vmem>> -> memref<256xi32, #tpu.memory_space<vmem>>
        %dma_start3A_183 = arith.constant 0 : i32
        %dma_start3A_184 = arith.constant 0 : i32
        %dma_start3A_185 = tpu.memref_slice %arg3[%dma_start3A_183, %dma_start3A_184] : memref<100352x16xf32, #tpu.memory_space<hbm>> -> memref<100352x16xf32, #tpu.memory_space<hbm>>
        tpu.enqueue_indirect_dma source(%dma_start3A_185 : memref<100352x16xf32, #tpu.memory_space<hbm>>) target(%dma_start3A_179 : memref<256x16xf32, #tpu.memory_space<vmem>>) offsets(%dma_start3A_182 : memref<256xi32, #tpu.memory_space<vmem>>) semaphore(%arg14 : memref<!tpu.dma_semaphore, #tpu.memory_space<semaphore_mem>>)
        %dma_wait3A_186 = arith.constant 2 : i32
        %dma_wait3A_187 = arith.constant 0 : i32
        %dma_wait3A_188 = arith.constant 0 : i32
        %dma_wait3A_189 = tpu.memref_slice %arg11[%dma_wait3A_187, %dma_wait3A_188] : memref<512x16xf32, #tpu.memory_space<vmem>> -> memref<256x16xf32, #tpu.memory_space<vmem>>
        %dma_wait3A_190 = arith.constant 0 : i32
        %dma_wait3A_191 = tpu.memref_slice %arg8[%dma_wait3A_186, %dma_wait3A_190] : memref<4x256xi32, #tpu.memory_space<vmem>> -> memref<1x256xi32, #tpu.memory_space<vmem>>
        %dma_wait3A_192 = tpu.memref_squeeze %dma_wait3A_191 : memref<1x256xi32, #tpu.memory_space<vmem>> -> memref<256xi32, #tpu.memory_space<vmem>>
        %dma_wait3A_193 = arith.constant 0 : i32
        %dma_wait3A_194 = arith.constant 0 : i32
        %dma_wait3A_195 = tpu.memref_slice %arg3[%dma_wait3A_193, %dma_wait3A_194] : memref<100352x16xf32, #tpu.memory_space<hbm>> -> memref<100352x16xf32, #tpu.memory_space<hbm>>
        tpu.wait_indirect_dma semaphore(%arg14 : memref<!tpu.dma_semaphore, #tpu.memory_space<semaphore_mem>>) src(%dma_wait3A_195 : memref<100352x16xf32, #tpu.memory_space<hbm>>) dst(%dma_wait3A_189 : memref<256x16xf32, #tpu.memory_space<vmem>>)
        %dma_wait3A_196 = arith.constant 3 : i32
        %dma_wait3A_197 = arith.constant 256 : i32
        %dma_wait3A_198 = arith.constant 0 : i32
        %dma_wait3A_199 = tpu.memref_slice %arg11[%dma_wait3A_197, %dma_wait3A_198] : memref<512x16xf32, #tpu.memory_space<vmem>> -> memref<256x16xf32, #tpu.memory_space<vmem>>
        %dma_wait3A_200 = arith.constant 0 : i32
        %dma_wait3A_201 = tpu.memref_slice %arg8[%dma_wait3A_196, %dma_wait3A_200] : memref<4x256xi32, #tpu.memory_space<vmem>> -> memref<1x256xi32, #tpu.memory_space<vmem>>
        %dma_wait3A_202 = tpu.memref_squeeze %dma_wait3A_201 : memref<1x256xi32, #tpu.memory_space<vmem>> -> memref<256xi32, #tpu.memory_space<vmem>>
        %dma_wait3A_203 = arith.constant 0 : i32
        %dma_wait3A_204 = arith.constant 0 : i32
        %dma_wait3A_205 = tpu.memref_slice %arg3[%dma_wait3A_203, %dma_wait3A_204] : memref<100352x16xf32, #tpu.memory_space<hbm>> -> memref<100352x16xf32, #tpu.memory_space<hbm>>
        tpu.wait_indirect_dma semaphore(%arg14 : memref<!tpu.dma_semaphore, #tpu.memory_space<semaphore_mem>>) src(%dma_wait3A_205 : memref<100352x16xf32, #tpu.memory_space<hbm>>) dst(%dma_wait3A_199 : memref<256x16xf32, #tpu.memory_space<vmem>>)
        %dma_start3A_206 = arith.constant 2 : i32
        %dma_start3A_207 = arith.constant 0 : i32
        %dma_start3A_208 = arith.constant 0 : i32
        %dma_start3A_209 = tpu.memref_slice %arg11[%dma_start3A_207, %dma_start3A_208] : memref<512x16xf32, #tpu.memory_space<vmem>> -> memref<256x16xf32, #tpu.memory_space<vmem>>
        %dma_start3A_210 = arith.constant 0 : i32
        %dma_start3A_211 = tpu.memref_slice %arg9[%dma_start3A_206, %dma_start3A_210] : memref<4x256xi32, #tpu.memory_space<vmem>> -> memref<1x256xi32, #tpu.memory_space<vmem>>
        %dma_start3A_212 = tpu.memref_squeeze %dma_start3A_211 : memref<1x256xi32, #tpu.memory_space<vmem>> -> memref<256xi32, #tpu.memory_space<vmem>>
        %dma_start3A_213 = arith.constant 0 : i32
        %dma_start3A_214 = arith.constant 0 : i32
        %dma_start3A_215 = tpu.memref_slice %arg12[%dma_start3A_213, %dma_start3A_214] : memref<100000x16xf32, #tpu.memory_space<vmem_shared>> -> memref<100000x16xf32, #tpu.memory_space<vmem_shared>>
        tpu.enqueue_indirect_dma source(%dma_start3A_209 : memref<256x16xf32, #tpu.memory_space<vmem>>) target(%dma_start3A_215 : memref<100000x16xf32, #tpu.memory_space<vmem_shared>>) offsets(%dma_start3A_212 : memref<256xi32, #tpu.memory_space<vmem>>) semaphore(%arg16 : memref<!tpu.dma_semaphore, #tpu.memory_space<semaphore_mem>>) {add = true}
        %dma_start3A_216 = arith.constant 3 : i32
        %dma_start3A_217 = arith.constant 256 : i32
        %dma_start3A_218 = arith.constant 0 : i32
        %dma_start3A_219 = tpu.memref_slice %arg11[%dma_start3A_217, %dma_start3A_218] : memref<512x16xf32, #tpu.memory_space<vmem>> -> memref<256x16xf32, #tpu.memory_space<vmem>>
        %dma_start3A_220 = arith.constant 0 : i32
        %dma_start3A_221 = tpu.memref_slice %arg9[%dma_start3A_216, %dma_start3A_220] : memref<4x256xi32, #tpu.memory_space<vmem>> -> memref<1x256xi32, #tpu.memory_space<vmem>>
        %dma_start3A_222 = tpu.memref_squeeze %dma_start3A_221 : memref<1x256xi32, #tpu.memory_space<vmem>> -> memref<256xi32, #tpu.memory_space<vmem>>
        %dma_start3A_223 = arith.constant 0 : i32
        %dma_start3A_224 = arith.constant 0 : i32
        %dma_start3A_225 = tpu.memref_slice %arg12[%dma_start3A_223, %dma_start3A_224] : memref<100000x16xf32, #tpu.memory_space<vmem_shared>> -> memref<100000x16xf32, #tpu.memory_space<vmem_shared>>
        tpu.enqueue_indirect_dma source(%dma_start3A_219 : memref<256x16xf32, #tpu.memory_space<vmem>>) target(%dma_start3A_225 : memref<100000x16xf32, #tpu.memory_space<vmem_shared>>) offsets(%dma_start3A_222 : memref<256xi32, #tpu.memory_space<vmem>>) semaphore(%arg16 : memref<!tpu.dma_semaphore, #tpu.memory_space<semaphore_mem>>) {add = true}
      } else {
      }
    }
    %scan3A_9 = arith.constant 49 : i32
    %add3A_10 = arith.constant 3104 : i32
    %add3A_11 = arith.addi %add3A_10, %add3A : i32
    %sub3A = arith.constant 32 : i32
    %sub3A_12 = arith.subi %add3A_11, %sub3A : i32
    %lt3A = arith.constant 3125 : i32
    %lt3A_13 = arith.cmpi slt, %sub3A_12, %lt3A : i32
    %lt3A_14 = arith.constant 3125 : i32
    %lt3A_15 = arith.cmpi slt, %add3A_11, %lt3A_14 : i32
    %convert_element_type3A_16 = arith.extui %lt3A_15 : i1 to i32
    %cond3A_17 = arith.constant 0 : i32
    %cond3A_18 = arith.cmpi ne, %convert_element_type3A_16, %cond3A_17 : i32
    scf.if %cond3A_18 {
      %dma_wait3A = arith.constant 0 : i32
      %dma_wait3A_29 = arith.constant 0 : i32
      %dma_wait3A_30 = arith.constant 0 : i32
      %dma_wait3A_31 = tpu.memref_slice %arg10[%dma_wait3A_29, %dma_wait3A_30] : memref<512x16xf32, #tpu.memory_space<vmem>> -> memref<256x16xf32, #tpu.memory_space<vmem>>
      %dma_wait3A_32 = arith.constant 0 : i32
      %dma_wait3A_33 = tpu.memref_slice %arg9[%dma_wait3A, %dma_wait3A_32] : memref<4x256xi32, #tpu.memory_space<vmem>> -> memref<1x256xi32, #tpu.memory_space<vmem>>
      %dma_wait3A_34 = tpu.memref_squeeze %dma_wait3A_33 : memref<1x256xi32, #tpu.memory_space<vmem>> -> memref<256xi32, #tpu.memory_space<vmem>>
      %dma_wait3A_35 = arith.constant 0 : i32
      %dma_wait3A_36 = arith.constant 0 : i32
      %dma_wait3A_37 = tpu.memref_slice %arg12[%dma_wait3A_35, %dma_wait3A_36] : memref<100000x16xf32, #tpu.memory_space<vmem_shared>> -> memref<100000x16xf32, #tpu.memory_space<vmem_shared>>
      tpu.wait_indirect_dma semaphore(%arg15 : memref<!tpu.dma_semaphore, #tpu.memory_space<semaphore_mem>>) src(%dma_wait3A_31 : memref<256x16xf32, #tpu.memory_space<vmem>>) dst(%dma_wait3A_37 : memref<100000x16xf32, #tpu.memory_space<vmem_shared>>)
      %dma_wait3A_38 = arith.constant 1 : i32
      %dma_wait3A_39 = arith.constant 256 : i32
      %dma_wait3A_40 = arith.constant 0 : i32
      %dma_wait3A_41 = tpu.memref_slice %arg10[%dma_wait3A_39, %dma_wait3A_40] : memref<512x16xf32, #tpu.memory_space<vmem>> -> memref<256x16xf32, #tpu.memory_space<vmem>>
      %dma_wait3A_42 = arith.constant 0 : i32
      %dma_wait3A_43 = tpu.memref_slice %arg9[%dma_wait3A_38, %dma_wait3A_42] : memref<4x256xi32, #tpu.memory_space<vmem>> -> memref<1x256xi32, #tpu.memory_space<vmem>>
      %dma_wait3A_44 = tpu.memref_squeeze %dma_wait3A_43 : memref<1x256xi32, #tpu.memory_space<vmem>> -> memref<256xi32, #tpu.memory_space<vmem>>
      %dma_wait3A_45 = arith.constant 0 : i32
      %dma_wait3A_46 = arith.constant 0 : i32
      %dma_wait3A_47 = tpu.memref_slice %arg12[%dma_wait3A_45, %dma_wait3A_46] : memref<100000x16xf32, #tpu.memory_space<vmem_shared>> -> memref<100000x16xf32, #tpu.memory_space<vmem_shared>>
      tpu.wait_indirect_dma semaphore(%arg15 : memref<!tpu.dma_semaphore, #tpu.memory_space<semaphore_mem>>) src(%dma_wait3A_41 : memref<256x16xf32, #tpu.memory_space<vmem>>) dst(%dma_wait3A_47 : memref<100000x16xf32, #tpu.memory_space<vmem_shared>>)
      %dma_wait3A_48 = arith.constant 2 : i32
      %dma_wait3A_49 = arith.constant 0 : i32
      %dma_wait3A_50 = arith.constant 0 : i32
      %dma_wait3A_51 = tpu.memref_slice %arg11[%dma_wait3A_49, %dma_wait3A_50] : memref<512x16xf32, #tpu.memory_space<vmem>> -> memref<256x16xf32, #tpu.memory_space<vmem>>
      %dma_wait3A_52 = arith.constant 0 : i32
      %dma_wait3A_53 = tpu.memref_slice %arg9[%dma_wait3A_48, %dma_wait3A_52] : memref<4x256xi32, #tpu.memory_space<vmem>> -> memref<1x256xi32, #tpu.memory_space<vmem>>
      %dma_wait3A_54 = tpu.memref_squeeze %dma_wait3A_53 : memref<1x256xi32, #tpu.memory_space<vmem>> -> memref<256xi32, #tpu.memory_space<vmem>>
      %dma_wait3A_55 = arith.constant 0 : i32
      %dma_wait3A_56 = arith.constant 0 : i32
      %dma_wait3A_57 = tpu.memref_slice %arg12[%dma_wait3A_55, %dma_wait3A_56] : memref<100000x16xf32, #tpu.memory_space<vmem_shared>> -> memref<100000x16xf32, #tpu.memory_space<vmem_shared>>
      tpu.wait_indirect_dma semaphore(%arg16 : memref<!tpu.dma_semaphore, #tpu.memory_space<semaphore_mem>>) src(%dma_wait3A_51 : memref<256x16xf32, #tpu.memory_space<vmem>>) dst(%dma_wait3A_57 : memref<100000x16xf32, #tpu.memory_space<vmem_shared>>)
      %dma_wait3A_58 = arith.constant 3 : i32
      %dma_wait3A_59 = arith.constant 256 : i32
      %dma_wait3A_60 = arith.constant 0 : i32
      %dma_wait3A_61 = tpu.memref_slice %arg11[%dma_wait3A_59, %dma_wait3A_60] : memref<512x16xf32, #tpu.memory_space<vmem>> -> memref<256x16xf32, #tpu.memory_space<vmem>>
      %dma_wait3A_62 = arith.constant 0 : i32
      %dma_wait3A_63 = tpu.memref_slice %arg9[%dma_wait3A_58, %dma_wait3A_62] : memref<4x256xi32, #tpu.memory_space<vmem>> -> memref<1x256xi32, #tpu.memory_space<vmem>>
      %dma_wait3A_64 = tpu.memref_squeeze %dma_wait3A_63 : memref<1x256xi32, #tpu.memory_space<vmem>> -> memref<256xi32, #tpu.memory_space<vmem>>
      %dma_wait3A_65 = arith.constant 0 : i32
      %dma_wait3A_66 = arith.constant 0 : i32
      %dma_wait3A_67 = tpu.memref_slice %arg12[%dma_wait3A_65, %dma_wait3A_66] : memref<100000x16xf32, #tpu.memory_space<vmem_shared>> -> memref<100000x16xf32, #tpu.memory_space<vmem_shared>>
      tpu.wait_indirect_dma semaphore(%arg16 : memref<!tpu.dma_semaphore, #tpu.memory_space<semaphore_mem>>) src(%dma_wait3A_61 : memref<256x16xf32, #tpu.memory_space<vmem>>) dst(%dma_wait3A_67 : memref<100000x16xf32, #tpu.memory_space<vmem_shared>>)
    } else {
    }
    %not3A = arith.constant true
    %not3A_19 = arith.xori %lt3A_15, %not3A : i1
    %and3A = arith.andi %lt3A_13, %not3A_19 : i1
    %convert_element_type3A_20 = arith.extui %and3A : i1 to i32
    %cond3A_21 = arith.constant 0 : i32
    %cond3A_22 = arith.cmpi ne, %convert_element_type3A_20, %cond3A_21 : i32
    scf.if %cond3A_22 {
      %dma_wait3A = arith.constant 0 : i32
      %dma_wait3A_29 = arith.constant 0 : i32
      %dma_wait3A_30 = arith.constant 0 : i32
      %dma_wait3A_31 = tpu.memref_slice %arg10[%dma_wait3A_29, %dma_wait3A_30] : memref<512x16xf32, #tpu.memory_space<vmem>> -> memref<256x16xf32, #tpu.memory_space<vmem>>
      %dma_wait3A_32 = arith.constant 0 : i32
      %dma_wait3A_33 = tpu.memref_slice %arg7[%dma_wait3A, %dma_wait3A_32] : memref<4x256xi32, #tpu.memory_space<vmem>> -> memref<1x256xi32, #tpu.memory_space<vmem>>
      %dma_wait3A_34 = tpu.memref_squeeze %dma_wait3A_33 : memref<1x256xi32, #tpu.memory_space<vmem>> -> memref<256xi32, #tpu.memory_space<vmem>>
      %dma_wait3A_35 = arith.constant 0 : i32
      %dma_wait3A_36 = arith.constant 0 : i32
      %dma_wait3A_37 = tpu.memref_slice %arg12[%dma_wait3A_35, %dma_wait3A_36] : memref<100000x16xf32, #tpu.memory_space<vmem_shared>> -> memref<100000x16xf32, #tpu.memory_space<vmem_shared>>
      tpu.wait_indirect_dma semaphore(%arg15 : memref<!tpu.dma_semaphore, #tpu.memory_space<semaphore_mem>>) src(%dma_wait3A_31 : memref<256x16xf32, #tpu.memory_space<vmem>>) dst(%dma_wait3A_37 : memref<100000x16xf32, #tpu.memory_space<vmem_shared>>)
      %dma_wait3A_38 = arith.constant 1 : i32
      %dma_wait3A_39 = arith.constant 256 : i32
      %dma_wait3A_40 = arith.constant 0 : i32
      %dma_wait3A_41 = tpu.memref_slice %arg10[%dma_wait3A_39, %dma_wait3A_40] : memref<512x16xf32, #tpu.memory_space<vmem>> -> memref<256x16xf32, #tpu.memory_space<vmem>>
      %dma_wait3A_42 = arith.constant 0 : i32
      %dma_wait3A_43 = tpu.memref_slice %arg7[%dma_wait3A_38, %dma_wait3A_42] : memref<4x256xi32, #tpu.memory_space<vmem>> -> memref<1x256xi32, #tpu.memory_space<vmem>>
      %dma_wait3A_44 = tpu.memref_squeeze %dma_wait3A_43 : memref<1x256xi32, #tpu.memory_space<vmem>> -> memref<256xi32, #tpu.memory_space<vmem>>
      %dma_wait3A_45 = arith.constant 0 : i32
      %dma_wait3A_46 = arith.constant 0 : i32
      %dma_wait3A_47 = tpu.memref_slice %arg12[%dma_wait3A_45, %dma_wait3A_46] : memref<100000x16xf32, #tpu.memory_space<vmem_shared>> -> memref<100000x16xf32, #tpu.memory_space<vmem_shared>>
      tpu.wait_indirect_dma semaphore(%arg15 : memref<!tpu.dma_semaphore, #tpu.memory_space<semaphore_mem>>) src(%dma_wait3A_41 : memref<256x16xf32, #tpu.memory_space<vmem>>) dst(%dma_wait3A_47 : memref<100000x16xf32, #tpu.memory_space<vmem_shared>>)
      %dma_wait3A_48 = arith.constant 2 : i32
      %dma_wait3A_49 = arith.constant 0 : i32
      %dma_wait3A_50 = arith.constant 0 : i32
      %dma_wait3A_51 = tpu.memref_slice %arg11[%dma_wait3A_49, %dma_wait3A_50] : memref<512x16xf32, #tpu.memory_space<vmem>> -> memref<256x16xf32, #tpu.memory_space<vmem>>
      %dma_wait3A_52 = arith.constant 0 : i32
      %dma_wait3A_53 = tpu.memref_slice %arg7[%dma_wait3A_48, %dma_wait3A_52] : memref<4x256xi32, #tpu.memory_space<vmem>> -> memref<1x256xi32, #tpu.memory_space<vmem>>
      %dma_wait3A_54 = tpu.memref_squeeze %dma_wait3A_53 : memref<1x256xi32, #tpu.memory_space<vmem>> -> memref<256xi32, #tpu.memory_space<vmem>>
      %dma_wait3A_55 = arith.constant 0 : i32
      %dma_wait3A_56 = arith.constant 0 : i32
      %dma_wait3A_57 = tpu.memref_slice %arg12[%dma_wait3A_55, %dma_wait3A_56] : memref<100000x16xf32, #tpu.memory_space<vmem_shared>> -> memref<100000x16xf32, #tpu.memory_space<vmem_shared>>
      tpu.wait_indirect_dma semaphore(%arg16 : memref<!tpu.dma_semaphore, #tpu.memory_space<semaphore_mem>>) src(%dma_wait3A_51 : memref<256x16xf32, #tpu.memory_space<vmem>>) dst(%dma_wait3A_57 : memref<100000x16xf32, #tpu.memory_space<vmem_shared>>)
      %dma_wait3A_58 = arith.constant 3 : i32
      %dma_wait3A_59 = arith.constant 256 : i32
      %dma_wait3A_60 = arith.constant 0 : i32
      %dma_wait3A_61 = tpu.memref_slice %arg11[%dma_wait3A_59, %dma_wait3A_60] : memref<512x16xf32, #tpu.memory_space<vmem>> -> memref<256x16xf32, #tpu.memory_space<vmem>>
      %dma_wait3A_62 = arith.constant 0 : i32
      %dma_wait3A_63 = tpu.memref_slice %arg7[%dma_wait3A_58, %dma_wait3A_62] : memref<4x256xi32, #tpu.memory_space<vmem>> -> memref<1x256xi32, #tpu.memory_space<vmem>>
      %dma_wait3A_64 = tpu.memref_squeeze %dma_wait3A_63 : memref<1x256xi32, #tpu.memory_space<vmem>> -> memref<256xi32, #tpu.memory_space<vmem>>
      %dma_wait3A_65 = arith.constant 0 : i32
      %dma_wait3A_66 = arith.constant 0 : i32
      %dma_wait3A_67 = tpu.memref_slice %arg12[%dma_wait3A_65, %dma_wait3A_66] : memref<100000x16xf32, #tpu.memory_space<vmem_shared>> -> memref<100000x16xf32, #tpu.memory_space<vmem_shared>>
      tpu.wait_indirect_dma semaphore(%arg16 : memref<!tpu.dma_semaphore, #tpu.memory_space<semaphore_mem>>) src(%dma_wait3A_61 : memref<256x16xf32, #tpu.memory_space<vmem>>) dst(%dma_wait3A_67 : memref<100000x16xf32, #tpu.memory_space<vmem_shared>>)
    } else {
    }
    %barrier3A_23 = arith.constant 0 : index
    tpu.barrier barrier_id(%barrier3A_23)
    %eq3A_24 = arith.constant 0 : i32
    %eq3A_25 = arith.cmpi eq, %arg1, %eq3A_24 : i32
    %convert_element_type3A_26 = arith.extui %eq3A_25 : i1 to i32
    %cond3A_27 = arith.constant 0 : i32
    %cond3A_28 = arith.cmpi ne, %convert_element_type3A_26, %cond3A_27 : i32
    scf.if %cond3A_28 {
      "tpu.region"() ({
        %run_scoped3A = tpu.sem_alloc : memref<!tpu.dma_semaphore, #tpu.memory_space<semaphore_mem>>
        %dma_start3A = arith.constant 0 : i32
        %dma_start3A_29 = arith.constant 0 : i32
        %dma_start3A_30 = tpu.memref_slice %arg5[%arg0, %dma_start3A, %dma_start3A_29] : memref<2x100352x16xf32, #tpu.memory_space<hbm>> -> memref<1x100000x16xf32, #tpu.memory_space<hbm>>
        %dma_start3A_31 = tpu.memref_squeeze %dma_start3A_30 : memref<1x100000x16xf32, #tpu.memory_space<hbm>> -> memref<100000x16xf32, #tpu.memory_space<hbm>>
        tpu.enqueue_dma source(%arg12 : memref<100000x16xf32, #tpu.memory_space<vmem_shared>>) target(%dma_start3A_31 : memref<100000x16xf32, #tpu.memory_space<hbm>>) target_semaphore(%run_scoped3A : memref<!tpu.dma_semaphore, #tpu.memory_space<semaphore_mem>>)
        %dma_wait3A = arith.constant 0 : i32
        %dma_wait3A_32 = arith.constant 0 : i32
        %dma_wait3A_33 = tpu.memref_slice %arg5[%arg0, %dma_wait3A, %dma_wait3A_32] : memref<2x100352x16xf32, #tpu.memory_space<hbm>> -> memref<1x100000x16xf32, #tpu.memory_space<hbm>>
        %dma_wait3A_34 = tpu.memref_squeeze %dma_wait3A_33 : memref<1x100000x16xf32, #tpu.memory_space<hbm>> -> memref<100000x16xf32, #tpu.memory_space<hbm>>
        tpu.wait_dma2 semaphore(%run_scoped3A : memref<!tpu.dma_semaphore, #tpu.memory_space<semaphore_mem>>) src(%arg12 : memref<100000x16xf32, #tpu.memory_space<vmem_shared>>) dst(%dma_wait3A_34 : memref<100000x16xf32, #tpu.memory_space<hbm>>)
        tpu.yield
      }) : () -> ()
    } else {
    }
    return
  }
}

#map = affine_map<(d0, d1) -> (0, 0, 0)>
#map1 = affine_map<(d0, d1) -> (0, 0)>
module attributes {stable_mosaic.version = 14 : i64} {
  func.func @scat_kernel(%arg0: i32, %arg1: i32, %arg2: memref<2x12500x256xi32, #tpu.memory_space<hbm>>, %arg3: memref<100352x16xf32, #tpu.memory_space<hbm>>, %arg4: memref<100000x16xf32, #tpu.memory_space<hbm>>, %arg5: memref<2x100352x16xf32, #tpu.memory_space<hbm>>, %arg6: memref<4x256xi32, #tpu.memory_space<vmem>>, %arg7: memref<4x256xi32, #tpu.memory_space<vmem>>, %arg8: memref<4x256xi32, #tpu.memory_space<vmem>>, %arg9: memref<4x256xi32, #tpu.memory_space<vmem>>, %arg10: memref<512x16xf32, #tpu.memory_space<vmem>>, %arg11: memref<512x16xf32, #tpu.memory_space<vmem>>, %arg12: memref<100000x16xf32, #tpu.memory_space<vmem_shared>>, %arg13: memref<!tpu.dma_semaphore, #tpu.memory_space<semaphore_mem>>, %arg14: memref<!tpu.dma_semaphore, #tpu.memory_space<semaphore_mem>>, %arg15: memref<!tpu.dma_semaphore, #tpu.memory_space<semaphore_mem>>, %arg16: memref<!tpu.dma_semaphore, #tpu.memory_space<semaphore_mem>>) attributes {dimension_semantics = [#tpu.dimension_semantics<core_parallel>, #tpu.dimension_semantics<subcore_parallel>], iteration_bounds = array<i64: 2, 16>, scalar_prefetch = 0 : i64, scratch_operands = 11 : i64, tpu.core_type = #tpu.core_type<sc_vector_subcore>, window_params = [{transform_indices = #map}, {transform_indices = #map1}, {transform_indices = #map1}, {transform_indices = #map}]} {
    %mul3A = arith.constant 16 : i32
    %mul3A_0 = arith.muli %arg0, %mul3A : i32
    %add3A = arith.addi %mul3A_0, %arg1 : i32
    %eq3A = arith.constant 0 : i32
    %eq3A_1 = arith.cmpi eq, %arg1, %eq3A : i32
    %convert_element_type3A = arith.extui %eq3A_1 : i1 to i32
    %cond3A = arith.constant 0 : i32
    %cond3A_2 = arith.cmpi ne, %convert_element_type3A, %cond3A : i32
    scf.if %cond3A_2 {
      "tpu.region"() ({
        %run_scoped3A = tpu.sem_alloc : memref<!tpu.dma_semaphore, #tpu.memory_space<semaphore_mem>>
        tpu.enqueue_dma source(%arg4 : memref<100000x16xf32, #tpu.memory_space<hbm>>) target(%arg12 : memref<100000x16xf32, #tpu.memory_space<vmem_shared>>) target_semaphore(%run_scoped3A : memref<!tpu.dma_semaphore, #tpu.memory_space<semaphore_mem>>)
        tpu.wait_dma2 semaphore(%run_scoped3A : memref<!tpu.dma_semaphore, #tpu.memory_space<semaphore_mem>>) src(%arg4 : memref<100000x16xf32, #tpu.memory_space<hbm>>) dst(%arg12 : memref<100000x16xf32, #tpu.memory_space<vmem_shared>>)
        tpu.yield
      }) : () -> ()
    } else {
    }
    %barrier3A = arith.constant 0 : index
    tpu.barrier barrier_id(%barrier3A)
    %scan3A = arith.constant 0 : i32
    %scan3A_3 = arith.constant 0 : i32
    %scan3A_4 = arith.constant 1 : i32
    %scan3A_5 = arith.constant 0 : i32
    %scan3A_6 = arith.constant 49 : i32
    %scan3A_7 = arith.addi %scan3A_5, %scan3A_6 : i32
    %scan3A_8 = arith.constant 1 : i32
    scf.for %scan3A_29 = %scan3A_5 to %scan3A_7 step %scan3A_8  : i32 {
      %mul3A_30 = arith.constant 2 : i32
      %mul3A_31 = arith.muli %mul3A_30, %scan3A_29 : i32
      %mul3A_32 = arith.constant 32 : i32
      %mul3A_33 = arith.muli %mul3A_31, %mul3A_32 : i32
      %add3A_34 = arith.addi %mul3A_33, %add3A : i32
      %add3A_35 = arith.constant 32 : i32
      %add3A_36 = arith.addi %add3A_34, %add3A_35 : i32
      %sub3A_37 = arith.constant 64 : i32
      %sub3A_38 = arith.subi %add3A_36, %sub3A_37 : i32
      %ge3A = arith.constant 0 : i32
      %ge3A_39 = arith.cmpi sge, %sub3A_38, %ge3A : i32
      %lt3A_40 = arith.constant 3125 : i32
      %lt3A_41 = arith.cmpi slt, %sub3A_38, %lt3A_40 : i32
      %and3A_42 = arith.andi %ge3A_39, %lt3A_41 : i1
      %lt3A_43 = arith.constant 3125 : i32
      %lt3A_44 = arith.cmpi slt, %add3A_34, %lt3A_43 : i32
      %lt3A_45 = arith.constant 3125 : i32
      %lt3A_46 = arith.cmpi slt, %add3A_36, %lt3A_45 : i32
      %convert_element_type3A_47 = arith.extui %and3A_42 : i1 to i32
      %cond3A_48 = arith.constant 0 : i32
      %cond3A_49 = arith.cmpi ne, %convert_element_type3A_47, %cond3A_48 : i32
      scf.if %cond3A_49 {
        %dma_wait3A = arith.constant 0 : i32
        %dma_wait3A_68 = arith.constant 0 : i32
        %dma_wait3A_69 = arith.constant 0 : i32
        %dma_wait3A_70 = tpu.memref_slice %arg10[%dma_wait3A_68, %dma_wait3A_69] : memref<512x16xf32, #tpu.memory_space<vmem>> -> memref<256x16xf32, #tpu.memory_space<vmem>>
        %dma_wait3A_71 = arith.constant 0 : i32
        %dma_wait3A_72 = tpu.memref_slice %arg9[%dma_wait3A, %dma_wait3A_71] : memref<4x256xi32, #tpu.memory_space<vmem>> -> memref<1x256xi32, #tpu.memory_space<vmem>>
        %dma_wait3A_73 = tpu.memref_squeeze %dma_wait3A_72 : memref<1x256xi32, #tpu.memory_space<vmem>> -> memref<256xi32, #tpu.memory_space<vmem>>
        %dma_wait3A_74 = arith.constant 0 : i32
        %dma_wait3A_75 = arith.constant 0 : i32
        %dma_wait3A_76 = tpu.memref_slice %arg12[%dma_wait3A_74, %dma_wait3A_75] : memref<100000x16xf32, #tpu.memory_space<vmem_shared>> -> memref<100000x16xf32, #tpu.memory_space<vmem_shared>>
        tpu.wait_indirect_dma semaphore(%arg15 : memref<!tpu.dma_semaphore, #tpu.memory_space<semaphore_mem>>) src(%dma_wait3A_70 : memref<256x16xf32, #tpu.memory_space<vmem>>) dst(%dma_wait3A_76 : memref<100000x16xf32, #tpu.memory_space<vmem_shared>>)
        %dma_wait3A_77 = arith.constant 1 : i32
        %dma_wait3A_78 = arith.constant 256 : i32
        %dma_wait3A_79 = arith.constant 0 : i32
        %dma_wait3A_80 = tpu.memref_slice %arg10[%dma_wait3A_78, %dma_wait3A_79] : memref<512x16xf32, #tpu.memory_space<vmem>> -> memref<256x16xf32, #tpu.memory_space<vmem>>
        %dma_wait3A_81 = arith.constant 0 : i32
        %dma_wait3A_82 = tpu.memref_slice %arg9[%dma_wait3A_77, %dma_wait3A_81] : memref<4x256xi32, #tpu.memory_space<vmem>> -> memref<1x256xi32, #tpu.memory_space<vmem>>
        %dma_wait3A_83 = tpu.memref_squeeze %dma_wait3A_82 : memref<1x256xi32, #tpu.memory_space<vmem>> -> memref<256xi32, #tpu.memory_space<vmem>>
        %dma_wait3A_84 = arith.constant 0 : i32
        %dma_wait3A_85 = arith.constant 0 : i32
        %dma_wait3A_86 = tpu.memref_slice %arg12[%dma_wait3A_84, %dma_wait3A_85] : memref<100000x16xf32, #tpu.memory_space<vmem_shared>> -> memref<100000x16xf32, #tpu.memory_space<vmem_shared>>
        tpu.wait_indirect_dma semaphore(%arg15 : memref<!tpu.dma_semaphore, #tpu.memory_space<semaphore_mem>>) src(%dma_wait3A_80 : memref<256x16xf32, #tpu.memory_space<vmem>>) dst(%dma_wait3A_86 : memref<100000x16xf32, #tpu.memory_space<vmem_shared>>)
      } else {
      }
      %convert_element_type3A_50 = arith.extui %lt3A_44 : i1 to i32
      %cond3A_51 = arith.constant 0 : i32
      %cond3A_52 = arith.cmpi ne, %convert_element_type3A_50, %cond3A_51 : i32
      scf.if %cond3A_52 {
        %mul3A_68 = arith.constant 4 : i32
        %mul3A_69 = arith.muli %add3A_34, %mul3A_68 : i32
        "tpu.region"() ({
          %run_scoped3A = tpu.sem_alloc : memref<!tpu.dma_semaphore, #tpu.memory_space<semaphore_mem>>
          %dma_start3A_91 = arith.constant 0 : i32
          %dma_start3A_92 = arith.constant 0 : i32
          %dma_start3A_93 = tpu.memref_slice %arg2[%scan3A_3, %dma_start3A_91, %dma_start3A_92] : memref<2x12500x256xi32, #tpu.memory_space<hbm>> -> memref<1x12500x256xi32, #tpu.memory_space<hbm>>
          %dma_start3A_94 = tpu.memref_squeeze %dma_start3A_93 : memref<1x12500x256xi32, #tpu.memory_space<hbm>> -> memref<12500x256xi32, #tpu.memory_space<hbm>>
          %dma_start3A_95 = arith.constant 0 : i32
          %dma_start3A_96 = tpu.memref_slice %dma_start3A_94[%mul3A_69, %dma_start3A_95] : memref<12500x256xi32, #tpu.memory_space<hbm>> -> memref<4x256xi32, #tpu.memory_space<hbm>>
          %dma_start3A_97 = arith.constant 0 : i32
          %dma_start3A_98 = arith.constant 0 : i32
          %dma_start3A_99 = tpu.memref_slice %arg2[%scan3A_3, %dma_start3A_97, %dma_start3A_98] : memref<2x12500x256xi32, #tpu.memory_space<hbm>> -> memref<1x12500x256xi32, #tpu.memory_space<hbm>>
          %dma_start3A_100 = tpu.memref_squeeze %dma_start3A_99 : memref<1x12500x256xi32, #tpu.memory_space<hbm>> -> memref<12500x256xi32, #tpu.memory_space<hbm>>
          %dma_start3A_101 = arith.constant 0 : i32
          %dma_start3A_102 = tpu.memref_slice %dma_start3A_100[%mul3A_69, %dma_start3A_101] : memref<12500x256xi32, #tpu.memory_space<hbm>> -> memref<4x256xi32, #tpu.memory_space<hbm>>
          tpu.enqueue_dma source(%dma_start3A_102 : memref<4x256xi32, #tpu.memory_space<hbm>>) target(%arg6 : memref<4x256xi32, #tpu.memory_space<vmem>>) target_semaphore(%run_scoped3A : memref<!tpu.dma_semaphore, #tpu.memory_space<semaphore_mem>>)
          %dma_wait3A = arith.constant 0 : i32
          %dma_wait3A_103 = arith.constant 0 : i32
          %dma_wait3A_104 = tpu.memref_slice %arg2[%scan3A_3, %dma_wait3A, %dma_wait3A_103] : memref<2x12500x256xi32, #tpu.memory_space<hbm>> -> memref<1x12500x256xi32, #tpu.memory_space<hbm>>
          %dma_wait3A_105 = tpu.memref_squeeze %dma_wait3A_104 : memref<1x12500x256xi32, #tpu.memory_space<hbm>> -> memref<12500x256xi32, #tpu.memory_space<hbm>>
          %dma_wait3A_106 = arith.constant 0 : i32
          %dma_wait3A_107 = tpu.memref_slice %dma_wait3A_105[%mul3A_69, %dma_wait3A_106] : memref<12500x256xi32, #tpu.memory_space<hbm>> -> memref<4x256xi32, #tpu.memory_space<hbm>>
          %dma_wait3A_108 = arith.constant 0 : i32
          %dma_wait3A_109 = arith.constant 0 : i32
          %dma_wait3A_110 = tpu.memref_slice %arg2[%scan3A_3, %dma_wait3A_108, %dma_wait3A_109] : memref<2x12500x256xi32, #tpu.memory_space<hbm>> -> memref<1x12500x256xi32, #tpu.memory_space<hbm>>
          %dma_wait3A_111 = tpu.memref_squeeze %dma_wait3A_110 : memref<1x12500x256xi32, #tpu.memory_space<hbm>> -> memref<12500x256xi32, #tpu.memory_space<hbm>>
          %dma_wait3A_112 = arith.constant 0 : i32
          %dma_wait3A_113 = tpu.memref_slice %dma_wait3A_111[%mul3A_69, %dma_wait3A_112] : memref<12500x256xi32, #tpu.memory_space<hbm>> -> memref<4x256xi32, #tpu.memory_space<hbm>>
          tpu.wait_dma2 semaphore(%run_scoped3A : memref<!tpu.dma_semaphore, #tpu.memory_space<semaphore_mem>>) src(%dma_wait3A_113 : memref<4x256xi32, #tpu.memory_space<hbm>>) dst(%arg6 : memref<4x256xi32, #tpu.memory_space<vmem>>)
          tpu.yield
        }) : () -> ()
        %mul3A_70 = arith.constant 4 : i32
        %mul3A_71 = arith.muli %add3A_34, %mul3A_70 : i32
        "tpu.region"() ({
          %run_scoped3A = tpu.sem_alloc : memref<!tpu.dma_semaphore, #tpu.memory_space<semaphore_mem>>
          %dma_start3A_91 = arith.constant 0 : i32
          %dma_start3A_92 = arith.constant 0 : i32
          %dma_start3A_93 = tpu.memref_slice %arg2[%scan3A_4, %dma_start3A_91, %dma_start3A_92] : memref<2x12500x256xi32, #tpu.memory_space<hbm>> -> memref<1x12500x256xi32, #tpu.memory_space<hbm>>
          %dma_start3A_94 = tpu.memref_squeeze %dma_start3A_93 : memref<1x12500x256xi32, #tpu.memory_space<hbm>> -> memref<12500x256xi32, #tpu.memory_space<hbm>>
          %dma_start3A_95 = arith.constant 0 : i32
          %dma_start3A_96 = tpu.memref_slice %dma_start3A_94[%mul3A_71, %dma_start3A_95] : memref<12500x256xi32, #tpu.memory_space<hbm>> -> memref<4x256xi32, #tpu.memory_space<hbm>>
          %dma_start3A_97 = arith.constant 0 : i32
          %dma_start3A_98 = arith.constant 0 : i32
          %dma_start3A_99 = tpu.memref_slice %arg2[%scan3A_4, %dma_start3A_97, %dma_start3A_98] : memref<2x12500x256xi32, #tpu.memory_space<hbm>> -> memref<1x12500x256xi32, #tpu.memory_space<hbm>>
          %dma_start3A_100 = tpu.memref_squeeze %dma_start3A_99 : memref<1x12500x256xi32, #tpu.memory_space<hbm>> -> memref<12500x256xi32, #tpu.memory_space<hbm>>
          %dma_start3A_101 = arith.constant 0 : i32
          %dma_start3A_102 = tpu.memref_slice %dma_start3A_100[%mul3A_71, %dma_start3A_101] : memref<12500x256xi32, #tpu.memory_space<hbm>> -> memref<4x256xi32, #tpu.memory_space<hbm>>
          tpu.enqueue_dma source(%dma_start3A_102 : memref<4x256xi32, #tpu.memory_space<hbm>>) target(%arg7 : memref<4x256xi32, #tpu.memory_space<vmem>>) target_semaphore(%run_scoped3A : memref<!tpu.dma_semaphore, #tpu.memory_space<semaphore_mem>>)
          %dma_wait3A = arith.constant 0 : i32
          %dma_wait3A_103 = arith.constant 0 : i32
          %dma_wait3A_104 = tpu.memref_slice %arg2[%scan3A_4, %dma_wait3A, %dma_wait3A_103] : memref<2x12500x256xi32, #tpu.memory_space<hbm>> -> memref<1x12500x256xi32, #tpu.memory_space<hbm>>
          %dma_wait3A_105 = tpu.memref_squeeze %dma_wait3A_104 : memref<1x12500x256xi32, #tpu.memory_space<hbm>> -> memref<12500x256xi32, #tpu.memory_space<hbm>>
          %dma_wait3A_106 = arith.constant 0 : i32
          %dma_wait3A_107 = tpu.memref_slice %dma_wait3A_105[%mul3A_71, %dma_wait3A_106] : memref<12500x256xi32, #tpu.memory_space<hbm>> -> memref<4x256xi32, #tpu.memory_space<hbm>>
          %dma_wait3A_108 = arith.constant 0 : i32
          %dma_wait3A_109 = arith.constant 0 : i32
          %dma_wait3A_110 = tpu.memref_slice %arg2[%scan3A_4, %dma_wait3A_108, %dma_wait3A_109] : memref<2x12500x256xi32, #tpu.memory_space<hbm>> -> memref<1x12500x256xi32, #tpu.memory_space<hbm>>
          %dma_wait3A_111 = tpu.memref_squeeze %dma_wait3A_110 : memref<1x12500x256xi32, #tpu.memory_space<hbm>> -> memref<12500x256xi32, #tpu.memory_space<hbm>>
          %dma_wait3A_112 = arith.constant 0 : i32
          %dma_wait3A_113 = tpu.memref_slice %dma_wait3A_111[%mul3A_71, %dma_wait3A_112] : memref<12500x256xi32, #tpu.memory_space<hbm>> -> memref<4x256xi32, #tpu.memory_space<hbm>>
          tpu.wait_dma2 semaphore(%run_scoped3A : memref<!tpu.dma_semaphore, #tpu.memory_space<semaphore_mem>>) src(%dma_wait3A_113 : memref<4x256xi32, #tpu.memory_space<hbm>>) dst(%arg7 : memref<4x256xi32, #tpu.memory_space<vmem>>)
          tpu.yield
        }) : () -> ()
        %dma_start3A = arith.constant 0 : i32
        %dma_start3A_72 = arith.constant 0 : i32
        %dma_start3A_73 = arith.constant 0 : i32
        %dma_start3A_74 = tpu.memref_slice %arg10[%dma_start3A_72, %dma_start3A_73] : memref<512x16xf32, #tpu.memory_space<vmem>> -> memref<256x16xf32, #tpu.memory_space<vmem>>
        %dma_start3A_75 = arith.constant 0 : i32
        %dma_start3A_76 = tpu.memref_slice %arg6[%dma_start3A, %dma_start3A_75] : memref<4x256xi32, #tpu.memory_space<vmem>> -> memref<1x256xi32, #tpu.memory_space<vmem>>
        %dma_start3A_77 = tpu.memref_squeeze %dma_start3A_76 : memref<1x256xi32, #tpu.memory_space<vmem>> -> memref<256xi32, #tpu.memory_space<vmem>>
        %dma_start3A_78 = arith.constant 0 : i32
        %dma_start3A_79 = arith.constant 0 : i32
        %dma_start3A_80 = tpu.memref_slice %arg3[%dma_start3A_78, %dma_start3A_79] : memref<100352x16xf32, #tpu.memory_space<hbm>> -> memref<100352x16xf32, #tpu.memory_space<hbm>>
        tpu.enqueue_indirect_dma source(%dma_start3A_80 : memref<100352x16xf32, #tpu.memory_space<hbm>>) target(%dma_start3A_74 : memref<256x16xf32, #tpu.memory_space<vmem>>) offsets(%dma_start3A_77 : memref<256xi32, #tpu.memory_space<vmem>>) semaphore(%arg13 : memref<!tpu.dma_semaphore, #tpu.memory_space<semaphore_mem>>)
        %dma_start3A_81 = arith.constant 1 : i32
        %dma_start3A_82 = arith.constant 256 : i32
        %dma_start3A_83 = arith.constant 0 : i32
        %dma_start3A_84 = tpu.memref_slice %arg10[%dma_start3A_82, %dma_start3A_83] : memref<512x16xf32, #tpu.memory_space<vmem>> -> memref<256x16xf32, #tpu.memory_space<vmem>>
        %dma_start3A_85 = arith.constant 0 : i32
        %dma_start3A_86 = tpu.memref_slice %arg6[%dma_start3A_81, %dma_start3A_85] : memref<4x256xi32, #tpu.memory_space<vmem>> -> memref<1x256xi32, #tpu.memory_space<vmem>>
        %dma_start3A_87 = tpu.memref_squeeze %dma_start3A_86 : memref<1x256xi32, #tpu.memory_space<vmem>> -> memref<256xi32, #tpu.memory_space<vmem>>
        %dma_start3A_88 = arith.constant 0 : i32
        %dma_start3A_89 = arith.constant 0 : i32
        %dma_start3A_90 = tpu.memref_slice %arg3[%dma_start3A_88, %dma_start3A_89] : memref<100352x16xf32, #tpu.memory_space<hbm>> -> memref<100352x16xf32, #tpu.memory_space<hbm>>
        tpu.enqueue_indirect_dma source(%dma_start3A_90 : memref<100352x16xf32, #tpu.memory_space<hbm>>) target(%dma_start3A_84 : memref<256x16xf32, #tpu.memory_space<vmem>>) offsets(%dma_start3A_87 : memref<256xi32, #tpu.memory_space<vmem>>) semaphore(%arg13 : memref<!tpu.dma_semaphore, #tpu.memory_space<semaphore_mem>>)
      } else {
      }
      %convert_element_type3A_53 = arith.extui %and3A_42 : i1 to i32
      %cond3A_54 = arith.constant 0 : i32
      %cond3A_55 = arith.cmpi ne, %convert_element_type3A_53, %cond3A_54 : i32
      scf.if %cond3A_55 {
        %dma_wait3A = arith.constant 2 : i32
        %dma_wait3A_68 = arith.constant 0 : i32
        %dma_wait3A_69 = arith.constant 0 : i32
        %dma_wait3A_70 = tpu.memref_slice %arg11[%dma_wait3A_68, %dma_wait3A_69] : memref<512x16xf32, #tpu.memory_space<vmem>> -> memref<256x16xf32, #tpu.memory_space<vmem>>
        %dma_wait3A_71 = arith.constant 0 : i32
        %dma_wait3A_72 = tpu.memref_slice %arg9[%dma_wait3A, %dma_wait3A_71] : memref<4x256xi32, #tpu.memory_space<vmem>> -> memref<1x256xi32, #tpu.memory_space<vmem>>
        %dma_wait3A_73 = tpu.memref_squeeze %dma_wait3A_72 : memref<1x256xi32, #tpu.memory_space<vmem>> -> memref<256xi32, #tpu.memory_space<vmem>>
        %dma_wait3A_74 = arith.constant 0 : i32
        %dma_wait3A_75 = arith.constant 0 : i32
        %dma_wait3A_76 = tpu.memref_slice %arg12[%dma_wait3A_74, %dma_wait3A_75] : memref<100000x16xf32, #tpu.memory_space<vmem_shared>> -> memref<100000x16xf32, #tpu.memory_space<vmem_shared>>
        tpu.wait_indirect_dma semaphore(%arg16 : memref<!tpu.dma_semaphore, #tpu.memory_space<semaphore_mem>>) src(%dma_wait3A_70 : memref<256x16xf32, #tpu.memory_space<vmem>>) dst(%dma_wait3A_76 : memref<100000x16xf32, #tpu.memory_space<vmem_shared>>)
        %dma_wait3A_77 = arith.constant 3 : i32
        %dma_wait3A_78 = arith.constant 256 : i32
        %dma_wait3A_79 = arith.constant 0 : i32
        %dma_wait3A_80 = tpu.memref_slice %arg11[%dma_wait3A_78, %dma_wait3A_79] : memref<512x16xf32, #tpu.memory_space<vmem>> -> memref<256x16xf32, #tpu.memory_space<vmem>>
        %dma_wait3A_81 = arith.constant 0 : i32
        %dma_wait3A_82 = tpu.memref_slice %arg9[%dma_wait3A_77, %dma_wait3A_81] : memref<4x256xi32, #tpu.memory_space<vmem>> -> memref<1x256xi32, #tpu.memory_space<vmem>>
        %dma_wait3A_83 = tpu.memref_squeeze %dma_wait3A_82 : memref<1x256xi32, #tpu.memory_space<vmem>> -> memref<256xi32, #tpu.memory_space<vmem>>
        %dma_wait3A_84 = arith.constant 0 : i32
        %dma_wait3A_85 = arith.constant 0 : i32
        %dma_wait3A_86 = tpu.memref_slice %arg12[%dma_wait3A_84, %dma_wait3A_85] : memref<100000x16xf32, #tpu.memory_space<vmem_shared>> -> memref<100000x16xf32, #tpu.memory_space<vmem_shared>>
        tpu.wait_indirect_dma semaphore(%arg16 : memref<!tpu.dma_semaphore, #tpu.memory_space<semaphore_mem>>) src(%dma_wait3A_80 : memref<256x16xf32, #tpu.memory_space<vmem>>) dst(%dma_wait3A_86 : memref<100000x16xf32, #tpu.memory_space<vmem_shared>>)
      } else {
      }
      %convert_element_type3A_56 = arith.extui %lt3A_44 : i1 to i32
      %cond3A_57 = arith.constant 0 : i32
      %cond3A_58 = arith.cmpi ne, %convert_element_type3A_56, %cond3A_57 : i32
      scf.if %cond3A_58 {
        %dma_start3A = arith.constant 2 : i32
        %dma_start3A_68 = arith.constant 0 : i32
        %dma_start3A_69 = arith.constant 0 : i32
        %dma_start3A_70 = tpu.memref_slice %arg11[%dma_start3A_68, %dma_start3A_69] : memref<512x16xf32, #tpu.memory_space<vmem>> -> memref<256x16xf32, #tpu.memory_space<vmem>>
        %dma_start3A_71 = arith.constant 0 : i32
        %dma_start3A_72 = tpu.memref_slice %arg6[%dma_start3A, %dma_start3A_71] : memref<4x256xi32, #tpu.memory_space<vmem>> -> memref<1x256xi32, #tpu.memory_space<vmem>>
        %dma_start3A_73 = tpu.memref_squeeze %dma_start3A_72 : memref<1x256xi32, #tpu.memory_space<vmem>> -> memref<256xi32, #tpu.memory_space<vmem>>
        %dma_start3A_74 = arith.constant 0 : i32
        %dma_start3A_75 = arith.constant 0 : i32
        %dma_start3A_76 = tpu.memref_slice %arg3[%dma_start3A_74, %dma_start3A_75] : memref<100352x16xf32, #tpu.memory_space<hbm>> -> memref<100352x16xf32, #tpu.memory_space<hbm>>
        tpu.enqueue_indirect_dma source(%dma_start3A_76 : memref<100352x16xf32, #tpu.memory_space<hbm>>) target(%dma_start3A_70 : memref<256x16xf32, #tpu.memory_space<vmem>>) offsets(%dma_start3A_73 : memref<256xi32, #tpu.memory_space<vmem>>) semaphore(%arg14 : memref<!tpu.dma_semaphore, #tpu.memory_space<semaphore_mem>>)
        %dma_start3A_77 = arith.constant 3 : i32
        %dma_start3A_78 = arith.constant 256 : i32
        %dma_start3A_79 = arith.constant 0 : i32
        %dma_start3A_80 = tpu.memref_slice %arg11[%dma_start3A_78, %dma_start3A_79] : memref<512x16xf32, #tpu.memory_space<vmem>> -> memref<256x16xf32, #tpu.memory_space<vmem>>
        %dma_start3A_81 = arith.constant 0 : i32
        %dma_start3A_82 = tpu.memref_slice %arg6[%dma_start3A_77, %dma_start3A_81] : memref<4x256xi32, #tpu.memory_space<vmem>> -> memref<1x256xi32, #tpu.memory_space<vmem>>
        %dma_start3A_83 = tpu.memref_squeeze %dma_start3A_82 : memref<1x256xi32, #tpu.memory_space<vmem>> -> memref<256xi32, #tpu.memory_space<vmem>>
        %dma_start3A_84 = arith.constant 0 : i32
        %dma_start3A_85 = arith.constant 0 : i32
        %dma_start3A_86 = tpu.memref_slice %arg3[%dma_start3A_84, %dma_start3A_85] : memref<100352x16xf32, #tpu.memory_space<hbm>> -> memref<100352x16xf32, #tpu.memory_space<hbm>>
        tpu.enqueue_indirect_dma source(%dma_start3A_86 : memref<100352x16xf32, #tpu.memory_space<hbm>>) target(%dma_start3A_80 : memref<256x16xf32, #tpu.memory_space<vmem>>) offsets(%dma_start3A_83 : memref<256xi32, #tpu.memory_space<vmem>>) semaphore(%arg14 : memref<!tpu.dma_semaphore, #tpu.memory_space<semaphore_mem>>)
        %dma_wait3A = arith.constant 0 : i32
        %dma_wait3A_87 = arith.constant 0 : i32
        %dma_wait3A_88 = arith.constant 0 : i32
        %dma_wait3A_89 = tpu.memref_slice %arg10[%dma_wait3A_87, %dma_wait3A_88] : memref<512x16xf32, #tpu.memory_space<vmem>> -> memref<256x16xf32, #tpu.memory_space<vmem>>
        %dma_wait3A_90 = arith.constant 0 : i32
        %dma_wait3A_91 = tpu.memref_slice %arg6[%dma_wait3A, %dma_wait3A_90] : memref<4x256xi32, #tpu.memory_space<vmem>> -> memref<1x256xi32, #tpu.memory_space<vmem>>
        %dma_wait3A_92 = tpu.memref_squeeze %dma_wait3A_91 : memref<1x256xi32, #tpu.memory_space<vmem>> -> memref<256xi32, #tpu.memory_space<vmem>>
        %dma_wait3A_93 = arith.constant 0 : i32
        %dma_wait3A_94 = arith.constant 0 : i32
        %dma_wait3A_95 = tpu.memref_slice %arg3[%dma_wait3A_93, %dma_wait3A_94] : memref<100352x16xf32, #tpu.memory_space<hbm>> -> memref<100352x16xf32, #tpu.memory_space<hbm>>
        tpu.wait_indirect_dma semaphore(%arg13 : memref<!tpu.dma_semaphore, #tpu.memory_space<semaphore_mem>>) src(%dma_wait3A_95 : memref<100352x16xf32, #tpu.memory_space<hbm>>) dst(%dma_wait3A_89 : memref<256x16xf32, #tpu.memory_space<vmem>>)
        %dma_wait3A_96 = arith.constant 1 : i32
        %dma_wait3A_97 = arith.constant 256 : i32
        %dma_wait3A_98 = arith.constant 0 : i32
        %dma_wait3A_99 = tpu.memref_slice %arg10[%dma_wait3A_97, %dma_wait3A_98] : memref<512x16xf32, #tpu.memory_space<vmem>> -> memref<256x16xf32, #tpu.memory_space<vmem>>
        %dma_wait3A_100 = arith.constant 0 : i32
        %dma_wait3A_101 = tpu.memref_slice %arg6[%dma_wait3A_96, %dma_wait3A_100] : memref<4x256xi32, #tpu.memory_space<vmem>> -> memref<1x256xi32, #tpu.memory_space<vmem>>
        %dma_wait3A_102 = tpu.memref_squeeze %dma_wait3A_101 : memref<1x256xi32, #tpu.memory_space<vmem>> -> memref<256xi32, #tpu.memory_space<vmem>>
        %dma_wait3A_103 = arith.constant 0 : i32
        %dma_wait3A_104 = arith.constant 0 : i32
        %dma_wait3A_105 = tpu.memref_slice %arg3[%dma_wait3A_103, %dma_wait3A_104] : memref<100352x16xf32, #tpu.memory_space<hbm>> -> memref<100352x16xf32, #tpu.memory_space<hbm>>
        tpu.wait_indirect_dma semaphore(%arg13 : memref<!tpu.dma_semaphore, #tpu.memory_space<semaphore_mem>>) src(%dma_wait3A_105 : memref<100352x16xf32, #tpu.memory_space<hbm>>) dst(%dma_wait3A_99 : memref<256x16xf32, #tpu.memory_space<vmem>>)
        %dma_start3A_106 = arith.constant 0 : i32
        %dma_start3A_107 = arith.constant 0 : i32
        %dma_start3A_108 = arith.constant 0 : i32
        %dma_start3A_109 = tpu.memref_slice %arg10[%dma_start3A_107, %dma_start3A_108] : memref<512x16xf32, #tpu.memory_space<vmem>> -> memref<256x16xf32, #tpu.memory_space<vmem>>
        %dma_start3A_110 = arith.constant 0 : i32
        %dma_start3A_111 = tpu.memref_slice %arg7[%dma_start3A_106, %dma_start3A_110] : memref<4x256xi32, #tpu.memory_space<vmem>> -> memref<1x256xi32, #tpu.memory_space<vmem>>
        %dma_start3A_112 = tpu.memref_squeeze %dma_start3A_111 : memref<1x256xi32, #tpu.memory_space<vmem>> -> memref<256xi32, #tpu.memory_space<vmem>>
        %dma_start3A_113 = arith.constant 0 : i32
        %dma_start3A_114 = arith.constant 0 : i32
        %dma_start3A_115 = tpu.memref_slice %arg12[%dma_start3A_113, %dma_start3A_114] : memref<100000x16xf32, #tpu.memory_space<vmem_shared>> -> memref<100000x16xf32, #tpu.memory_space<vmem_shared>>
        tpu.enqueue_indirect_dma source(%dma_start3A_109 : memref<256x16xf32, #tpu.memory_space<vmem>>) target(%dma_start3A_115 : memref<100000x16xf32, #tpu.memory_space<vmem_shared>>) offsets(%dma_start3A_112 : memref<256xi32, #tpu.memory_space<vmem>>) semaphore(%arg15 : memref<!tpu.dma_semaphore, #tpu.memory_space<semaphore_mem>>) {add = true}
        %dma_start3A_116 = arith.constant 1 : i32
        %dma_start3A_117 = arith.constant 256 : i32
        %dma_start3A_118 = arith.constant 0 : i32
        %dma_start3A_119 = tpu.memref_slice %arg10[%dma_start3A_117, %dma_start3A_118] : memref<512x16xf32, #tpu.memory_space<vmem>> -> memref<256x16xf32, #tpu.memory_space<vmem>>
        %dma_start3A_120 = arith.constant 0 : i32
        %dma_start3A_121 = tpu.memref_slice %arg7[%dma_start3A_116, %dma_start3A_120] : memref<4x256xi32, #tpu.memory_space<vmem>> -> memref<1x256xi32, #tpu.memory_space<vmem>>
        %dma_start3A_122 = tpu.memref_squeeze %dma_start3A_121 : memref<1x256xi32, #tpu.memory_space<vmem>> -> memref<256xi32, #tpu.memory_space<vmem>>
        %dma_start3A_123 = arith.constant 0 : i32
        %dma_start3A_124 = arith.constant 0 : i32
        %dma_start3A_125 = tpu.memref_slice %arg12[%dma_start3A_123, %dma_start3A_124] : memref<100000x16xf32, #tpu.memory_space<vmem_shared>> -> memref<100000x16xf32, #tpu.memory_space<vmem_shared>>
        tpu.enqueue_indirect_dma source(%dma_start3A_119 : memref<256x16xf32, #tpu.memory_space<vmem>>) target(%dma_start3A_125 : memref<100000x16xf32, #tpu.memory_space<vmem_shared>>) offsets(%dma_start3A_122 : memref<256xi32, #tpu.memory_space<vmem>>) semaphore(%arg15 : memref<!tpu.dma_semaphore, #tpu.memory_space<semaphore_mem>>) {add = true}
      } else {
      }
      %convert_element_type3A_59 = arith.extui %lt3A_46 : i1 to i32
      %cond3A_60 = arith.constant 0 : i32
      %cond3A_61 = arith.cmpi ne, %convert_element_type3A_59, %cond3A_60 : i32
      scf.if %cond3A_61 {
        %mul3A_68 = arith.constant 4 : i32
        %mul3A_69 = arith.muli %add3A_36, %mul3A_68 : i32
        "tpu.region"() ({
          %run_scoped3A = tpu.sem_alloc : memref<!tpu.dma_semaphore, #tpu.memory_space<semaphore_mem>>
          %dma_start3A = arith.constant 0 : i32
          %dma_start3A_72 = arith.constant 0 : i32
          %dma_start3A_73 = tpu.memref_slice %arg2[%scan3A_3, %dma_start3A, %dma_start3A_72] : memref<2x12500x256xi32, #tpu.memory_space<hbm>> -> memref<1x12500x256xi32, #tpu.memory_space<hbm>>
          %dma_start3A_74 = tpu.memref_squeeze %dma_start3A_73 : memref<1x12500x256xi32, #tpu.memory_space<hbm>> -> memref<12500x256xi32, #tpu.memory_space<hbm>>
          %dma_start3A_75 = arith.constant 0 : i32
          %dma_start3A_76 = tpu.memref_slice %dma_start3A_74[%mul3A_69, %dma_start3A_75] : memref<12500x256xi32, #tpu.memory_space<hbm>> -> memref<4x256xi32, #tpu.memory_space<hbm>>
          %dma_start3A_77 = arith.constant 0 : i32
          %dma_start3A_78 = arith.constant 0 : i32
          %dma_start3A_79 = tpu.memref_slice %arg2[%scan3A_3, %dma_start3A_77, %dma_start3A_78] : memref<2x12500x256xi32, #tpu.memory_space<hbm>> -> memref<1x12500x256xi32, #tpu.memory_space<hbm>>
          %dma_start3A_80 = tpu.memref_squeeze %dma_start3A_79 : memref<1x12500x256xi32, #tpu.memory_space<hbm>> -> memref<12500x256xi32, #tpu.memory_space<hbm>>
          %dma_start3A_81 = arith.constant 0 : i32
          %dma_start3A_82 = tpu.memref_slice %dma_start3A_80[%mul3A_69, %dma_start3A_81] : memref<12500x256xi32, #tpu.memory_space<hbm>> -> memref<4x256xi32, #tpu.memory_space<hbm>>
          tpu.enqueue_dma source(%dma_start3A_82 : memref<4x256xi32, #tpu.memory_space<hbm>>) target(%arg8 : memref<4x256xi32, #tpu.memory_space<vmem>>) target_semaphore(%run_scoped3A : memref<!tpu.dma_semaphore, #tpu.memory_space<semaphore_mem>>)
          %dma_wait3A = arith.constant 0 : i32
          %dma_wait3A_83 = arith.constant 0 : i32
          %dma_wait3A_84 = tpu.memref_slice %arg2[%scan3A_3, %dma_wait3A, %dma_wait3A_83] : memref<2x12500x256xi32, #tpu.memory_space<hbm>> -> memref<1x12500x256xi32, #tpu.memory_space<hbm>>
          %dma_wait3A_85 = tpu.memref_squeeze %dma_wait3A_84 : memref<1x12500x256xi32, #tpu.memory_space<hbm>> -> memref<12500x256xi32, #tpu.memory_space<hbm>>
          %dma_wait3A_86 = arith.constant 0 : i32
          %dma_wait3A_87 = tpu.memref_slice %dma_wait3A_85[%mul3A_69, %dma_wait3A_86] : memref<12500x256xi32, #tpu.memory_space<hbm>> -> memref<4x256xi32, #tpu.memory_space<hbm>>
          %dma_wait3A_88 = arith.constant 0 : i32
          %dma_wait3A_89 = arith.constant 0 : i32
          %dma_wait3A_90 = tpu.memref_slice %arg2[%scan3A_3, %dma_wait3A_88, %dma_wait3A_89] : memref<2x12500x256xi32, #tpu.memory_space<hbm>> -> memref<1x12500x256xi32, #tpu.memory_space<hbm>>
          %dma_wait3A_91 = tpu.memref_squeeze %dma_wait3A_90 : memref<1x12500x256xi32, #tpu.memory_space<hbm>> -> memref<12500x256xi32, #tpu.memory_space<hbm>>
          %dma_wait3A_92 = arith.constant 0 : i32
          %dma_wait3A_93 = tpu.memref_slice %dma_wait3A_91[%mul3A_69, %dma_wait3A_92] : memref<12500x256xi32, #tpu.memory_space<hbm>> -> memref<4x256xi32, #tpu.memory_space<hbm>>
          tpu.wait_dma2 semaphore(%run_scoped3A : memref<!tpu.dma_semaphore, #tpu.memory_space<semaphore_mem>>) src(%dma_wait3A_93 : memref<4x256xi32, #tpu.memory_space<hbm>>) dst(%arg8 : memref<4x256xi32, #tpu.memory_space<vmem>>)
          tpu.yield
        }) : () -> ()
        %mul3A_70 = arith.constant 4 : i32
        %mul3A_71 = arith.muli %add3A_36, %mul3A_70 : i32
        "tpu.region"() ({
          %run_scoped3A = tpu.sem_alloc : memref<!tpu.dma_semaphore, #tpu.memory_space<semaphore_mem>>
          %dma_start3A = arith.constant 0 : i32
          %dma_start3A_72 = arith.constant 0 : i32
          %dma_start3A_73 = tpu.memref_slice %arg2[%scan3A_4, %dma_start3A, %dma_start3A_72] : memref<2x12500x256xi32, #tpu.memory_space<hbm>> -> memref<1x12500x256xi32, #tpu.memory_space<hbm>>
          %dma_start3A_74 = tpu.memref_squeeze %dma_start3A_73 : memref<1x12500x256xi32, #tpu.memory_space<hbm>> -> memref<12500x256xi32, #tpu.memory_space<hbm>>
          %dma_start3A_75 = arith.constant 0 : i32
          %dma_start3A_76 = tpu.memref_slice %dma_start3A_74[%mul3A_71, %dma_start3A_75] : memref<12500x256xi32, #tpu.memory_space<hbm>> -> memref<4x256xi32, #tpu.memory_space<hbm>>
          %dma_start3A_77 = arith.constant 0 : i32
          %dma_start3A_78 = arith.constant 0 : i32
          %dma_start3A_79 = tpu.memref_slice %arg2[%scan3A_4, %dma_start3A_77, %dma_start3A_78] : memref<2x12500x256xi32, #tpu.memory_space<hbm>> -> memref<1x12500x256xi32, #tpu.memory_space<hbm>>
          %dma_start3A_80 = tpu.memref_squeeze %dma_start3A_79 : memref<1x12500x256xi32, #tpu.memory_space<hbm>> -> memref<12500x256xi32, #tpu.memory_space<hbm>>
          %dma_start3A_81 = arith.constant 0 : i32
          %dma_start3A_82 = tpu.memref_slice %dma_start3A_80[%mul3A_71, %dma_start3A_81] : memref<12500x256xi32, #tpu.memory_space<hbm>> -> memref<4x256xi32, #tpu.memory_space<hbm>>
          tpu.enqueue_dma source(%dma_start3A_82 : memref<4x256xi32, #tpu.memory_space<hbm>>) target(%arg9 : memref<4x256xi32, #tpu.memory_space<vmem>>) target_semaphore(%run_scoped3A : memref<!tpu.dma_semaphore, #tpu.memory_space<semaphore_mem>>)
          %dma_wait3A = arith.constant 0 : i32
          %dma_wait3A_83 = arith.constant 0 : i32
          %dma_wait3A_84 = tpu.memref_slice %arg2[%scan3A_4, %dma_wait3A, %dma_wait3A_83] : memref<2x12500x256xi32, #tpu.memory_space<hbm>> -> memref<1x12500x256xi32, #tpu.memory_space<hbm>>
          %dma_wait3A_85 = tpu.memref_squeeze %dma_wait3A_84 : memref<1x12500x256xi32, #tpu.memory_space<hbm>> -> memref<12500x256xi32, #tpu.memory_space<hbm>>
          %dma_wait3A_86 = arith.constant 0 : i32
          %dma_wait3A_87 = tpu.memref_slice %dma_wait3A_85[%mul3A_71, %dma_wait3A_86] : memref<12500x256xi32, #tpu.memory_space<hbm>> -> memref<4x256xi32, #tpu.memory_space<hbm>>
          %dma_wait3A_88 = arith.constant 0 : i32
          %dma_wait3A_89 = arith.constant 0 : i32
          %dma_wait3A_90 = tpu.memref_slice %arg2[%scan3A_4, %dma_wait3A_88, %dma_wait3A_89] : memref<2x12500x256xi32, #tpu.memory_space<hbm>> -> memref<1x12500x256xi32, #tpu.memory_space<hbm>>
          %dma_wait3A_91 = tpu.memref_squeeze %dma_wait3A_90 : memref<1x12500x256xi32, #tpu.memory_space<hbm>> -> memref<12500x256xi32, #tpu.memory_space<hbm>>
          %dma_wait3A_92 = arith.constant 0 : i32
          %dma_wait3A_93 = tpu.memref_slice %dma_wait3A_91[%mul3A_71, %dma_wait3A_92] : memref<12500x256xi32, #tpu.memory_space<hbm>> -> memref<4x256xi32, #tpu.memory_space<hbm>>
          tpu.wait_dma2 semaphore(%run_scoped3A : memref<!tpu.dma_semaphore, #tpu.memory_space<semaphore_mem>>) src(%dma_wait3A_93 : memref<4x256xi32, #tpu.memory_space<hbm>>) dst(%arg9 : memref<4x256xi32, #tpu.memory_space<vmem>>)
          tpu.yield
        }) : () -> ()
      } else {
      }
      %convert_element_type3A_62 = arith.extui %lt3A_44 : i1 to i32
      %cond3A_63 = arith.constant 0 : i32
      %cond3A_64 = arith.cmpi ne, %convert_element_type3A_62, %cond3A_63 : i32
      scf.if %cond3A_64 {
        %dma_wait3A = arith.constant 2 : i32
        %dma_wait3A_68 = arith.constant 0 : i32
        %dma_wait3A_69 = arith.constant 0 : i32
        %dma_wait3A_70 = tpu.memref_slice %arg11[%dma_wait3A_68, %dma_wait3A_69] : memref<512x16xf32, #tpu.memory_space<vmem>> -> memref<256x16xf32, #tpu.memory_space<vmem>>
        %dma_wait3A_71 = arith.constant 0 : i32
        %dma_wait3A_72 = tpu.memref_slice %arg6[%dma_wait3A, %dma_wait3A_71] : memref<4x256xi32, #tpu.memory_space<vmem>> -> memref<1x256xi32, #tpu.memory_space<vmem>>
        %dma_wait3A_73 = tpu.memref_squeeze %dma_wait3A_72 : memref<1x256xi32, #tpu.memory_space<vmem>> -> memref<256xi32, #tpu.memory_space<vmem>>
        %dma_wait3A_74 = arith.constant 0 : i32
        %dma_wait3A_75 = arith.constant 0 : i32
        %dma_wait3A_76 = tpu.memref_slice %arg3[%dma_wait3A_74, %dma_wait3A_75] : memref<100352x16xf32, #tpu.memory_space<hbm>> -> memref<100352x16xf32, #tpu.memory_space<hbm>>
        tpu.wait_indirect_dma semaphore(%arg14 : memref<!tpu.dma_semaphore, #tpu.memory_space<semaphore_mem>>) src(%dma_wait3A_76 : memref<100352x16xf32, #tpu.memory_space<hbm>>) dst(%dma_wait3A_70 : memref<256x16xf32, #tpu.memory_space<vmem>>)
        %dma_wait3A_77 = arith.constant 3 : i32
        %dma_wait3A_78 = arith.constant 256 : i32
        %dma_wait3A_79 = arith.constant 0 : i32
        %dma_wait3A_80 = tpu.memref_slice %arg11[%dma_wait3A_78, %dma_wait3A_79] : memref<512x16xf32, #tpu.memory_space<vmem>> -> memref<256x16xf32, #tpu.memory_space<vmem>>
        %dma_wait3A_81 = arith.constant 0 : i32
        %dma_wait3A_82 = tpu.memref_slice %arg6[%dma_wait3A_77, %dma_wait3A_81] : memref<4x256xi32, #tpu.memory_space<vmem>> -> memref<1x256xi32, #tpu.memory_space<vmem>>
        %dma_wait3A_83 = tpu.memref_squeeze %dma_wait3A_82 : memref<1x256xi32, #tpu.memory_space<vmem>> -> memref<256xi32, #tpu.memory_space<vmem>>
        %dma_wait3A_84 = arith.constant 0 : i32
        %dma_wait3A_85 = arith.constant 0 : i32
        %dma_wait3A_86 = tpu.memref_slice %arg3[%dma_wait3A_84, %dma_wait3A_85] : memref<100352x16xf32, #tpu.memory_space<hbm>> -> memref<100352x16xf32, #tpu.memory_space<hbm>>
        tpu.wait_indirect_dma semaphore(%arg14 : memref<!tpu.dma_semaphore, #tpu.memory_space<semaphore_mem>>) src(%dma_wait3A_86 : memref<100352x16xf32, #tpu.memory_space<hbm>>) dst(%dma_wait3A_80 : memref<256x16xf32, #tpu.memory_space<vmem>>)
        %dma_start3A = arith.constant 2 : i32
        %dma_start3A_87 = arith.constant 0 : i32
        %dma_start3A_88 = arith.constant 0 : i32
        %dma_start3A_89 = tpu.memref_slice %arg11[%dma_start3A_87, %dma_start3A_88] : memref<512x16xf32, #tpu.memory_space<vmem>> -> memref<256x16xf32, #tpu.memory_space<vmem>>
        %dma_start3A_90 = arith.constant 0 : i32
        %dma_start3A_91 = tpu.memref_slice %arg7[%dma_start3A, %dma_start3A_90] : memref<4x256xi32, #tpu.memory_space<vmem>> -> memref<1x256xi32, #tpu.memory_space<vmem>>
        %dma_start3A_92 = tpu.memref_squeeze %dma_start3A_91 : memref<1x256xi32, #tpu.memory_space<vmem>> -> memref<256xi32, #tpu.memory_space<vmem>>
        %dma_start3A_93 = arith.constant 0 : i32
        %dma_start3A_94 = arith.constant 0 : i32
        %dma_start3A_95 = tpu.memref_slice %arg12[%dma_start3A_93, %dma_start3A_94] : memref<100000x16xf32, #tpu.memory_space<vmem_shared>> -> memref<100000x16xf32, #tpu.memory_space<vmem_shared>>
        tpu.enqueue_indirect_dma source(%dma_start3A_89 : memref<256x16xf32, #tpu.memory_space<vmem>>) target(%dma_start3A_95 : memref<100000x16xf32, #tpu.memory_space<vmem_shared>>) offsets(%dma_start3A_92 : memref<256xi32, #tpu.memory_space<vmem>>) semaphore(%arg16 : memref<!tpu.dma_semaphore, #tpu.memory_space<semaphore_mem>>) {add = true}
        %dma_start3A_96 = arith.constant 3 : i32
        %dma_start3A_97 = arith.constant 256 : i32
        %dma_start3A_98 = arith.constant 0 : i32
        %dma_start3A_99 = tpu.memref_slice %arg11[%dma_start3A_97, %dma_start3A_98] : memref<512x16xf32, #tpu.memory_space<vmem>> -> memref<256x16xf32, #tpu.memory_space<vmem>>
        %dma_start3A_100 = arith.constant 0 : i32
        %dma_start3A_101 = tpu.memref_slice %arg7[%dma_start3A_96, %dma_start3A_100] : memref<4x256xi32, #tpu.memory_space<vmem>> -> memref<1x256xi32, #tpu.memory_space<vmem>>
        %dma_start3A_102 = tpu.memref_squeeze %dma_start3A_101 : memref<1x256xi32, #tpu.memory_space<vmem>> -> memref<256xi32, #tpu.memory_space<vmem>>
        %dma_start3A_103 = arith.constant 0 : i32
        %dma_start3A_104 = arith.constant 0 : i32
        %dma_start3A_105 = tpu.memref_slice %arg12[%dma_start3A_103, %dma_start3A_104] : memref<100000x16xf32, #tpu.memory_space<vmem_shared>> -> memref<100000x16xf32, #tpu.memory_space<vmem_shared>>
        tpu.enqueue_indirect_dma source(%dma_start3A_99 : memref<256x16xf32, #tpu.memory_space<vmem>>) target(%dma_start3A_105 : memref<100000x16xf32, #tpu.memory_space<vmem_shared>>) offsets(%dma_start3A_102 : memref<256xi32, #tpu.memory_space<vmem>>) semaphore(%arg16 : memref<!tpu.dma_semaphore, #tpu.memory_space<semaphore_mem>>) {add = true}
      } else {
      }
      %convert_element_type3A_65 = arith.extui %lt3A_46 : i1 to i32
      %cond3A_66 = arith.constant 0 : i32
      %cond3A_67 = arith.cmpi ne, %convert_element_type3A_65, %cond3A_66 : i32
      scf.if %cond3A_67 {
        %dma_wait3A = arith.constant 0 : i32
        %dma_wait3A_68 = arith.constant 0 : i32
        %dma_wait3A_69 = arith.constant 0 : i32
        %dma_wait3A_70 = tpu.memref_slice %arg10[%dma_wait3A_68, %dma_wait3A_69] : memref<512x16xf32, #tpu.memory_space<vmem>> -> memref<256x16xf32, #tpu.memory_space<vmem>>
        %dma_wait3A_71 = arith.constant 0 : i32
        %dma_wait3A_72 = tpu.memref_slice %arg7[%dma_wait3A, %dma_wait3A_71] : memref<4x256xi32, #tpu.memory_space<vmem>> -> memref<1x256xi32, #tpu.memory_space<vmem>>
        %dma_wait3A_73 = tpu.memref_squeeze %dma_wait3A_72 : memref<1x256xi32, #tpu.memory_space<vmem>> -> memref<256xi32, #tpu.memory_space<vmem>>
        %dma_wait3A_74 = arith.constant 0 : i32
        %dma_wait3A_75 = arith.constant 0 : i32
        %dma_wait3A_76 = tpu.memref_slice %arg12[%dma_wait3A_74, %dma_wait3A_75] : memref<100000x16xf32, #tpu.memory_space<vmem_shared>> -> memref<100000x16xf32, #tpu.memory_space<vmem_shared>>
        tpu.wait_indirect_dma semaphore(%arg15 : memref<!tpu.dma_semaphore, #tpu.memory_space<semaphore_mem>>) src(%dma_wait3A_70 : memref<256x16xf32, #tpu.memory_space<vmem>>) dst(%dma_wait3A_76 : memref<100000x16xf32, #tpu.memory_space<vmem_shared>>)
        %dma_wait3A_77 = arith.constant 1 : i32
        %dma_wait3A_78 = arith.constant 256 : i32
        %dma_wait3A_79 = arith.constant 0 : i32
        %dma_wait3A_80 = tpu.memref_slice %arg10[%dma_wait3A_78, %dma_wait3A_79] : memref<512x16xf32, #tpu.memory_space<vmem>> -> memref<256x16xf32, #tpu.memory_space<vmem>>
        %dma_wait3A_81 = arith.constant 0 : i32
        %dma_wait3A_82 = tpu.memref_slice %arg7[%dma_wait3A_77, %dma_wait3A_81] : memref<4x256xi32, #tpu.memory_space<vmem>> -> memref<1x256xi32, #tpu.memory_space<vmem>>
        %dma_wait3A_83 = tpu.memref_squeeze %dma_wait3A_82 : memref<1x256xi32, #tpu.memory_space<vmem>> -> memref<256xi32, #tpu.memory_space<vmem>>
        %dma_wait3A_84 = arith.constant 0 : i32
        %dma_wait3A_85 = arith.constant 0 : i32
        %dma_wait3A_86 = tpu.memref_slice %arg12[%dma_wait3A_84, %dma_wait3A_85] : memref<100000x16xf32, #tpu.memory_space<vmem_shared>> -> memref<100000x16xf32, #tpu.memory_space<vmem_shared>>
        tpu.wait_indirect_dma semaphore(%arg15 : memref<!tpu.dma_semaphore, #tpu.memory_space<semaphore_mem>>) src(%dma_wait3A_80 : memref<256x16xf32, #tpu.memory_space<vmem>>) dst(%dma_wait3A_86 : memref<100000x16xf32, #tpu.memory_space<vmem_shared>>)
        %dma_start3A = arith.constant 0 : i32
        %dma_start3A_87 = arith.constant 0 : i32
        %dma_start3A_88 = arith.constant 0 : i32
        %dma_start3A_89 = tpu.memref_slice %arg10[%dma_start3A_87, %dma_start3A_88] : memref<512x16xf32, #tpu.memory_space<vmem>> -> memref<256x16xf32, #tpu.memory_space<vmem>>
        %dma_start3A_90 = arith.constant 0 : i32
        %dma_start3A_91 = tpu.memref_slice %arg8[%dma_start3A, %dma_start3A_90] : memref<4x256xi32, #tpu.memory_space<vmem>> -> memref<1x256xi32, #tpu.memory_space<vmem>>
        %dma_start3A_92 = tpu.memref_squeeze %dma_start3A_91 : memref<1x256xi32, #tpu.memory_space<vmem>> -> memref<256xi32, #tpu.memory_space<vmem>>
        %dma_start3A_93 = arith.constant 0 : i32
        %dma_start3A_94 = arith.constant 0 : i32
        %dma_start3A_95 = tpu.memref_slice %arg3[%dma_start3A_93, %dma_start3A_94] : memref<100352x16xf32, #tpu.memory_space<hbm>> -> memref<100352x16xf32, #tpu.memory_space<hbm>>
        tpu.enqueue_indirect_dma source(%dma_start3A_95 : memref<100352x16xf32, #tpu.memory_space<hbm>>) target(%dma_start3A_89 : memref<256x16xf32, #tpu.memory_space<vmem>>) offsets(%dma_start3A_92 : memref<256xi32, #tpu.memory_space<vmem>>) semaphore(%arg13 : memref<!tpu.dma_semaphore, #tpu.memory_space<semaphore_mem>>)
        %dma_start3A_96 = arith.constant 1 : i32
        %dma_start3A_97 = arith.constant 256 : i32
        %dma_start3A_98 = arith.constant 0 : i32
        %dma_start3A_99 = tpu.memref_slice %arg10[%dma_start3A_97, %dma_start3A_98] : memref<512x16xf32, #tpu.memory_space<vmem>> -> memref<256x16xf32, #tpu.memory_space<vmem>>
        %dma_start3A_100 = arith.constant 0 : i32
        %dma_start3A_101 = tpu.memref_slice %arg8[%dma_start3A_96, %dma_start3A_100] : memref<4x256xi32, #tpu.memory_space<vmem>> -> memref<1x256xi32, #tpu.memory_space<vmem>>
        %dma_start3A_102 = tpu.memref_squeeze %dma_start3A_101 : memref<1x256xi32, #tpu.memory_space<vmem>> -> memref<256xi32, #tpu.memory_space<vmem>>
        %dma_start3A_103 = arith.constant 0 : i32
        %dma_start3A_104 = arith.constant 0 : i32
        %dma_start3A_105 = tpu.memref_slice %arg3[%dma_start3A_103, %dma_start3A_104] : memref<100352x16xf32, #tpu.memory_space<hbm>> -> memref<100352x16xf32, #tpu.memory_space<hbm>>
        tpu.enqueue_indirect_dma source(%dma_start3A_105 : memref<100352x16xf32, #tpu.memory_space<hbm>>) target(%dma_start3A_99 : memref<256x16xf32, #tpu.memory_space<vmem>>) offsets(%dma_start3A_102 : memref<256xi32, #tpu.memory_space<vmem>>) semaphore(%arg13 : memref<!tpu.dma_semaphore, #tpu.memory_space<semaphore_mem>>)
        %dma_wait3A_106 = arith.constant 0 : i32
        %dma_wait3A_107 = arith.constant 0 : i32
        %dma_wait3A_108 = arith.constant 0 : i32
        %dma_wait3A_109 = tpu.memref_slice %arg10[%dma_wait3A_107, %dma_wait3A_108] : memref<512x16xf32, #tpu.memory_space<vmem>> -> memref<256x16xf32, #tpu.memory_space<vmem>>
        %dma_wait3A_110 = arith.constant 0 : i32
        %dma_wait3A_111 = tpu.memref_slice %arg8[%dma_wait3A_106, %dma_wait3A_110] : memref<4x256xi32, #tpu.memory_space<vmem>> -> memref<1x256xi32, #tpu.memory_space<vmem>>
        %dma_wait3A_112 = tpu.memref_squeeze %dma_wait3A_111 : memref<1x256xi32, #tpu.memory_space<vmem>> -> memref<256xi32, #tpu.memory_space<vmem>>
        %dma_wait3A_113 = arith.constant 0 : i32
        %dma_wait3A_114 = arith.constant 0 : i32
        %dma_wait3A_115 = tpu.memref_slice %arg3[%dma_wait3A_113, %dma_wait3A_114] : memref<100352x16xf32, #tpu.memory_space<hbm>> -> memref<100352x16xf32, #tpu.memory_space<hbm>>
        tpu.wait_indirect_dma semaphore(%arg13 : memref<!tpu.dma_semaphore, #tpu.memory_space<semaphore_mem>>) src(%dma_wait3A_115 : memref<100352x16xf32, #tpu.memory_space<hbm>>) dst(%dma_wait3A_109 : memref<256x16xf32, #tpu.memory_space<vmem>>)
        %dma_wait3A_116 = arith.constant 1 : i32
        %dma_wait3A_117 = arith.constant 256 : i32
        %dma_wait3A_118 = arith.constant 0 : i32
        %dma_wait3A_119 = tpu.memref_slice %arg10[%dma_wait3A_117, %dma_wait3A_118] : memref<512x16xf32, #tpu.memory_space<vmem>> -> memref<256x16xf32, #tpu.memory_space<vmem>>
        %dma_wait3A_120 = arith.constant 0 : i32
        %dma_wait3A_121 = tpu.memref_slice %arg8[%dma_wait3A_116, %dma_wait3A_120] : memref<4x256xi32, #tpu.memory_space<vmem>> -> memref<1x256xi32, #tpu.memory_space<vmem>>
        %dma_wait3A_122 = tpu.memref_squeeze %dma_wait3A_121 : memref<1x256xi32, #tpu.memory_space<vmem>> -> memref<256xi32, #tpu.memory_space<vmem>>
        %dma_wait3A_123 = arith.constant 0 : i32
        %dma_wait3A_124 = arith.constant 0 : i32
        %dma_wait3A_125 = tpu.memref_slice %arg3[%dma_wait3A_123, %dma_wait3A_124] : memref<100352x16xf32, #tpu.memory_space<hbm>> -> memref<100352x16xf32, #tpu.memory_space<hbm>>
        tpu.wait_indirect_dma semaphore(%arg13 : memref<!tpu.dma_semaphore, #tpu.memory_space<semaphore_mem>>) src(%dma_wait3A_125 : memref<100352x16xf32, #tpu.memory_space<hbm>>) dst(%dma_wait3A_119 : memref<256x16xf32, #tpu.memory_space<vmem>>)
        %dma_start3A_126 = arith.constant 0 : i32
        %dma_start3A_127 = arith.constant 0 : i32
        %dma_start3A_128 = arith.constant 0 : i32
        %dma_start3A_129 = tpu.memref_slice %arg10[%dma_start3A_127, %dma_start3A_128] : memref<512x16xf32, #tpu.memory_space<vmem>> -> memref<256x16xf32, #tpu.memory_space<vmem>>
        %dma_start3A_130 = arith.constant 0 : i32
        %dma_start3A_131 = tpu.memref_slice %arg9[%dma_start3A_126, %dma_start3A_130] : memref<4x256xi32, #tpu.memory_space<vmem>> -> memref<1x256xi32, #tpu.memory_space<vmem>>
        %dma_start3A_132 = tpu.memref_squeeze %dma_start3A_131 : memref<1x256xi32, #tpu.memory_space<vmem>> -> memref<256xi32, #tpu.memory_space<vmem>>
        %dma_start3A_133 = arith.constant 0 : i32
        %dma_start3A_134 = arith.constant 0 : i32
        %dma_start3A_135 = tpu.memref_slice %arg12[%dma_start3A_133, %dma_start3A_134] : memref<100000x16xf32, #tpu.memory_space<vmem_shared>> -> memref<100000x16xf32, #tpu.memory_space<vmem_shared>>
        tpu.enqueue_indirect_dma source(%dma_start3A_129 : memref<256x16xf32, #tpu.memory_space<vmem>>) target(%dma_start3A_135 : memref<100000x16xf32, #tpu.memory_space<vmem_shared>>) offsets(%dma_start3A_132 : memref<256xi32, #tpu.memory_space<vmem>>) semaphore(%arg15 : memref<!tpu.dma_semaphore, #tpu.memory_space<semaphore_mem>>) {add = true}
        %dma_start3A_136 = arith.constant 1 : i32
        %dma_start3A_137 = arith.constant 256 : i32
        %dma_start3A_138 = arith.constant 0 : i32
        %dma_start3A_139 = tpu.memref_slice %arg10[%dma_start3A_137, %dma_start3A_138] : memref<512x16xf32, #tpu.memory_space<vmem>> -> memref<256x16xf32, #tpu.memory_space<vmem>>
        %dma_start3A_140 = arith.constant 0 : i32
        %dma_start3A_141 = tpu.memref_slice %arg9[%dma_start3A_136, %dma_start3A_140] : memref<4x256xi32, #tpu.memory_space<vmem>> -> memref<1x256xi32, #tpu.memory_space<vmem>>
        %dma_start3A_142 = tpu.memref_squeeze %dma_start3A_141 : memref<1x256xi32, #tpu.memory_space<vmem>> -> memref<256xi32, #tpu.memory_space<vmem>>
        %dma_start3A_143 = arith.constant 0 : i32
        %dma_start3A_144 = arith.constant 0 : i32
        %dma_start3A_145 = tpu.memref_slice %arg12[%dma_start3A_143, %dma_start3A_144] : memref<100000x16xf32, #tpu.memory_space<vmem_shared>> -> memref<100000x16xf32, #tpu.memory_space<vmem_shared>>
        tpu.enqueue_indirect_dma source(%dma_start3A_139 : memref<256x16xf32, #tpu.memory_space<vmem>>) target(%dma_start3A_145 : memref<100000x16xf32, #tpu.memory_space<vmem_shared>>) offsets(%dma_start3A_142 : memref<256xi32, #tpu.memory_space<vmem>>) semaphore(%arg15 : memref<!tpu.dma_semaphore, #tpu.memory_space<semaphore_mem>>) {add = true}
        %dma_wait3A_146 = arith.constant 2 : i32
        %dma_wait3A_147 = arith.constant 0 : i32
        %dma_wait3A_148 = arith.constant 0 : i32
        %dma_wait3A_149 = tpu.memref_slice %arg11[%dma_wait3A_147, %dma_wait3A_148] : memref<512x16xf32, #tpu.memory_space<vmem>> -> memref<256x16xf32, #tpu.memory_space<vmem>>
        %dma_wait3A_150 = arith.constant 0 : i32
        %dma_wait3A_151 = tpu.memref_slice %arg7[%dma_wait3A_146, %dma_wait3A_150] : memref<4x256xi32, #tpu.memory_space<vmem>> -> memref<1x256xi32, #tpu.memory_space<vmem>>
        %dma_wait3A_152 = tpu.memref_squeeze %dma_wait3A_151 : memref<1x256xi32, #tpu.memory_space<vmem>> -> memref<256xi32, #tpu.memory_space<vmem>>
        %dma_wait3A_153 = arith.constant 0 : i32
        %dma_wait3A_154 = arith.constant 0 : i32
        %dma_wait3A_155 = tpu.memref_slice %arg12[%dma_wait3A_153, %dma_wait3A_154] : memref<100000x16xf32, #tpu.memory_space<vmem_shared>> -> memref<100000x16xf32, #tpu.memory_space<vmem_shared>>
        tpu.wait_indirect_dma semaphore(%arg16 : memref<!tpu.dma_semaphore, #tpu.memory_space<semaphore_mem>>) src(%dma_wait3A_149 : memref<256x16xf32, #tpu.memory_space<vmem>>) dst(%dma_wait3A_155 : memref<100000x16xf32, #tpu.memory_space<vmem_shared>>)
        %dma_wait3A_156 = arith.constant 3 : i32
        %dma_wait3A_157 = arith.constant 256 : i32
        %dma_wait3A_158 = arith.constant 0 : i32
        %dma_wait3A_159 = tpu.memref_slice %arg11[%dma_wait3A_157, %dma_wait3A_158] : memref<512x16xf32, #tpu.memory_space<vmem>> -> memref<256x16xf32, #tpu.memory_space<vmem>>
        %dma_wait3A_160 = arith.constant 0 : i32
        %dma_wait3A_161 = tpu.memref_slice %arg7[%dma_wait3A_156, %dma_wait3A_160] : memref<4x256xi32, #tpu.memory_space<vmem>> -> memref<1x256xi32, #tpu.memory_space<vmem>>
        %dma_wait3A_162 = tpu.memref_squeeze %dma_wait3A_161 : memref<1x256xi32, #tpu.memory_space<vmem>> -> memref<256xi32, #tpu.memory_space<vmem>>
        %dma_wait3A_163 = arith.constant 0 : i32
        %dma_wait3A_164 = arith.constant 0 : i32
        %dma_wait3A_165 = tpu.memref_slice %arg12[%dma_wait3A_163, %dma_wait3A_164] : memref<100000x16xf32, #tpu.memory_space<vmem_shared>> -> memref<100000x16xf32, #tpu.memory_space<vmem_shared>>
        tpu.wait_indirect_dma semaphore(%arg16 : memref<!tpu.dma_semaphore, #tpu.memory_space<semaphore_mem>>) src(%dma_wait3A_159 : memref<256x16xf32, #tpu.memory_space<vmem>>) dst(%dma_wait3A_165 : memref<100000x16xf32, #tpu.memory_space<vmem_shared>>)
        %dma_start3A_166 = arith.constant 2 : i32
        %dma_start3A_167 = arith.constant 0 : i32
        %dma_start3A_168 = arith.constant 0 : i32
        %dma_start3A_169 = tpu.memref_slice %arg11[%dma_start3A_167, %dma_start3A_168] : memref<512x16xf32, #tpu.memory_space<vmem>> -> memref<256x16xf32, #tpu.memory_space<vmem>>
        %dma_start3A_170 = arith.constant 0 : i32
        %dma_start3A_171 = tpu.memref_slice %arg8[%dma_start3A_166, %dma_start3A_170] : memref<4x256xi32, #tpu.memory_space<vmem>> -> memref<1x256xi32, #tpu.memory_space<vmem>>
        %dma_start3A_172 = tpu.memref_squeeze %dma_start3A_171 : memref<1x256xi32, #tpu.memory_space<vmem>> -> memref<256xi32, #tpu.memory_space<vmem>>
        %dma_start3A_173 = arith.constant 0 : i32
        %dma_start3A_174 = arith.constant 0 : i32
        %dma_start3A_175 = tpu.memref_slice %arg3[%dma_start3A_173, %dma_start3A_174] : memref<100352x16xf32, #tpu.memory_space<hbm>> -> memref<100352x16xf32, #tpu.memory_space<hbm>>
        tpu.enqueue_indirect_dma source(%dma_start3A_175 : memref<100352x16xf32, #tpu.memory_space<hbm>>) target(%dma_start3A_169 : memref<256x16xf32, #tpu.memory_space<vmem>>) offsets(%dma_start3A_172 : memref<256xi32, #tpu.memory_space<vmem>>) semaphore(%arg14 : memref<!tpu.dma_semaphore, #tpu.memory_space<semaphore_mem>>)
        %dma_start3A_176 = arith.constant 3 : i32
        %dma_start3A_177 = arith.constant 256 : i32
        %dma_start3A_178 = arith.constant 0 : i32
        %dma_start3A_179 = tpu.memref_slice %arg11[%dma_start3A_177, %dma_start3A_178] : memref<512x16xf32, #tpu.memory_space<vmem>> -> memref<256x16xf32, #tpu.memory_space<vmem>>
        %dma_start3A_180 = arith.constant 0 : i32
        %dma_start3A_181 = tpu.memref_slice %arg8[%dma_start3A_176, %dma_start3A_180] : memref<4x256xi32, #tpu.memory_space<vmem>> -> memref<1x256xi32, #tpu.memory_space<vmem>>
        %dma_start3A_182 = tpu.memref_squeeze %dma_start3A_181 : memref<1x256xi32, #tpu.memory_space<vmem>> -> memref<256xi32, #tpu.memory_space<vmem>>
        %dma_start3A_183 = arith.constant 0 : i32
        %dma_start3A_184 = arith.constant 0 : i32
        %dma_start3A_185 = tpu.memref_slice %arg3[%dma_start3A_183, %dma_start3A_184] : memref<100352x16xf32, #tpu.memory_space<hbm>> -> memref<100352x16xf32, #tpu.memory_space<hbm>>
        tpu.enqueue_indirect_dma source(%dma_start3A_185 : memref<100352x16xf32, #tpu.memory_space<hbm>>) target(%dma_start3A_179 : memref<256x16xf32, #tpu.memory_space<vmem>>) offsets(%dma_start3A_182 : memref<256xi32, #tpu.memory_space<vmem>>) semaphore(%arg14 : memref<!tpu.dma_semaphore, #tpu.memory_space<semaphore_mem>>)
        %dma_wait3A_186 = arith.constant 2 : i32
        %dma_wait3A_187 = arith.constant 0 : i32
        %dma_wait3A_188 = arith.constant 0 : i32
        %dma_wait3A_189 = tpu.memref_slice %arg11[%dma_wait3A_187, %dma_wait3A_188] : memref<512x16xf32, #tpu.memory_space<vmem>> -> memref<256x16xf32, #tpu.memory_space<vmem>>
        %dma_wait3A_190 = arith.constant 0 : i32
        %dma_wait3A_191 = tpu.memref_slice %arg8[%dma_wait3A_186, %dma_wait3A_190] : memref<4x256xi32, #tpu.memory_space<vmem>> -> memref<1x256xi32, #tpu.memory_space<vmem>>
        %dma_wait3A_192 = tpu.memref_squeeze %dma_wait3A_191 : memref<1x256xi32, #tpu.memory_space<vmem>> -> memref<256xi32, #tpu.memory_space<vmem>>
        %dma_wait3A_193 = arith.constant 0 : i32
        %dma_wait3A_194 = arith.constant 0 : i32
        %dma_wait3A_195 = tpu.memref_slice %arg3[%dma_wait3A_193, %dma_wait3A_194] : memref<100352x16xf32, #tpu.memory_space<hbm>> -> memref<100352x16xf32, #tpu.memory_space<hbm>>
        tpu.wait_indirect_dma semaphore(%arg14 : memref<!tpu.dma_semaphore, #tpu.memory_space<semaphore_mem>>) src(%dma_wait3A_195 : memref<100352x16xf32, #tpu.memory_space<hbm>>) dst(%dma_wait3A_189 : memref<256x16xf32, #tpu.memory_space<vmem>>)
        %dma_wait3A_196 = arith.constant 3 : i32
        %dma_wait3A_197 = arith.constant 256 : i32
        %dma_wait3A_198 = arith.constant 0 : i32
        %dma_wait3A_199 = tpu.memref_slice %arg11[%dma_wait3A_197, %dma_wait3A_198] : memref<512x16xf32, #tpu.memory_space<vmem>> -> memref<256x16xf32, #tpu.memory_space<vmem>>
        %dma_wait3A_200 = arith.constant 0 : i32
        %dma_wait3A_201 = tpu.memref_slice %arg8[%dma_wait3A_196, %dma_wait3A_200] : memref<4x256xi32, #tpu.memory_space<vmem>> -> memref<1x256xi32, #tpu.memory_space<vmem>>
        %dma_wait3A_202 = tpu.memref_squeeze %dma_wait3A_201 : memref<1x256xi32, #tpu.memory_space<vmem>> -> memref<256xi32, #tpu.memory_space<vmem>>
        %dma_wait3A_203 = arith.constant 0 : i32
        %dma_wait3A_204 = arith.constant 0 : i32
        %dma_wait3A_205 = tpu.memref_slice %arg3[%dma_wait3A_203, %dma_wait3A_204] : memref<100352x16xf32, #tpu.memory_space<hbm>> -> memref<100352x16xf32, #tpu.memory_space<hbm>>
        tpu.wait_indirect_dma semaphore(%arg14 : memref<!tpu.dma_semaphore, #tpu.memory_space<semaphore_mem>>) src(%dma_wait3A_205 : memref<100352x16xf32, #tpu.memory_space<hbm>>) dst(%dma_wait3A_199 : memref<256x16xf32, #tpu.memory_space<vmem>>)
        %dma_start3A_206 = arith.constant 2 : i32
        %dma_start3A_207 = arith.constant 0 : i32
        %dma_start3A_208 = arith.constant 0 : i32
        %dma_start3A_209 = tpu.memref_slice %arg11[%dma_start3A_207, %dma_start3A_208] : memref<512x16xf32, #tpu.memory_space<vmem>> -> memref<256x16xf32, #tpu.memory_space<vmem>>
        %dma_start3A_210 = arith.constant 0 : i32
        %dma_start3A_211 = tpu.memref_slice %arg9[%dma_start3A_206, %dma_start3A_210] : memref<4x256xi32, #tpu.memory_space<vmem>> -> memref<1x256xi32, #tpu.memory_space<vmem>>
        %dma_start3A_212 = tpu.memref_squeeze %dma_start3A_211 : memref<1x256xi32, #tpu.memory_space<vmem>> -> memref<256xi32, #tpu.memory_space<vmem>>
        %dma_start3A_213 = arith.constant 0 : i32
        %dma_start3A_214 = arith.constant 0 : i32
        %dma_start3A_215 = tpu.memref_slice %arg12[%dma_start3A_213, %dma_start3A_214] : memref<100000x16xf32, #tpu.memory_space<vmem_shared>> -> memref<100000x16xf32, #tpu.memory_space<vmem_shared>>
        tpu.enqueue_indirect_dma source(%dma_start3A_209 : memref<256x16xf32, #tpu.memory_space<vmem>>) target(%dma_start3A_215 : memref<100000x16xf32, #tpu.memory_space<vmem_shared>>) offsets(%dma_start3A_212 : memref<256xi32, #tpu.memory_space<vmem>>) semaphore(%arg16 : memref<!tpu.dma_semaphore, #tpu.memory_space<semaphore_mem>>) {add = true}
        %dma_start3A_216 = arith.constant 3 : i32
        %dma_start3A_217 = arith.constant 256 : i32
        %dma_start3A_218 = arith.constant 0 : i32
        %dma_start3A_219 = tpu.memref_slice %arg11[%dma_start3A_217, %dma_start3A_218] : memref<512x16xf32, #tpu.memory_space<vmem>> -> memref<256x16xf32, #tpu.memory_space<vmem>>
        %dma_start3A_220 = arith.constant 0 : i32
        %dma_start3A_221 = tpu.memref_slice %arg9[%dma_start3A_216, %dma_start3A_220] : memref<4x256xi32, #tpu.memory_space<vmem>> -> memref<1x256xi32, #tpu.memory_space<vmem>>
        %dma_start3A_222 = tpu.memref_squeeze %dma_start3A_221 : memref<1x256xi32, #tpu.memory_space<vmem>> -> memref<256xi32, #tpu.memory_space<vmem>>
        %dma_start3A_223 = arith.constant 0 : i32
        %dma_start3A_224 = arith.constant 0 : i32
        %dma_start3A_225 = tpu.memref_slice %arg12[%dma_start3A_223, %dma_start3A_224] : memref<100000x16xf32, #tpu.memory_space<vmem_shared>> -> memref<100000x16xf32, #tpu.memory_space<vmem_shared>>
        tpu.enqueue_indirect_dma source(%dma_start3A_219 : memref<256x16xf32, #tpu.memory_space<vmem>>) target(%dma_start3A_225 : memref<100000x16xf32, #tpu.memory_space<vmem_shared>>) offsets(%dma_start3A_222 : memref<256xi32, #tpu.memory_space<vmem>>) semaphore(%arg16 : memref<!tpu.dma_semaphore, #tpu.memory_space<semaphore_mem>>) {add = true}
      } else {
      }
    }
    %scan3A_9 = arith.constant 49 : i32
    %add3A_10 = arith.constant 3104 : i32
    %add3A_11 = arith.addi %add3A_10, %add3A : i32
    %sub3A = arith.constant 32 : i32
    %sub3A_12 = arith.subi %add3A_11, %sub3A : i32
    %lt3A = arith.constant 3125 : i32
    %lt3A_13 = arith.cmpi slt, %sub3A_12, %lt3A : i32
    %lt3A_14 = arith.constant 3125 : i32
    %lt3A_15 = arith.cmpi slt, %add3A_11, %lt3A_14 : i32
    %convert_element_type3A_16 = arith.extui %lt3A_15 : i1 to i32
    %cond3A_17 = arith.constant 0 : i32
    %cond3A_18 = arith.cmpi ne, %convert_element_type3A_16, %cond3A_17 : i32
    scf.if %cond3A_18 {
      %dma_wait3A = arith.constant 0 : i32
      %dma_wait3A_29 = arith.constant 0 : i32
      %dma_wait3A_30 = arith.constant 0 : i32
      %dma_wait3A_31 = tpu.memref_slice %arg10[%dma_wait3A_29, %dma_wait3A_30] : memref<512x16xf32, #tpu.memory_space<vmem>> -> memref<256x16xf32, #tpu.memory_space<vmem>>
      %dma_wait3A_32 = arith.constant 0 : i32
      %dma_wait3A_33 = tpu.memref_slice %arg9[%dma_wait3A, %dma_wait3A_32] : memref<4x256xi32, #tpu.memory_space<vmem>> -> memref<1x256xi32, #tpu.memory_space<vmem>>
      %dma_wait3A_34 = tpu.memref_squeeze %dma_wait3A_33 : memref<1x256xi32, #tpu.memory_space<vmem>> -> memref<256xi32, #tpu.memory_space<vmem>>
      %dma_wait3A_35 = arith.constant 0 : i32
      %dma_wait3A_36 = arith.constant 0 : i32
      %dma_wait3A_37 = tpu.memref_slice %arg12[%dma_wait3A_35, %dma_wait3A_36] : memref<100000x16xf32, #tpu.memory_space<vmem_shared>> -> memref<100000x16xf32, #tpu.memory_space<vmem_shared>>
      tpu.wait_indirect_dma semaphore(%arg15 : memref<!tpu.dma_semaphore, #tpu.memory_space<semaphore_mem>>) src(%dma_wait3A_31 : memref<256x16xf32, #tpu.memory_space<vmem>>) dst(%dma_wait3A_37 : memref<100000x16xf32, #tpu.memory_space<vmem_shared>>)
      %dma_wait3A_38 = arith.constant 1 : i32
      %dma_wait3A_39 = arith.constant 256 : i32
      %dma_wait3A_40 = arith.constant 0 : i32
      %dma_wait3A_41 = tpu.memref_slice %arg10[%dma_wait3A_39, %dma_wait3A_40] : memref<512x16xf32, #tpu.memory_space<vmem>> -> memref<256x16xf32, #tpu.memory_space<vmem>>
      %dma_wait3A_42 = arith.constant 0 : i32
      %dma_wait3A_43 = tpu.memref_slice %arg9[%dma_wait3A_38, %dma_wait3A_42] : memref<4x256xi32, #tpu.memory_space<vmem>> -> memref<1x256xi32, #tpu.memory_space<vmem>>
      %dma_wait3A_44 = tpu.memref_squeeze %dma_wait3A_43 : memref<1x256xi32, #tpu.memory_space<vmem>> -> memref<256xi32, #tpu.memory_space<vmem>>
      %dma_wait3A_45 = arith.constant 0 : i32
      %dma_wait3A_46 = arith.constant 0 : i32
      %dma_wait3A_47 = tpu.memref_slice %arg12[%dma_wait3A_45, %dma_wait3A_46] : memref<100000x16xf32, #tpu.memory_space<vmem_shared>> -> memref<100000x16xf32, #tpu.memory_space<vmem_shared>>
      tpu.wait_indirect_dma semaphore(%arg15 : memref<!tpu.dma_semaphore, #tpu.memory_space<semaphore_mem>>) src(%dma_wait3A_41 : memref<256x16xf32, #tpu.memory_space<vmem>>) dst(%dma_wait3A_47 : memref<100000x16xf32, #tpu.memory_space<vmem_shared>>)
      %dma_wait3A_48 = arith.constant 2 : i32
      %dma_wait3A_49 = arith.constant 0 : i32
      %dma_wait3A_50 = arith.constant 0 : i32
      %dma_wait3A_51 = tpu.memref_slice %arg11[%dma_wait3A_49, %dma_wait3A_50] : memref<512x16xf32, #tpu.memory_space<vmem>> -> memref<256x16xf32, #tpu.memory_space<vmem>>
      %dma_wait3A_52 = arith.constant 0 : i32
      %dma_wait3A_53 = tpu.memref_slice %arg9[%dma_wait3A_48, %dma_wait3A_52] : memref<4x256xi32, #tpu.memory_space<vmem>> -> memref<1x256xi32, #tpu.memory_space<vmem>>
      %dma_wait3A_54 = tpu.memref_squeeze %dma_wait3A_53 : memref<1x256xi32, #tpu.memory_space<vmem>> -> memref<256xi32, #tpu.memory_space<vmem>>
      %dma_wait3A_55 = arith.constant 0 : i32
      %dma_wait3A_56 = arith.constant 0 : i32
      %dma_wait3A_57 = tpu.memref_slice %arg12[%dma_wait3A_55, %dma_wait3A_56] : memref<100000x16xf32, #tpu.memory_space<vmem_shared>> -> memref<100000x16xf32, #tpu.memory_space<vmem_shared>>
      tpu.wait_indirect_dma semaphore(%arg16 : memref<!tpu.dma_semaphore, #tpu.memory_space<semaphore_mem>>) src(%dma_wait3A_51 : memref<256x16xf32, #tpu.memory_space<vmem>>) dst(%dma_wait3A_57 : memref<100000x16xf32, #tpu.memory_space<vmem_shared>>)
      %dma_wait3A_58 = arith.constant 3 : i32
      %dma_wait3A_59 = arith.constant 256 : i32
      %dma_wait3A_60 = arith.constant 0 : i32
      %dma_wait3A_61 = tpu.memref_slice %arg11[%dma_wait3A_59, %dma_wait3A_60] : memref<512x16xf32, #tpu.memory_space<vmem>> -> memref<256x16xf32, #tpu.memory_space<vmem>>
      %dma_wait3A_62 = arith.constant 0 : i32
      %dma_wait3A_63 = tpu.memref_slice %arg9[%dma_wait3A_58, %dma_wait3A_62] : memref<4x256xi32, #tpu.memory_space<vmem>> -> memref<1x256xi32, #tpu.memory_space<vmem>>
      %dma_wait3A_64 = tpu.memref_squeeze %dma_wait3A_63 : memref<1x256xi32, #tpu.memory_space<vmem>> -> memref<256xi32, #tpu.memory_space<vmem>>
      %dma_wait3A_65 = arith.constant 0 : i32
      %dma_wait3A_66 = arith.constant 0 : i32
      %dma_wait3A_67 = tpu.memref_slice %arg12[%dma_wait3A_65, %dma_wait3A_66] : memref<100000x16xf32, #tpu.memory_space<vmem_shared>> -> memref<100000x16xf32, #tpu.memory_space<vmem_shared>>
      tpu.wait_indirect_dma semaphore(%arg16 : memref<!tpu.dma_semaphore, #tpu.memory_space<semaphore_mem>>) src(%dma_wait3A_61 : memref<256x16xf32, #tpu.memory_space<vmem>>) dst(%dma_wait3A_67 : memref<100000x16xf32, #tpu.memory_space<vmem_shared>>)
    } else {
    }
    %not3A = arith.constant true
    %not3A_19 = arith.xori %lt3A_15, %not3A : i1
    %and3A = arith.andi %lt3A_13, %not3A_19 : i1
    %convert_element_type3A_20 = arith.extui %and3A : i1 to i32
    %cond3A_21 = arith.constant 0 : i32
    %cond3A_22 = arith.cmpi ne, %convert_element_type3A_20, %cond3A_21 : i32
    scf.if %cond3A_22 {
      %dma_wait3A = arith.constant 0 : i32
      %dma_wait3A_29 = arith.constant 0 : i32
      %dma_wait3A_30 = arith.constant 0 : i32
      %dma_wait3A_31 = tpu.memref_slice %arg10[%dma_wait3A_29, %dma_wait3A_30] : memref<512x16xf32, #tpu.memory_space<vmem>> -> memref<256x16xf32, #tpu.memory_space<vmem>>
      %dma_wait3A_32 = arith.constant 0 : i32
      %dma_wait3A_33 = tpu.memref_slice %arg7[%dma_wait3A, %dma_wait3A_32] : memref<4x256xi32, #tpu.memory_space<vmem>> -> memref<1x256xi32, #tpu.memory_space<vmem>>
      %dma_wait3A_34 = tpu.memref_squeeze %dma_wait3A_33 : memref<1x256xi32, #tpu.memory_space<vmem>> -> memref<256xi32, #tpu.memory_space<vmem>>
      %dma_wait3A_35 = arith.constant 0 : i32
      %dma_wait3A_36 = arith.constant 0 : i32
      %dma_wait3A_37 = tpu.memref_slice %arg12[%dma_wait3A_35, %dma_wait3A_36] : memref<100000x16xf32, #tpu.memory_space<vmem_shared>> -> memref<100000x16xf32, #tpu.memory_space<vmem_shared>>
      tpu.wait_indirect_dma semaphore(%arg15 : memref<!tpu.dma_semaphore, #tpu.memory_space<semaphore_mem>>) src(%dma_wait3A_31 : memref<256x16xf32, #tpu.memory_space<vmem>>) dst(%dma_wait3A_37 : memref<100000x16xf32, #tpu.memory_space<vmem_shared>>)
      %dma_wait3A_38 = arith.constant 1 : i32
      %dma_wait3A_39 = arith.constant 256 : i32
      %dma_wait3A_40 = arith.constant 0 : i32
      %dma_wait3A_41 = tpu.memref_slice %arg10[%dma_wait3A_39, %dma_wait3A_40] : memref<512x16xf32, #tpu.memory_space<vmem>> -> memref<256x16xf32, #tpu.memory_space<vmem>>
      %dma_wait3A_42 = arith.constant 0 : i32
      %dma_wait3A_43 = tpu.memref_slice %arg7[%dma_wait3A_38, %dma_wait3A_42] : memref<4x256xi32, #tpu.memory_space<vmem>> -> memref<1x256xi32, #tpu.memory_space<vmem>>
      %dma_wait3A_44 = tpu.memref_squeeze %dma_wait3A_43 : memref<1x256xi32, #tpu.memory_space<vmem>> -> memref<256xi32, #tpu.memory_space<vmem>>
      %dma_wait3A_45 = arith.constant 0 : i32
      %dma_wait3A_46 = arith.constant 0 : i32
      %dma_wait3A_47 = tpu.memref_slice %arg12[%dma_wait3A_45, %dma_wait3A_46] : memref<100000x16xf32, #tpu.memory_space<vmem_shared>> -> memref<100000x16xf32, #tpu.memory_space<vmem_shared>>
      tpu.wait_indirect_dma semaphore(%arg15 : memref<!tpu.dma_semaphore, #tpu.memory_space<semaphore_mem>>) src(%dma_wait3A_41 : memref<256x16xf32, #tpu.memory_space<vmem>>) dst(%dma_wait3A_47 : memref<100000x16xf32, #tpu.memory_space<vmem_shared>>)
      %dma_wait3A_48 = arith.constant 2 : i32
      %dma_wait3A_49 = arith.constant 0 : i32
      %dma_wait3A_50 = arith.constant 0 : i32
      %dma_wait3A_51 = tpu.memref_slice %arg11[%dma_wait3A_49, %dma_wait3A_50] : memref<512x16xf32, #tpu.memory_space<vmem>> -> memref<256x16xf32, #tpu.memory_space<vmem>>
      %dma_wait3A_52 = arith.constant 0 : i32
      %dma_wait3A_53 = tpu.memref_slice %arg7[%dma_wait3A_48, %dma_wait3A_52] : memref<4x256xi32, #tpu.memory_space<vmem>> -> memref<1x256xi32, #tpu.memory_space<vmem>>
      %dma_wait3A_54 = tpu.memref_squeeze %dma_wait3A_53 : memref<1x256xi32, #tpu.memory_space<vmem>> -> memref<256xi32, #tpu.memory_space<vmem>>
      %dma_wait3A_55 = arith.constant 0 : i32
      %dma_wait3A_56 = arith.constant 0 : i32
      %dma_wait3A_57 = tpu.memref_slice %arg12[%dma_wait3A_55, %dma_wait3A_56] : memref<100000x16xf32, #tpu.memory_space<vmem_shared>> -> memref<100000x16xf32, #tpu.memory_space<vmem_shared>>
      tpu.wait_indirect_dma semaphore(%arg16 : memref<!tpu.dma_semaphore, #tpu.memory_space<semaphore_mem>>) src(%dma_wait3A_51 : memref<256x16xf32, #tpu.memory_space<vmem>>) dst(%dma_wait3A_57 : memref<100000x16xf32, #tpu.memory_space<vmem_shared>>)
      %dma_wait3A_58 = arith.constant 3 : i32
      %dma_wait3A_59 = arith.constant 256 : i32
      %dma_wait3A_60 = arith.constant 0 : i32
      %dma_wait3A_61 = tpu.memref_slice %arg11[%dma_wait3A_59, %dma_wait3A_60] : memref<512x16xf32, #tpu.memory_space<vmem>> -> memref<256x16xf32, #tpu.memory_space<vmem>>
      %dma_wait3A_62 = arith.constant 0 : i32
      %dma_wait3A_63 = tpu.memref_slice %arg7[%dma_wait3A_58, %dma_wait3A_62] : memref<4x256xi32, #tpu.memory_space<vmem>> -> memref<1x256xi32, #tpu.memory_space<vmem>>
      %dma_wait3A_64 = tpu.memref_squeeze %dma_wait3A_63 : memref<1x256xi32, #tpu.memory_space<vmem>> -> memref<256xi32, #tpu.memory_space<vmem>>
      %dma_wait3A_65 = arith.constant 0 : i32
      %dma_wait3A_66 = arith.constant 0 : i32
      %dma_wait3A_67 = tpu.memref_slice %arg12[%dma_wait3A_65, %dma_wait3A_66] : memref<100000x16xf32, #tpu.memory_space<vmem_shared>> -> memref<100000x16xf32, #tpu.memory_space<vmem_shared>>
      tpu.wait_indirect_dma semaphore(%arg16 : memref<!tpu.dma_semaphore, #tpu.memory_space<semaphore_mem>>) src(%dma_wait3A_61 : memref<256x16xf32, #tpu.memory_space<vmem>>) dst(%dma_wait3A_67 : memref<100000x16xf32, #tpu.memory_space<vmem_shared>>)
    } else {
    }
    %barrier3A_23 = arith.constant 0 : index
    tpu.barrier barrier_id(%barrier3A_23)
    %eq3A_24 = arith.constant 0 : i32
    %eq3A_25 = arith.cmpi eq, %arg1, %eq3A_24 : i32
    %convert_element_type3A_26 = arith.extui %eq3A_25 : i1 to i32
    %cond3A_27 = arith.constant 0 : i32
    %cond3A_28 = arith.cmpi ne, %convert_element_type3A_26, %cond3A_27 : i32
    scf.if %cond3A_28 {
      "tpu.region"() ({
        %run_scoped3A = tpu.sem_alloc : memref<!tpu.dma_semaphore, #tpu.memory_space<semaphore_mem>>
        %dma_start3A = arith.constant 0 : i32
        %dma_start3A_29 = arith.constant 0 : i32
        %dma_start3A_30 = tpu.memref_slice %arg5[%arg0, %dma_start3A, %dma_start3A_29] : memref<2x100352x16xf32, #tpu.memory_space<hbm>> -> memref<1x100000x16xf32, #tpu.memory_space<hbm>>
        %dma_start3A_31 = tpu.memref_squeeze %dma_start3A_30 : memref<1x100000x16xf32, #tpu.memory_space<hbm>> -> memref<100000x16xf32, #tpu.memory_space<hbm>>
        tpu.enqueue_dma source(%arg12 : memref<100000x16xf32, #tpu.memory_space<vmem_shared>>) target(%dma_start3A_31 : memref<100000x16xf32, #tpu.memory_space<hbm>>) target_semaphore(%run_scoped3A : memref<!tpu.dma_semaphore, #tpu.memory_space<semaphore_mem>>)
        %dma_wait3A = arith.constant 0 : i32
        %dma_wait3A_32 = arith.constant 0 : i32
        %dma_wait3A_33 = tpu.memref_slice %arg5[%arg0, %dma_wait3A, %dma_wait3A_32] : memref<2x100352x16xf32, #tpu.memory_space<hbm>> -> memref<1x100000x16xf32, #tpu.memory_space<hbm>>
        %dma_wait3A_34 = tpu.memref_squeeze %dma_wait3A_33 : memref<1x100000x16xf32, #tpu.memory_space<hbm>> -> memref<100000x16xf32, #tpu.memory_space<hbm>>
        tpu.wait_dma2 semaphore(%run_scoped3A : memref<!tpu.dma_semaphore, #tpu.memory_space<semaphore_mem>>) src(%arg12 : memref<100000x16xf32, #tpu.memory_space<vmem_shared>>) dst(%dma_wait3A_34 : memref<100000x16xf32, #tpu.memory_space<hbm>>)
        tpu.yield
      }) : () -> ()
    } else {
    }
    return
  }
}

#map = affine_map<(d0, d1) -> (0, 0, 0)>
#map1 = affine_map<(d0, d1) -> (0)>
module attributes {stable_mosaic.version = 14 : i64} {
  func.func @deg_kernel(%arg0: i32, %arg1: i32, %arg2: memref<2x12500x256xi32, #tpu.memory_space<hbm>>, %arg3: memref<256xf32, #tpu.memory_space<hbm>>, %arg4: memref<100000xf32, #tpu.memory_space<hbm>>, %arg5: memref<2x1x100352xf32, #tpu.memory_space<hbm>>, %arg6: memref<4x256xi32, #tpu.memory_space<vmem>>, %arg7: memref<4x256xi32, #tpu.memory_space<vmem>>, %arg8: memref<256xf32, #tpu.memory_space<vmem>>, %arg9: memref<100000xf32, #tpu.memory_space<vmem_shared>>, %arg10: memref<!tpu.dma_semaphore, #tpu.memory_space<semaphore_mem>>, %arg11: memref<!tpu.dma_semaphore, #tpu.memory_space<semaphore_mem>>) attributes {dimension_semantics = [#tpu.dimension_semantics<core_parallel>, #tpu.dimension_semantics<subcore_parallel>], iteration_bounds = array<i64: 2, 16>, scalar_prefetch = 0 : i64, scratch_operands = 6 : i64, tpu.core_type = #tpu.core_type<sc_vector_subcore>, window_params = [{transform_indices = #map}, {transform_indices = #map1}, {transform_indices = #map1}, {transform_indices = #map}]} {
    %mul3A = arith.constant 16 : i32
    %mul3A_0 = arith.muli %arg0, %mul3A : i32
    %add3A = arith.addi %mul3A_0, %arg1 : i32
    %eq3A = arith.constant 0 : i32
    %eq3A_1 = arith.cmpi eq, %arg1, %eq3A : i32
    %convert_element_type3A = arith.extui %eq3A_1 : i1 to i32
    %cond3A = arith.constant 0 : i32
    %cond3A_2 = arith.cmpi ne, %convert_element_type3A, %cond3A : i32
    scf.if %cond3A_2 {
      "tpu.region"() ({
        %run_scoped3A = tpu.sem_alloc : memref<!tpu.dma_semaphore, #tpu.memory_space<semaphore_mem>>
        tpu.enqueue_dma source(%arg4 : memref<100000xf32, #tpu.memory_space<hbm>>) target(%arg9 : memref<100000xf32, #tpu.memory_space<vmem_shared>>) target_semaphore(%run_scoped3A : memref<!tpu.dma_semaphore, #tpu.memory_space<semaphore_mem>>)
        tpu.wait_dma2 semaphore(%run_scoped3A : memref<!tpu.dma_semaphore, #tpu.memory_space<semaphore_mem>>) src(%arg4 : memref<100000xf32, #tpu.memory_space<hbm>>) dst(%arg9 : memref<100000xf32, #tpu.memory_space<vmem_shared>>)
        tpu.yield
      }) : () -> ()
    } else {
    }
    "tpu.region"() ({
      %run_scoped3A = tpu.sem_alloc : memref<!tpu.dma_semaphore, #tpu.memory_space<semaphore_mem>>
      tpu.enqueue_dma source(%arg3 : memref<256xf32, #tpu.memory_space<hbm>>) target(%arg8 : memref<256xf32, #tpu.memory_space<vmem>>) target_semaphore(%run_scoped3A : memref<!tpu.dma_semaphore, #tpu.memory_space<semaphore_mem>>)
      tpu.wait_dma2 semaphore(%run_scoped3A : memref<!tpu.dma_semaphore, #tpu.memory_space<semaphore_mem>>) src(%arg3 : memref<256xf32, #tpu.memory_space<hbm>>) dst(%arg8 : memref<256xf32, #tpu.memory_space<vmem>>)
      tpu.yield
    }) : () -> ()
    %barrier3A = arith.constant 0 : index
    tpu.barrier barrier_id(%barrier3A)
    %scan3A = arith.constant 0 : i32
    %scan3A_3 = arith.constant 1 : i32
    %scan3A_4 = arith.constant 0 : i32
    %scan3A_5 = arith.constant 49 : i32
    %scan3A_6 = arith.addi %scan3A_4, %scan3A_5 : i32
    %scan3A_7 = arith.constant 1 : i32
    scf.for %scan3A_21 = %scan3A_4 to %scan3A_6 step %scan3A_7  : i32 {
      %mul3A_22 = arith.constant 2 : i32
      %mul3A_23 = arith.muli %mul3A_22, %scan3A_21 : i32
      %mul3A_24 = arith.constant 32 : i32
      %mul3A_25 = arith.muli %mul3A_23, %mul3A_24 : i32
      %add3A_26 = arith.addi %mul3A_25, %add3A : i32
      %add3A_27 = arith.constant 32 : i32
      %add3A_28 = arith.addi %add3A_26, %add3A_27 : i32
      %sub3A = arith.constant 64 : i32
      %sub3A_29 = arith.subi %add3A_28, %sub3A : i32
      %ge3A = arith.constant 0 : i32
      %ge3A_30 = arith.cmpi sge, %sub3A_29, %ge3A : i32
      %sub3A_31 = arith.constant 64 : i32
      %sub3A_32 = arith.subi %add3A_28, %sub3A_31 : i32
      %lt3A_33 = arith.constant 3125 : i32
      %lt3A_34 = arith.cmpi slt, %sub3A_32, %lt3A_33 : i32
      %and3A = arith.andi %ge3A_30, %lt3A_34 : i1
      %convert_element_type3A_35 = arith.extui %and3A : i1 to i32
      %cond3A_36 = arith.constant 0 : i32
      %cond3A_37 = arith.cmpi ne, %convert_element_type3A_35, %cond3A_36 : i32
      scf.if %cond3A_37 {
        %dma_wait3A = arith.constant 0 : i32
        %dma_wait3A_53 = arith.constant 0 : i32
        %dma_wait3A_54 = tpu.memref_slice %arg7[%dma_wait3A, %dma_wait3A_53] : memref<4x256xi32, #tpu.memory_space<vmem>> -> memref<1x256xi32, #tpu.memory_space<vmem>>
        %dma_wait3A_55 = tpu.memref_squeeze %dma_wait3A_54 : memref<1x256xi32, #tpu.memory_space<vmem>> -> memref<256xi32, #tpu.memory_space<vmem>>
        %dma_wait3A_56 = arith.constant 0 : i32
        %dma_wait3A_57 = tpu.memref_slice %arg9[%dma_wait3A_56] : memref<100000xf32, #tpu.memory_space<vmem_shared>> -> memref<100000xf32, #tpu.memory_space<vmem_shared>>
        tpu.wait_indirect_dma semaphore(%arg11 : memref<!tpu.dma_semaphore, #tpu.memory_space<semaphore_mem>>) src(%arg8 : memref<256xf32, #tpu.memory_space<vmem>>) dst(%dma_wait3A_57 : memref<100000xf32, #tpu.memory_space<vmem_shared>>)
        %dma_wait3A_58 = arith.constant 1 : i32
        %dma_wait3A_59 = arith.constant 0 : i32
        %dma_wait3A_60 = tpu.memref_slice %arg7[%dma_wait3A_58, %dma_wait3A_59] : memref<4x256xi32, #tpu.memory_space<vmem>> -> memref<1x256xi32, #tpu.memory_space<vmem>>
        %dma_wait3A_61 = tpu.memref_squeeze %dma_wait3A_60 : memref<1x256xi32, #tpu.memory_space<vmem>> -> memref<256xi32, #tpu.memory_space<vmem>>
        %dma_wait3A_62 = arith.constant 0 : i32
        %dma_wait3A_63 = tpu.memref_slice %arg9[%dma_wait3A_62] : memref<100000xf32, #tpu.memory_space<vmem_shared>> -> memref<100000xf32, #tpu.memory_space<vmem_shared>>
        tpu.wait_indirect_dma semaphore(%arg11 : memref<!tpu.dma_semaphore, #tpu.memory_space<semaphore_mem>>) src(%arg8 : memref<256xf32, #tpu.memory_space<vmem>>) dst(%dma_wait3A_63 : memref<100000xf32, #tpu.memory_space<vmem_shared>>)
        %dma_wait3A_64 = arith.constant 2 : i32
        %dma_wait3A_65 = arith.constant 0 : i32
        %dma_wait3A_66 = tpu.memref_slice %arg7[%dma_wait3A_64, %dma_wait3A_65] : memref<4x256xi32, #tpu.memory_space<vmem>> -> memref<1x256xi32, #tpu.memory_space<vmem>>
        %dma_wait3A_67 = tpu.memref_squeeze %dma_wait3A_66 : memref<1x256xi32, #tpu.memory_space<vmem>> -> memref<256xi32, #tpu.memory_space<vmem>>
        %dma_wait3A_68 = arith.constant 0 : i32
        %dma_wait3A_69 = tpu.memref_slice %arg9[%dma_wait3A_68] : memref<100000xf32, #tpu.memory_space<vmem_shared>> -> memref<100000xf32, #tpu.memory_space<vmem_shared>>
        tpu.wait_indirect_dma semaphore(%arg11 : memref<!tpu.dma_semaphore, #tpu.memory_space<semaphore_mem>>) src(%arg8 : memref<256xf32, #tpu.memory_space<vmem>>) dst(%dma_wait3A_69 : memref<100000xf32, #tpu.memory_space<vmem_shared>>)
        %dma_wait3A_70 = arith.constant 3 : i32
        %dma_wait3A_71 = arith.constant 0 : i32
        %dma_wait3A_72 = tpu.memref_slice %arg7[%dma_wait3A_70, %dma_wait3A_71] : memref<4x256xi32, #tpu.memory_space<vmem>> -> memref<1x256xi32, #tpu.memory_space<vmem>>
        %dma_wait3A_73 = tpu.memref_squeeze %dma_wait3A_72 : memref<1x256xi32, #tpu.memory_space<vmem>> -> memref<256xi32, #tpu.memory_space<vmem>>
        %dma_wait3A_74 = arith.constant 0 : i32
        %dma_wait3A_75 = tpu.memref_slice %arg9[%dma_wait3A_74] : memref<100000xf32, #tpu.memory_space<vmem_shared>> -> memref<100000xf32, #tpu.memory_space<vmem_shared>>
        tpu.wait_indirect_dma semaphore(%arg11 : memref<!tpu.dma_semaphore, #tpu.memory_space<semaphore_mem>>) src(%arg8 : memref<256xf32, #tpu.memory_space<vmem>>) dst(%dma_wait3A_75 : memref<100000xf32, #tpu.memory_space<vmem_shared>>)
      } else {
      }
      %lt3A_38 = arith.constant 3125 : i32
      %lt3A_39 = arith.cmpi slt, %add3A_26, %lt3A_38 : i32
      %convert_element_type3A_40 = arith.extui %lt3A_39 : i1 to i32
      %cond3A_41 = arith.constant 0 : i32
      %cond3A_42 = arith.cmpi ne, %convert_element_type3A_40, %cond3A_41 : i32
      scf.if %cond3A_42 {
        %mul3A_53 = arith.constant 4 : i32
        %mul3A_54 = arith.muli %add3A_26, %mul3A_53 : i32
        "tpu.region"() ({
          %run_scoped3A = tpu.sem_alloc : memref<!tpu.dma_semaphore, #tpu.memory_space<semaphore_mem>>
          %dma_start3A_78 = arith.constant 0 : i32
          %dma_start3A_79 = arith.constant 0 : i32
          %dma_start3A_80 = tpu.memref_slice %arg2[%scan3A_3, %dma_start3A_78, %dma_start3A_79] : memref<2x12500x256xi32, #tpu.memory_space<hbm>> -> memref<1x12500x256xi32, #tpu.memory_space<hbm>>
          %dma_start3A_81 = tpu.memref_squeeze %dma_start3A_80 : memref<1x12500x256xi32, #tpu.memory_space<hbm>> -> memref<12500x256xi32, #tpu.memory_space<hbm>>
          %dma_start3A_82 = arith.constant 0 : i32
          %dma_start3A_83 = tpu.memref_slice %dma_start3A_81[%mul3A_54, %dma_start3A_82] : memref<12500x256xi32, #tpu.memory_space<hbm>> -> memref<4x256xi32, #tpu.memory_space<hbm>>
          %dma_start3A_84 = arith.constant 0 : i32
          %dma_start3A_85 = arith.constant 0 : i32
          %dma_start3A_86 = tpu.memref_slice %arg2[%scan3A_3, %dma_start3A_84, %dma_start3A_85] : memref<2x12500x256xi32, #tpu.memory_space<hbm>> -> memref<1x12500x256xi32, #tpu.memory_space<hbm>>
          %dma_start3A_87 = tpu.memref_squeeze %dma_start3A_86 : memref<1x12500x256xi32, #tpu.memory_space<hbm>> -> memref<12500x256xi32, #tpu.memory_space<hbm>>
          %dma_start3A_88 = arith.constant 0 : i32
          %dma_start3A_89 = tpu.memref_slice %dma_start3A_87[%mul3A_54, %dma_start3A_88] : memref<12500x256xi32, #tpu.memory_space<hbm>> -> memref<4x256xi32, #tpu.memory_space<hbm>>
          tpu.enqueue_dma source(%dma_start3A_89 : memref<4x256xi32, #tpu.memory_space<hbm>>) target(%arg6 : memref<4x256xi32, #tpu.memory_space<vmem>>) target_semaphore(%run_scoped3A : memref<!tpu.dma_semaphore, #tpu.memory_space<semaphore_mem>>)
          %dma_wait3A = arith.constant 0 : i32
          %dma_wait3A_90 = arith.constant 0 : i32
          %dma_wait3A_91 = tpu.memref_slice %arg2[%scan3A_3, %dma_wait3A, %dma_wait3A_90] : memref<2x12500x256xi32, #tpu.memory_space<hbm>> -> memref<1x12500x256xi32, #tpu.memory_space<hbm>>
          %dma_wait3A_92 = tpu.memref_squeeze %dma_wait3A_91 : memref<1x12500x256xi32, #tpu.memory_space<hbm>> -> memref<12500x256xi32, #tpu.memory_space<hbm>>
          %dma_wait3A_93 = arith.constant 0 : i32
          %dma_wait3A_94 = tpu.memref_slice %dma_wait3A_92[%mul3A_54, %dma_wait3A_93] : memref<12500x256xi32, #tpu.memory_space<hbm>> -> memref<4x256xi32, #tpu.memory_space<hbm>>
          %dma_wait3A_95 = arith.constant 0 : i32
          %dma_wait3A_96 = arith.constant 0 : i32
          %dma_wait3A_97 = tpu.memref_slice %arg2[%scan3A_3, %dma_wait3A_95, %dma_wait3A_96] : memref<2x12500x256xi32, #tpu.memory_space<hbm>> -> memref<1x12500x256xi32, #tpu.memory_space<hbm>>
          %dma_wait3A_98 = tpu.memref_squeeze %dma_wait3A_97 : memref<1x12500x256xi32, #tpu.memory_space<hbm>> -> memref<12500x256xi32, #tpu.memory_space<hbm>>
          %dma_wait3A_99 = arith.constant 0 : i32
          %dma_wait3A_100 = tpu.memref_slice %dma_wait3A_98[%mul3A_54, %dma_wait3A_99] : memref<12500x256xi32, #tpu.memory_space<hbm>> -> memref<4x256xi32, #tpu.memory_space<hbm>>
          tpu.wait_dma2 semaphore(%run_scoped3A : memref<!tpu.dma_semaphore, #tpu.memory_space<semaphore_mem>>) src(%dma_wait3A_100 : memref<4x256xi32, #tpu.memory_space<hbm>>) dst(%arg6 : memref<4x256xi32, #tpu.memory_space<vmem>>)
          tpu.yield
        }) : () -> ()
        %dma_start3A = arith.constant 0 : i32
        %dma_start3A_55 = arith.constant 0 : i32
        %dma_start3A_56 = tpu.memref_slice %arg6[%dma_start3A, %dma_start3A_55] : memref<4x256xi32, #tpu.memory_space<vmem>> -> memref<1x256xi32, #tpu.memory_space<vmem>>
        %dma_start3A_57 = tpu.memref_squeeze %dma_start3A_56 : memref<1x256xi32, #tpu.memory_space<vmem>> -> memref<256xi32, #tpu.memory_space<vmem>>
        %dma_start3A_58 = arith.constant 0 : i32
        %dma_start3A_59 = tpu.memref_slice %arg9[%dma_start3A_58] : memref<100000xf32, #tpu.memory_space<vmem_shared>> -> memref<100000xf32, #tpu.memory_space<vmem_shared>>
        tpu.enqueue_indirect_dma source(%arg8 : memref<256xf32, #tpu.memory_space<vmem>>) target(%dma_start3A_59 : memref<100000xf32, #tpu.memory_space<vmem_shared>>) offsets(%dma_start3A_57 : memref<256xi32, #tpu.memory_space<vmem>>) semaphore(%arg10 : memref<!tpu.dma_semaphore, #tpu.memory_space<semaphore_mem>>) {add = true}
        %dma_start3A_60 = arith.constant 1 : i32
        %dma_start3A_61 = arith.constant 0 : i32
        %dma_start3A_62 = tpu.memref_slice %arg6[%dma_start3A_60, %dma_start3A_61] : memref<4x256xi32, #tpu.memory_space<vmem>> -> memref<1x256xi32, #tpu.memory_space<vmem>>
        %dma_start3A_63 = tpu.memref_squeeze %dma_start3A_62 : memref<1x256xi32, #tpu.memory_space<vmem>> -> memref<256xi32, #tpu.memory_space<vmem>>
        %dma_start3A_64 = arith.constant 0 : i32
        %dma_start3A_65 = tpu.memref_slice %arg9[%dma_start3A_64] : memref<100000xf32, #tpu.memory_space<vmem_shared>> -> memref<100000xf32, #tpu.memory_space<vmem_shared>>
        tpu.enqueue_indirect_dma source(%arg8 : memref<256xf32, #tpu.memory_space<vmem>>) target(%dma_start3A_65 : memref<100000xf32, #tpu.memory_space<vmem_shared>>) offsets(%dma_start3A_63 : memref<256xi32, #tpu.memory_space<vmem>>) semaphore(%arg10 : memref<!tpu.dma_semaphore, #tpu.memory_space<semaphore_mem>>) {add = true}
        %dma_start3A_66 = arith.constant 2 : i32
        %dma_start3A_67 = arith.constant 0 : i32
        %dma_start3A_68 = tpu.memref_slice %arg6[%dma_start3A_66, %dma_start3A_67] : memref<4x256xi32, #tpu.memory_space<vmem>> -> memref<1x256xi32, #tpu.memory_space<vmem>>
        %dma_start3A_69 = tpu.memref_squeeze %dma_start3A_68 : memref<1x256xi32, #tpu.memory_space<vmem>> -> memref<256xi32, #tpu.memory_space<vmem>>
        %dma_start3A_70 = arith.constant 0 : i32
        %dma_start3A_71 = tpu.memref_slice %arg9[%dma_start3A_70] : memref<100000xf32, #tpu.memory_space<vmem_shared>> -> memref<100000xf32, #tpu.memory_space<vmem_shared>>
        tpu.enqueue_indirect_dma source(%arg8 : memref<256xf32, #tpu.memory_space<vmem>>) target(%dma_start3A_71 : memref<100000xf32, #tpu.memory_space<vmem_shared>>) offsets(%dma_start3A_69 : memref<256xi32, #tpu.memory_space<vmem>>) semaphore(%arg10 : memref<!tpu.dma_semaphore, #tpu.memory_space<semaphore_mem>>) {add = true}
        %dma_start3A_72 = arith.constant 3 : i32
        %dma_start3A_73 = arith.constant 0 : i32
        %dma_start3A_74 = tpu.memref_slice %arg6[%dma_start3A_72, %dma_start3A_73] : memref<4x256xi32, #tpu.memory_space<vmem>> -> memref<1x256xi32, #tpu.memory_space<vmem>>
        %dma_start3A_75 = tpu.memref_squeeze %dma_start3A_74 : memref<1x256xi32, #tpu.memory_space<vmem>> -> memref<256xi32, #tpu.memory_space<vmem>>
        %dma_start3A_76 = arith.constant 0 : i32
        %dma_start3A_77 = tpu.memref_slice %arg9[%dma_start3A_76] : memref<100000xf32, #tpu.memory_space<vmem_shared>> -> memref<100000xf32, #tpu.memory_space<vmem_shared>>
        tpu.enqueue_indirect_dma source(%arg8 : memref<256xf32, #tpu.memory_space<vmem>>) target(%dma_start3A_77 : memref<100000xf32, #tpu.memory_space<vmem_shared>>) offsets(%dma_start3A_75 : memref<256xi32, #tpu.memory_space<vmem>>) semaphore(%arg10 : memref<!tpu.dma_semaphore, #tpu.memory_space<semaphore_mem>>) {add = true}
      } else {
      }
      %lt3A_43 = arith.constant 3125 : i32
      %lt3A_44 = arith.cmpi slt, %add3A_28, %lt3A_43 : i32
      %convert_element_type3A_45 = arith.extui %lt3A_44 : i1 to i32
      %cond3A_46 = arith.constant 0 : i32
      %cond3A_47 = arith.cmpi ne, %convert_element_type3A_45, %cond3A_46 : i32
      scf.if %cond3A_47 {
        %mul3A_53 = arith.constant 4 : i32
        %mul3A_54 = arith.muli %add3A_28, %mul3A_53 : i32
        "tpu.region"() ({
          %run_scoped3A = tpu.sem_alloc : memref<!tpu.dma_semaphore, #tpu.memory_space<semaphore_mem>>
          %dma_start3A_78 = arith.constant 0 : i32
          %dma_start3A_79 = arith.constant 0 : i32
          %dma_start3A_80 = tpu.memref_slice %arg2[%scan3A_3, %dma_start3A_78, %dma_start3A_79] : memref<2x12500x256xi32, #tpu.memory_space<hbm>> -> memref<1x12500x256xi32, #tpu.memory_space<hbm>>
          %dma_start3A_81 = tpu.memref_squeeze %dma_start3A_80 : memref<1x12500x256xi32, #tpu.memory_space<hbm>> -> memref<12500x256xi32, #tpu.memory_space<hbm>>
          %dma_start3A_82 = arith.constant 0 : i32
          %dma_start3A_83 = tpu.memref_slice %dma_start3A_81[%mul3A_54, %dma_start3A_82] : memref<12500x256xi32, #tpu.memory_space<hbm>> -> memref<4x256xi32, #tpu.memory_space<hbm>>
          %dma_start3A_84 = arith.constant 0 : i32
          %dma_start3A_85 = arith.constant 0 : i32
          %dma_start3A_86 = tpu.memref_slice %arg2[%scan3A_3, %dma_start3A_84, %dma_start3A_85] : memref<2x12500x256xi32, #tpu.memory_space<hbm>> -> memref<1x12500x256xi32, #tpu.memory_space<hbm>>
          %dma_start3A_87 = tpu.memref_squeeze %dma_start3A_86 : memref<1x12500x256xi32, #tpu.memory_space<hbm>> -> memref<12500x256xi32, #tpu.memory_space<hbm>>
          %dma_start3A_88 = arith.constant 0 : i32
          %dma_start3A_89 = tpu.memref_slice %dma_start3A_87[%mul3A_54, %dma_start3A_88] : memref<12500x256xi32, #tpu.memory_space<hbm>> -> memref<4x256xi32, #tpu.memory_space<hbm>>
          tpu.enqueue_dma source(%dma_start3A_89 : memref<4x256xi32, #tpu.memory_space<hbm>>) target(%arg7 : memref<4x256xi32, #tpu.memory_space<vmem>>) target_semaphore(%run_scoped3A : memref<!tpu.dma_semaphore, #tpu.memory_space<semaphore_mem>>)
          %dma_wait3A = arith.constant 0 : i32
          %dma_wait3A_90 = arith.constant 0 : i32
          %dma_wait3A_91 = tpu.memref_slice %arg2[%scan3A_3, %dma_wait3A, %dma_wait3A_90] : memref<2x12500x256xi32, #tpu.memory_space<hbm>> -> memref<1x12500x256xi32, #tpu.memory_space<hbm>>
          %dma_wait3A_92 = tpu.memref_squeeze %dma_wait3A_91 : memref<1x12500x256xi32, #tpu.memory_space<hbm>> -> memref<12500x256xi32, #tpu.memory_space<hbm>>
          %dma_wait3A_93 = arith.constant 0 : i32
          %dma_wait3A_94 = tpu.memref_slice %dma_wait3A_92[%mul3A_54, %dma_wait3A_93] : memref<12500x256xi32, #tpu.memory_space<hbm>> -> memref<4x256xi32, #tpu.memory_space<hbm>>
          %dma_wait3A_95 = arith.constant 0 : i32
          %dma_wait3A_96 = arith.constant 0 : i32
          %dma_wait3A_97 = tpu.memref_slice %arg2[%scan3A_3, %dma_wait3A_95, %dma_wait3A_96] : memref<2x12500x256xi32, #tpu.memory_space<hbm>> -> memref<1x12500x256xi32, #tpu.memory_space<hbm>>
          %dma_wait3A_98 = tpu.memref_squeeze %dma_wait3A_97 : memref<1x12500x256xi32, #tpu.memory_space<hbm>> -> memref<12500x256xi32, #tpu.memory_space<hbm>>
          %dma_wait3A_99 = arith.constant 0 : i32
          %dma_wait3A_100 = tpu.memref_slice %dma_wait3A_98[%mul3A_54, %dma_wait3A_99] : memref<12500x256xi32, #tpu.memory_space<hbm>> -> memref<4x256xi32, #tpu.memory_space<hbm>>
          tpu.wait_dma2 semaphore(%run_scoped3A : memref<!tpu.dma_semaphore, #tpu.memory_space<semaphore_mem>>) src(%dma_wait3A_100 : memref<4x256xi32, #tpu.memory_space<hbm>>) dst(%arg7 : memref<4x256xi32, #tpu.memory_space<vmem>>)
          tpu.yield
        }) : () -> ()
        %dma_start3A = arith.constant 0 : i32
        %dma_start3A_55 = arith.constant 0 : i32
        %dma_start3A_56 = tpu.memref_slice %arg7[%dma_start3A, %dma_start3A_55] : memref<4x256xi32, #tpu.memory_space<vmem>> -> memref<1x256xi32, #tpu.memory_space<vmem>>
        %dma_start3A_57 = tpu.memref_squeeze %dma_start3A_56 : memref<1x256xi32, #tpu.memory_space<vmem>> -> memref<256xi32, #tpu.memory_space<vmem>>
        %dma_start3A_58 = arith.constant 0 : i32
        %dma_start3A_59 = tpu.memref_slice %arg9[%dma_start3A_58] : memref<100000xf32, #tpu.memory_space<vmem_shared>> -> memref<100000xf32, #tpu.memory_space<vmem_shared>>
        tpu.enqueue_indirect_dma source(%arg8 : memref<256xf32, #tpu.memory_space<vmem>>) target(%dma_start3A_59 : memref<100000xf32, #tpu.memory_space<vmem_shared>>) offsets(%dma_start3A_57 : memref<256xi32, #tpu.memory_space<vmem>>) semaphore(%arg11 : memref<!tpu.dma_semaphore, #tpu.memory_space<semaphore_mem>>) {add = true}
        %dma_start3A_60 = arith.constant 1 : i32
        %dma_start3A_61 = arith.constant 0 : i32
        %dma_start3A_62 = tpu.memref_slice %arg7[%dma_start3A_60, %dma_start3A_61] : memref<4x256xi32, #tpu.memory_space<vmem>> -> memref<1x256xi32, #tpu.memory_space<vmem>>
        %dma_start3A_63 = tpu.memref_squeeze %dma_start3A_62 : memref<1x256xi32, #tpu.memory_space<vmem>> -> memref<256xi32, #tpu.memory_space<vmem>>
        %dma_start3A_64 = arith.constant 0 : i32
        %dma_start3A_65 = tpu.memref_slice %arg9[%dma_start3A_64] : memref<100000xf32, #tpu.memory_space<vmem_shared>> -> memref<100000xf32, #tpu.memory_space<vmem_shared>>
        tpu.enqueue_indirect_dma source(%arg8 : memref<256xf32, #tpu.memory_space<vmem>>) target(%dma_start3A_65 : memref<100000xf32, #tpu.memory_space<vmem_shared>>) offsets(%dma_start3A_63 : memref<256xi32, #tpu.memory_space<vmem>>) semaphore(%arg11 : memref<!tpu.dma_semaphore, #tpu.memory_space<semaphore_mem>>) {add = true}
        %dma_start3A_66 = arith.constant 2 : i32
        %dma_start3A_67 = arith.constant 0 : i32
        %dma_start3A_68 = tpu.memref_slice %arg7[%dma_start3A_66, %dma_start3A_67] : memref<4x256xi32, #tpu.memory_space<vmem>> -> memref<1x256xi32, #tpu.memory_space<vmem>>
        %dma_start3A_69 = tpu.memref_squeeze %dma_start3A_68 : memref<1x256xi32, #tpu.memory_space<vmem>> -> memref<256xi32, #tpu.memory_space<vmem>>
        %dma_start3A_70 = arith.constant 0 : i32
        %dma_start3A_71 = tpu.memref_slice %arg9[%dma_start3A_70] : memref<100000xf32, #tpu.memory_space<vmem_shared>> -> memref<100000xf32, #tpu.memory_space<vmem_shared>>
        tpu.enqueue_indirect_dma source(%arg8 : memref<256xf32, #tpu.memory_space<vmem>>) target(%dma_start3A_71 : memref<100000xf32, #tpu.memory_space<vmem_shared>>) offsets(%dma_start3A_69 : memref<256xi32, #tpu.memory_space<vmem>>) semaphore(%arg11 : memref<!tpu.dma_semaphore, #tpu.memory_space<semaphore_mem>>) {add = true}
        %dma_start3A_72 = arith.constant 3 : i32
        %dma_start3A_73 = arith.constant 0 : i32
        %dma_start3A_74 = tpu.memref_slice %arg7[%dma_start3A_72, %dma_start3A_73] : memref<4x256xi32, #tpu.memory_space<vmem>> -> memref<1x256xi32, #tpu.memory_space<vmem>>
        %dma_start3A_75 = tpu.memref_squeeze %dma_start3A_74 : memref<1x256xi32, #tpu.memory_space<vmem>> -> memref<256xi32, #tpu.memory_space<vmem>>
        %dma_start3A_76 = arith.constant 0 : i32
        %dma_start3A_77 = tpu.memref_slice %arg9[%dma_start3A_76] : memref<100000xf32, #tpu.memory_space<vmem_shared>> -> memref<100000xf32, #tpu.memory_space<vmem_shared>>
        tpu.enqueue_indirect_dma source(%arg8 : memref<256xf32, #tpu.memory_space<vmem>>) target(%dma_start3A_77 : memref<100000xf32, #tpu.memory_space<vmem_shared>>) offsets(%dma_start3A_75 : memref<256xi32, #tpu.memory_space<vmem>>) semaphore(%arg11 : memref<!tpu.dma_semaphore, #tpu.memory_space<semaphore_mem>>) {add = true}
      } else {
      }
      %lt3A_48 = arith.constant 3125 : i32
      %lt3A_49 = arith.cmpi slt, %add3A_26, %lt3A_48 : i32
      %convert_element_type3A_50 = arith.extui %lt3A_49 : i1 to i32
      %cond3A_51 = arith.constant 0 : i32
      %cond3A_52 = arith.cmpi ne, %convert_element_type3A_50, %cond3A_51 : i32
      scf.if %cond3A_52 {
        %dma_wait3A = arith.constant 0 : i32
        %dma_wait3A_53 = arith.constant 0 : i32
        %dma_wait3A_54 = tpu.memref_slice %arg6[%dma_wait3A, %dma_wait3A_53] : memref<4x256xi32, #tpu.memory_space<vmem>> -> memref<1x256xi32, #tpu.memory_space<vmem>>
        %dma_wait3A_55 = tpu.memref_squeeze %dma_wait3A_54 : memref<1x256xi32, #tpu.memory_space<vmem>> -> memref<256xi32, #tpu.memory_space<vmem>>
        %dma_wait3A_56 = arith.constant 0 : i32
        %dma_wait3A_57 = tpu.memref_slice %arg9[%dma_wait3A_56] : memref<100000xf32, #tpu.memory_space<vmem_shared>> -> memref<100000xf32, #tpu.memory_space<vmem_shared>>
        tpu.wait_indirect_dma semaphore(%arg10 : memref<!tpu.dma_semaphore, #tpu.memory_space<semaphore_mem>>) src(%arg8 : memref<256xf32, #tpu.memory_space<vmem>>) dst(%dma_wait3A_57 : memref<100000xf32, #tpu.memory_space<vmem_shared>>)
        %dma_wait3A_58 = arith.constant 1 : i32
        %dma_wait3A_59 = arith.constant 0 : i32
        %dma_wait3A_60 = tpu.memref_slice %arg6[%dma_wait3A_58, %dma_wait3A_59] : memref<4x256xi32, #tpu.memory_space<vmem>> -> memref<1x256xi32, #tpu.memory_space<vmem>>
        %dma_wait3A_61 = tpu.memref_squeeze %dma_wait3A_60 : memref<1x256xi32, #tpu.memory_space<vmem>> -> memref<256xi32, #tpu.memory_space<vmem>>
        %dma_wait3A_62 = arith.constant 0 : i32
        %dma_wait3A_63 = tpu.memref_slice %arg9[%dma_wait3A_62] : memref<100000xf32, #tpu.memory_space<vmem_shared>> -> memref<100000xf32, #tpu.memory_space<vmem_shared>>
        tpu.wait_indirect_dma semaphore(%arg10 : memref<!tpu.dma_semaphore, #tpu.memory_space<semaphore_mem>>) src(%arg8 : memref<256xf32, #tpu.memory_space<vmem>>) dst(%dma_wait3A_63 : memref<100000xf32, #tpu.memory_space<vmem_shared>>)
        %dma_wait3A_64 = arith.constant 2 : i32
        %dma_wait3A_65 = arith.constant 0 : i32
        %dma_wait3A_66 = tpu.memref_slice %arg6[%dma_wait3A_64, %dma_wait3A_65] : memref<4x256xi32, #tpu.memory_space<vmem>> -> memref<1x256xi32, #tpu.memory_space<vmem>>
        %dma_wait3A_67 = tpu.memref_squeeze %dma_wait3A_66 : memref<1x256xi32, #tpu.memory_space<vmem>> -> memref<256xi32, #tpu.memory_space<vmem>>
        %dma_wait3A_68 = arith.constant 0 : i32
        %dma_wait3A_69 = tpu.memref_slice %arg9[%dma_wait3A_68] : memref<100000xf32, #tpu.memory_space<vmem_shared>> -> memref<100000xf32, #tpu.memory_space<vmem_shared>>
        tpu.wait_indirect_dma semaphore(%arg10 : memref<!tpu.dma_semaphore, #tpu.memory_space<semaphore_mem>>) src(%arg8 : memref<256xf32, #tpu.memory_space<vmem>>) dst(%dma_wait3A_69 : memref<100000xf32, #tpu.memory_space<vmem_shared>>)
        %dma_wait3A_70 = arith.constant 3 : i32
        %dma_wait3A_71 = arith.constant 0 : i32
        %dma_wait3A_72 = tpu.memref_slice %arg6[%dma_wait3A_70, %dma_wait3A_71] : memref<4x256xi32, #tpu.memory_space<vmem>> -> memref<1x256xi32, #tpu.memory_space<vmem>>
        %dma_wait3A_73 = tpu.memref_squeeze %dma_wait3A_72 : memref<1x256xi32, #tpu.memory_space<vmem>> -> memref<256xi32, #tpu.memory_space<vmem>>
        %dma_wait3A_74 = arith.constant 0 : i32
        %dma_wait3A_75 = tpu.memref_slice %arg9[%dma_wait3A_74] : memref<100000xf32, #tpu.memory_space<vmem_shared>> -> memref<100000xf32, #tpu.memory_space<vmem_shared>>
        tpu.wait_indirect_dma semaphore(%arg10 : memref<!tpu.dma_semaphore, #tpu.memory_space<semaphore_mem>>) src(%arg8 : memref<256xf32, #tpu.memory_space<vmem>>) dst(%dma_wait3A_75 : memref<100000xf32, #tpu.memory_space<vmem_shared>>)
      } else {
      }
    }
    %scan3A_8 = arith.constant 49 : i32
    %add3A_9 = arith.constant 3104 : i32
    %add3A_10 = arith.addi %add3A_9, %add3A : i32
    %lt3A = arith.constant 3125 : i32
    %lt3A_11 = arith.cmpi slt, %add3A_10, %lt3A : i32
    %convert_element_type3A_12 = arith.extui %lt3A_11 : i1 to i32
    %cond3A_13 = arith.constant 0 : i32
    %cond3A_14 = arith.cmpi ne, %convert_element_type3A_12, %cond3A_13 : i32
    scf.if %cond3A_14 {
      %dma_wait3A = arith.constant 0 : i32
      %dma_wait3A_21 = arith.constant 0 : i32
      %dma_wait3A_22 = tpu.memref_slice %arg7[%dma_wait3A, %dma_wait3A_21] : memref<4x256xi32, #tpu.memory_space<vmem>> -> memref<1x256xi32, #tpu.memory_space<vmem>>
      %dma_wait3A_23 = tpu.memref_squeeze %dma_wait3A_22 : memref<1x256xi32, #tpu.memory_space<vmem>> -> memref<256xi32, #tpu.memory_space<vmem>>
      %dma_wait3A_24 = arith.constant 0 : i32
      %dma_wait3A_25 = tpu.memref_slice %arg9[%dma_wait3A_24] : memref<100000xf32, #tpu.memory_space<vmem_shared>> -> memref<100000xf32, #tpu.memory_space<vmem_shared>>
      tpu.wait_indirect_dma semaphore(%arg11 : memref<!tpu.dma_semaphore, #tpu.memory_space<semaphore_mem>>) src(%arg8 : memref<256xf32, #tpu.memory_space<vmem>>) dst(%dma_wait3A_25 : memref<100000xf32, #tpu.memory_space<vmem_shared>>)
      %dma_wait3A_26 = arith.constant 1 : i32
      %dma_wait3A_27 = arith.constant 0 : i32
      %dma_wait3A_28 = tpu.memref_slice %arg7[%dma_wait3A_26, %dma_wait3A_27] : memref<4x256xi32, #tpu.memory_space<vmem>> -> memref<1x256xi32, #tpu.memory_space<vmem>>
      %dma_wait3A_29 = tpu.memref_squeeze %dma_wait3A_28 : memref<1x256xi32, #tpu.memory_space<vmem>> -> memref<256xi32, #tpu.memory_space<vmem>>
      %dma_wait3A_30 = arith.constant 0 : i32
      %dma_wait3A_31 = tpu.memref_slice %arg9[%dma_wait3A_30] : memref<100000xf32, #tpu.memory_space<vmem_shared>> -> memref<100000xf32, #tpu.memory_space<vmem_shared>>
      tpu.wait_indirect_dma semaphore(%arg11 : memref<!tpu.dma_semaphore, #tpu.memory_space<semaphore_mem>>) src(%arg8 : memref<256xf32, #tpu.memory_space<vmem>>) dst(%dma_wait3A_31 : memref<100000xf32, #tpu.memory_space<vmem_shared>>)
      %dma_wait3A_32 = arith.constant 2 : i32
      %dma_wait3A_33 = arith.constant 0 : i32
      %dma_wait3A_34 = tpu.memref_slice %arg7[%dma_wait3A_32, %dma_wait3A_33] : memref<4x256xi32, #tpu.memory_space<vmem>> -> memref<1x256xi32, #tpu.memory_space<vmem>>
      %dma_wait3A_35 = tpu.memref_squeeze %dma_wait3A_34 : memref<1x256xi32, #tpu.memory_space<vmem>> -> memref<256xi32, #tpu.memory_space<vmem>>
      %dma_wait3A_36 = arith.constant 0 : i32
      %dma_wait3A_37 = tpu.memref_slice %arg9[%dma_wait3A_36] : memref<100000xf32, #tpu.memory_space<vmem_shared>> -> memref<100000xf32, #tpu.memory_space<vmem_shared>>
      tpu.wait_indirect_dma semaphore(%arg11 : memref<!tpu.dma_semaphore, #tpu.memory_space<semaphore_mem>>) src(%arg8 : memref<256xf32, #tpu.memory_space<vmem>>) dst(%dma_wait3A_37 : memref<100000xf32, #tpu.memory_space<vmem_shared>>)
      %dma_wait3A_38 = arith.constant 3 : i32
      %dma_wait3A_39 = arith.constant 0 : i32
      %dma_wait3A_40 = tpu.memref_slice %arg7[%dma_wait3A_38, %dma_wait3A_39] : memref<4x256xi32, #tpu.memory_space<vmem>> -> memref<1x256xi32, #tpu.memory_space<vmem>>
      %dma_wait3A_41 = tpu.memref_squeeze %dma_wait3A_40 : memref<1x256xi32, #tpu.memory_space<vmem>> -> memref<256xi32, #tpu.memory_space<vmem>>
      %dma_wait3A_42 = arith.constant 0 : i32
      %dma_wait3A_43 = tpu.memref_slice %arg9[%dma_wait3A_42] : memref<100000xf32, #tpu.memory_space<vmem_shared>> -> memref<100000xf32, #tpu.memory_space<vmem_shared>>
      tpu.wait_indirect_dma semaphore(%arg11 : memref<!tpu.dma_semaphore, #tpu.memory_space<semaphore_mem>>) src(%arg8 : memref<256xf32, #tpu.memory_space<vmem>>) dst(%dma_wait3A_43 : memref<100000xf32, #tpu.memory_space<vmem_shared>>)
    } else {
    }
    %barrier3A_15 = arith.constant 0 : index
    tpu.barrier barrier_id(%barrier3A_15)
    %eq3A_16 = arith.constant 0 : i32
    %eq3A_17 = arith.cmpi eq, %arg1, %eq3A_16 : i32
    %convert_element_type3A_18 = arith.extui %eq3A_17 : i1 to i32
    %cond3A_19 = arith.constant 0 : i32
    %cond3A_20 = arith.cmpi ne, %convert_element_type3A_18, %cond3A_19 : i32
    scf.if %cond3A_20 {
      %run_scoped3A = arith.constant 0 : i32
      "tpu.region"() ({
        %run_scoped3A_21 = tpu.sem_alloc : memref<!tpu.dma_semaphore, #tpu.memory_space<semaphore_mem>>
        %dma_start3A = arith.constant 0 : i32
        %dma_start3A_22 = tpu.memref_slice %arg5[%arg0, %run_scoped3A, %dma_start3A] : memref<2x1x100352xf32, #tpu.memory_space<hbm>> -> memref<1x1x100000xf32, #tpu.memory_space<hbm>>
        %dma_start3A_23 = tpu.memref_squeeze %dma_start3A_22 : memref<1x1x100000xf32, #tpu.memory_space<hbm>> -> memref<100000xf32, #tpu.memory_space<hbm>>
        tpu.enqueue_dma source(%arg9 : memref<100000xf32, #tpu.memory_space<vmem_shared>>) target(%dma_start3A_23 : memref<100000xf32, #tpu.memory_space<hbm>>) target_semaphore(%run_scoped3A_21 : memref<!tpu.dma_semaphore, #tpu.memory_space<semaphore_mem>>)
        %dma_wait3A = arith.constant 0 : i32
        %dma_wait3A_24 = tpu.memref_slice %arg5[%arg0, %run_scoped3A, %dma_wait3A] : memref<2x1x100352xf32, #tpu.memory_space<hbm>> -> memref<1x1x100000xf32, #tpu.memory_space<hbm>>
        %dma_wait3A_25 = tpu.memref_squeeze %dma_wait3A_24 : memref<1x1x100000xf32, #tpu.memory_space<hbm>> -> memref<100000xf32, #tpu.memory_space<hbm>>
        tpu.wait_dma2 semaphore(%run_scoped3A_21 : memref<!tpu.dma_semaphore, #tpu.memory_space<semaphore_mem>>) src(%arg9 : memref<100000xf32, #tpu.memory_space<vmem_shared>>) dst(%dma_wait3A_25 : memref<100000xf32, #tpu.memory_space<hbm>>)
        tpu.yield
      }) : () -> ()
    } else {
    }
    return
  }
}

module attributes {stable_mosaic.version = 14 : i64} {
  func.func @body(%arg0: i32, %arg1: memref<256x128xf32, #tpu.memory_space<vmem>>, %arg2: memref<256x128xf32, #tpu.memory_space<vmem>>, %arg3: memref<256x128xf32, #tpu.memory_space<vmem>>, %arg4: memref<256x128xf32, #tpu.memory_space<vmem>>) attributes {dimension_semantics = [#tpu.dimension_semantics<arbitrary>], iteration_bounds = array<i64: 49>, scalar_prefetch = 0 : i64, scratch_operands = 0 : i64, tpu.core_type = #tpu.core_type<tc>, window_params = [{transform_indices = @transform_0, window_bounds = array<i64: 256, 128>}, {transform_indices = @transform_1, window_bounds = array<i64: 256, 128>}, {transform_indices = @transform_2, window_bounds = array<i64: 256, 128>}, {transform_indices = @transform_3, window_bounds = array<i64: 256, 128>}]} {
    %get3A = arith.constant 0 : index
    %get3A_0 = arith.constant 0 : index
    %get3A_1 = vector.load %arg1[%get3A, %get3A_0] : memref<256x128xf32, #tpu.memory_space<vmem>>, vector<256x128xf32>
    %add3A = arith.constant 1.000000e+00 : f32
    %add3A_2 = vector.broadcast %add3A : f32 to vector<256x128xf32>
    %add3A_3 = arith.addf %get3A_1, %add3A_2 : vector<256x128xf32>
    %rsqrt3A = math.rsqrt %add3A_3 : vector<256x128xf32>
    %swap3A = arith.constant 0 : index
    %swap3A_4 = arith.constant 0 : index
    %swap3A_5 = vector.load %arg3[%swap3A, %swap3A_4] : memref<256x128xf32, #tpu.memory_space<vmem>>, vector<256x128xf32>
    tpu.vector_store %arg3[%swap3A, %swap3A_4], %rsqrt3A {strides = array<i32>} : memref<256x128xf32, #tpu.memory_space<vmem>>, vector<256x128xf32>,
    %get3A_6 = arith.constant 0 : index
    %get3A_7 = arith.constant 0 : index
    %get3A_8 = vector.load %arg2[%get3A_6, %get3A_7] : memref<256x128xf32, #tpu.memory_space<vmem>>, vector<256x128xf32>
    %mul3A = arith.mulf %get3A_8, %rsqrt3A : vector<256x128xf32>
    %swap3A_9 = arith.constant 0 : index
    %swap3A_10 = arith.constant 0 : index
    %swap3A_11 = vector.load %arg4[%swap3A_9, %swap3A_10] : memref<256x128xf32, #tpu.memory_space<vmem>>, vector<256x128xf32>
    tpu.vector_store %arg4[%swap3A_9, %swap3A_10], %mul3A {strides = array<i32>} : memref<256x128xf32, #tpu.memory_space<vmem>>, vector<256x128xf32>,
    return
  }
  func.func @transform_0(%arg0: i32) -> (i32, i32) {
    %c0_i32 = arith.constant 0 : i32
    %c0_i32_0 = arith.constant 0 : i32
    return %arg0, %c0_i32 : i32, i32
  }
  func.func @transform_1(%arg0: i32) -> (i32, i32) {
    %c0_i32 = arith.constant 0 : i32
    %c0_i32_0 = arith.constant 0 : i32
    return %arg0, %c0_i32 : i32, i32
  }
  func.func @transform_2(%arg0: i32) -> (i32, i32) {
    %c0_i32 = arith.constant 0 : i32
    %c0_i32_0 = arith.constant 0 : i32
    return %arg0, %c0_i32 : i32, i32
  }
  func.func @transform_3(%arg0: i32) -> (i32, i32) {
    %c0_i32 = arith.constant 0 : i32
    %c0_i32_0 = arith.constant 0 : i32
    return %arg0, %c0_i32 : i32, i32
  }
}

module attributes {stable_mosaic.version = 14 : i64} {
  func.func @body(%arg0: i32, %arg1: memref<256x128xf32, #tpu.memory_space<vmem>>, %arg2: memref<256x128xf32, #tpu.memory_space<vmem>>, %arg3: memref<256x128xf32, #tpu.memory_space<vmem>>, %arg4: memref<256x128xf32, #tpu.memory_space<vmem>>, %arg5: memref<128x128xf32, #tpu.memory_space<vmem>>, %arg6: memref<1x128xf32, #tpu.memory_space<vmem>>, %arg7: memref<256x128xf32, #tpu.memory_space<vmem>>) attributes {dimension_semantics = [#tpu.dimension_semantics<arbitrary>], iteration_bounds = array<i64: 49>, scalar_prefetch = 0 : i64, scratch_operands = 0 : i64, tpu.core_type = #tpu.core_type<tc>, window_params = [{transform_indices = @transform_0, window_bounds = array<i64: 256, 128>}, {transform_indices = @transform_1, window_bounds = array<i64: 256, 128>}, {transform_indices = @transform_2, window_bounds = array<i64: 256, 128>}, {transform_indices = @transform_3, window_bounds = array<i64: 256, 128>}, {pipeline_mode = #tpu.pipeline_mode<synchronous>, transform_indices = @transform_4, window_bounds = array<i64: 128, 128>}, {pipeline_mode = #tpu.pipeline_mode<synchronous>, transform_indices = @transform_5, window_bounds = array<i64: 1, 128>}, {transform_indices = @transform_6, window_bounds = array<i64: 256, 128>}]} {
    %get3A = arith.constant 0 : index
    %get3A_0 = arith.constant 0 : index
    %get3A_1 = vector.load %arg4[%get3A, %get3A_0] : memref<256x128xf32, #tpu.memory_space<vmem>>, vector<256x128xf32>
    %get3A_2 = arith.constant 0 : index
    %get3A_3 = arith.constant 0 : index
    %get3A_4 = vector.load %arg1[%get3A_2, %get3A_3] : memref<256x128xf32, #tpu.memory_space<vmem>>, vector<256x128xf32>
    %get3A_5 = arith.constant 0 : index
    %get3A_6 = arith.constant 0 : index
    %get3A_7 = vector.load %arg2[%get3A_5, %get3A_6] : memref<256x128xf32, #tpu.memory_space<vmem>>, vector<256x128xf32>
    %add3A = arith.addf %get3A_4, %get3A_7 : vector<256x128xf32>
    %get3A_8 = arith.constant 0 : index
    %get3A_9 = arith.constant 0 : index
    %get3A_10 = vector.load %arg3[%get3A_8, %get3A_9] : memref<256x128xf32, #tpu.memory_space<vmem>>, vector<256x128xf32>
    %add3A_11 = arith.addf %add3A, %get3A_10 : vector<256x128xf32>
    %mul3A = arith.mulf %get3A_1, %add3A_11 : vector<256x128xf32>
    %get3A_12 = arith.constant 0 : index
    %get3A_13 = arith.constant 0 : index
    %get3A_14 = vector.load %arg5[%get3A_12, %get3A_13] : memref<128x128xf32, #tpu.memory_space<vmem>>, vector<128x128xf32>
    %dot_general3A = arith.constant dense<0.000000e+00> : vector<256x128xf32>
    %dot_general3A_15 = tpu.matmul %mul3A, %get3A_14, %dot_general3A {dimension_numbers = #tpu.dot_dimension_numbers<[1], [0], [0], [1], [0, 0, 1, 1], [], []>, transpose_lhs_hint = false} : vector<256x128xf32>, vector<128x128xf32>, vector<256x128xf32> -> vector<256x128xf32>
    %get3A_16 = arith.constant 0 : index
    %get3A_17 = arith.constant 0 : index
    %get3A_18 = vector.load %arg6[%get3A_16, %get3A_17] : memref<1x128xf32, #tpu.memory_space<vmem>>, vector<1x128xf32>
    %add3A_19 = vector.broadcast %get3A_18 : vector<1x128xf32> to vector<256x128xf32>
    %add3A_20 = arith.addf %dot_general3A_15, %add3A_19 : vector<256x128xf32>
    %max3A = arith.constant 0.000000e+00 : f32
    %max3A_21 = vector.broadcast %max3A : f32 to vector<256x128xf32>
    %max3A_22 = arith.maximumf %add3A_20, %max3A_21 : vector<256x128xf32>
    %mul3A_23 = arith.mulf %max3A_22, %get3A_1 : vector<256x128xf32>
    %swap3A = arith.constant 0 : index
    %swap3A_24 = arith.constant 0 : index
    %swap3A_25 = vector.load %arg7[%swap3A, %swap3A_24] : memref<256x128xf32, #tpu.memory_space<vmem>>, vector<256x128xf32>
    tpu.vector_store %arg7[%swap3A, %swap3A_24], %mul3A_23 {strides = array<i32>} : memref<256x128xf32, #tpu.memory_space<vmem>>, vector<256x128xf32>,
    return
  }
  func.func @transform_0(%arg0: i32) -> (i32, i32) {
    %c0_i32 = arith.constant 0 : i32
    %c0_i32_0 = arith.constant 0 : i32
    return %arg0, %c0_i32 : i32, i32
  }
  func.func @transform_1(%arg0: i32) -> (i32, i32) {
    %c0_i32 = arith.constant 0 : i32
    %c0_i32_0 = arith.constant 0 : i32
    return %arg0, %c0_i32 : i32, i32
  }
  func.func @transform_2(%arg0: i32) -> (i32, i32) {
    %c0_i32 = arith.constant 0 : i32
    %c0_i32_0 = arith.constant 0 : i32
    return %arg0, %c0_i32 : i32, i32
  }
  func.func @transform_3(%arg0: i32) -> (i32, i32) {
    %c0_i32 = arith.constant 0 : i32
    %c0_i32_0 = arith.constant 0 : i32
    return %arg0, %c0_i32 : i32, i32
  }
  func.func @transform_4(%arg0: i32) -> (i32, i32) {
    %c0_i32 = arith.constant 0 : i32
    %c0_i32_0 = arith.constant 0 : i32
    %c0_i32_1 = arith.constant 0 : i32
    return %c0_i32, %c0_i32_0 : i32, i32
  }
  func.func @transform_5(%arg0: i32) -> (i32, i32) {
    %c0_i32 = arith.constant 0 : i32
    %c0_i32_0 = arith.constant 0 : i32
    %c0_i32_1 = arith.constant 0 : i32
    return %c0_i32, %c0_i32_0 : i32, i32
  }
  func.func @transform_6(%arg0: i32) -> (i32, i32) {
    %c0_i32 = arith.constant 0 : i32
    %c0_i32_0 = arith.constant 0 : i32
    return %arg0, %c0_i32 : i32, i32
  }
}

module attributes {stable_mosaic.version = 14 : i64} {
  func.func @body(%arg0: i32, %arg1: memref<256x128xf32, #tpu.memory_space<vmem>>, %arg2: memref<256x128xf32, #tpu.memory_space<vmem>>, %arg3: memref<256x128xf32, #tpu.memory_space<vmem>>, %arg4: memref<256x128xf32, #tpu.memory_space<vmem>>, %arg5: memref<128x128xf32, #tpu.memory_space<vmem>>, %arg6: memref<1x128xf32, #tpu.memory_space<vmem>>, %arg7: memref<8x256xi32, #tpu.memory_space<vmem>>, %arg8: memref<128x16xf32, #tpu.memory_space<vmem>>, %arg9: memref<16x16xf32, #tpu.memory_space<vmem>>, %arg10: memref<1x16xf32, #tpu.memory_space<vmem>>, %arg11: memref<16x1xf32, #tpu.memory_space<vmem>>, %arg12: memref<1x1xf32, #tpu.memory_space<vmem>>, %arg13: memref<64x1xf32, #tpu.memory_space<vmem>>, %arg14: memref<64x16xf32, #tpu.memory_space<vmem>>, %arg15: memref<64x16xf32, #tpu.memory_space<vmem>>) attributes {dimension_semantics = [#tpu.dimension_semantics<arbitrary>], iteration_bounds = array<i64: 49>, scalar_prefetch = 0 : i64, scratch_operands = 2 : i64, tpu.core_type = #tpu.core_type<tc>, window_params = [{transform_indices = @transform_0, window_bounds = array<i64: 256, 128>}, {transform_indices = @transform_1, window_bounds = array<i64: 256, 128>}, {transform_indices = @transform_2, window_bounds = array<i64: 256, 128>}, {transform_indices = @transform_3, window_bounds = array<i64: 256, 128>}, {pipeline_mode = #tpu.pipeline_mode<synchronous>, transform_indices = @transform_4, window_bounds = array<i64: 128, 128>}, {pipeline_mode = #tpu.pipeline_mode<synchronous>, transform_indices = @transform_5, window_bounds = array<i64: 1, 128>}, {transform_indices = @transform_6, window_bounds = array<i64: 8, 256>}, {pipeline_mode = #tpu.pipeline_mode<synchronous>, transform_indices = @transform_7, window_bounds = array<i64: 128, 16>}, {pipeline_mode = #tpu.pipeline_mode<synchronous>, transform_indices = @transform_8, window_bounds = array<i64: 16, 16>}, {pipeline_mode = #tpu.pipeline_mode<synchronous>, transform_indices = @transform_9, window_bounds = array<i64: 1, 16>}, {pipeline_mode = #tpu.pipeline_mode<synchronous>, transform_indices = @transform_10, window_bounds = array<i64: 16, 1>}, {pipeline_mode = #tpu.pipeline_mode<synchronous>, transform_indices = @transform_11, window_bounds = array<i64: 1, 1>}, {pipeline_mode = #tpu.pipeline_mode<synchronous>, transform_indices = @transform_12, window_bounds = array<i64: 64, 1>}]} {
    %eq3A = arith.constant 0 : i32
    %eq3A_0 = arith.cmpi eq, %arg0, %eq3A : i32
    %convert_element_type3A = arith.extui %eq3A_0 : i1 to i32
    %cond3A = arith.constant 0 : i32
    %cond3A_1 = arith.cmpi ne, %convert_element_type3A, %cond3A : i32
    scf.if %cond3A_1 {
      %broadcast_in_dim3A_252 = arith.constant 0.000000e+00 : f32
      %broadcast_in_dim3A_253 = vector.broadcast %broadcast_in_dim3A_252 : f32 to vector<64x16xf32>
      %swap3A_254 = arith.constant 0 : index
      %swap3A_255 = arith.constant 0 : index
      %swap3A_256 = vector.load %arg14[%swap3A_254, %swap3A_255] : memref<64x16xf32, #tpu.memory_space<vmem>>, vector<64x16xf32>
      tpu.vector_store %arg14[%swap3A_254, %swap3A_255], %broadcast_in_dim3A_253 {strides = array<i32>} : memref<64x16xf32, #tpu.memory_space<vmem>>, vector<64x16xf32>,
      %broadcast_in_dim3A_257 = arith.constant 0.000000e+00 : f32
      %broadcast_in_dim3A_258 = vector.broadcast %broadcast_in_dim3A_257 : f32 to vector<64x16xf32>
      %swap3A_259 = arith.constant 0 : index
      %swap3A_260 = arith.constant 0 : index
      %swap3A_261 = vector.load %arg15[%swap3A_259, %swap3A_260] : memref<64x16xf32, #tpu.memory_space<vmem>>, vector<64x16xf32>
      tpu.vector_store %arg15[%swap3A_259, %swap3A_260], %broadcast_in_dim3A_258 {strides = array<i32>} : memref<64x16xf32, #tpu.memory_space<vmem>>, vector<64x16xf32>,
    } else {
    }
    %get3A = arith.constant 0 : index
    %get3A_2 = arith.constant 0 : index
    %get3A_3 = vector.load %arg4[%get3A, %get3A_2] : memref<256x128xf32, #tpu.memory_space<vmem>>, vector<256x128xf32>
    %get3A_4 = arith.constant 0 : index
    %get3A_5 = arith.constant 0 : index
    %get3A_6 = vector.load %arg1[%get3A_4, %get3A_5] : memref<256x128xf32, #tpu.memory_space<vmem>>, vector<256x128xf32>
    %get3A_7 = arith.constant 0 : index
    %get3A_8 = arith.constant 0 : index
    %get3A_9 = vector.load %arg2[%get3A_7, %get3A_8] : memref<256x128xf32, #tpu.memory_space<vmem>>, vector<256x128xf32>
    %add3A = arith.addf %get3A_6, %get3A_9 : vector<256x128xf32>
    %get3A_10 = arith.constant 0 : index
    %get3A_11 = arith.constant 0 : index
    %get3A_12 = vector.load %arg3[%get3A_10, %get3A_11] : memref<256x128xf32, #tpu.memory_space<vmem>>, vector<256x128xf32>
    %add3A_13 = arith.addf %add3A, %get3A_12 : vector<256x128xf32>
    %mul3A = arith.mulf %get3A_3, %add3A_13 : vector<256x128xf32>
    %get3A_14 = arith.constant 0 : index
    %get3A_15 = arith.constant 0 : index
    %get3A_16 = vector.load %arg5[%get3A_14, %get3A_15] : memref<128x128xf32, #tpu.memory_space<vmem>>, vector<128x128xf32>
    %dot_general3A = arith.constant dense<0.000000e+00> : vector<256x128xf32>
    %dot_general3A_17 = tpu.matmul %mul3A, %get3A_16, %dot_general3A {dimension_numbers = #tpu.dot_dimension_numbers<[1], [0], [0], [1], [0, 0, 1, 1], [], []>, transpose_lhs_hint = false} : vector<256x128xf32>, vector<128x128xf32>, vector<256x128xf32> -> vector<256x128xf32>
    %get3A_18 = arith.constant 0 : index
    %get3A_19 = arith.constant 0 : index
    %get3A_20 = vector.load %arg6[%get3A_18, %get3A_19] : memref<1x128xf32, #tpu.memory_space<vmem>>, vector<1x128xf32>
    %add3A_21 = vector.broadcast %get3A_20 : vector<1x128xf32> to vector<256x128xf32>
    %add3A_22 = arith.addf %dot_general3A_17, %add3A_21 : vector<256x128xf32>
    %max3A = arith.constant 0.000000e+00 : f32
    %max3A_23 = vector.broadcast %max3A : f32 to vector<256x128xf32>
    %max3A_24 = arith.maximumf %add3A_22, %max3A_23 : vector<256x128xf32>
    %abs3A = math.absf %max3A_24 : vector<256x128xf32>
    %lt3A = arith.constant 1.000000e+30 : f32
    %lt3A_25 = vector.broadcast %lt3A : f32 to vector<256x128xf32>
    %lt3A_26 = arith.cmpf olt, %abs3A, %lt3A_25 : vector<256x128xf32>
    %jit3A = arith.constant 0.000000e+00 : f32
    %broadcast_in_dim3A = vector.broadcast %jit3A : f32 to vector<256x128xf32>
    %select_n3A = arith.select %lt3A_26, %max3A_24, %broadcast_in_dim3A : vector<256x128xi1>, vector<256x128xf32>
    %iota3A = tpu.iota {dimensions = array<i32: 0>} : vector<64x256xi32>
    %iota3A_27 = tpu.iota {dimensions = array<i32: 1>} : vector<64x128xi32>
    %jit3A_28 = arith.constant 16 : i32
    %div3A = vector.broadcast %jit3A_28 : i32 to vector<64x128xi32>
    %div3A_29 = arith.divsi %iota3A_27, %div3A : vector<64x128xi32>
    %sign3A = arith.constant 0 : i32
    %sign3A_30 = vector.broadcast %sign3A : i32 to vector<64x128xi32>
    %sign3A_31 = arith.cmpi sgt, %iota3A_27, %sign3A_30 : vector<64x128xi32>
    %sign3A_32 = arith.extui %sign3A_31 : vector<64x128xi1> to vector<64x128xi32>
    %sign3A_33 = arith.constant 0 : i32
    %sign3A_34 = vector.broadcast %sign3A_33 : i32 to vector<64x128xi32>
    %sign3A_35 = arith.cmpi slt, %iota3A_27, %sign3A_34 : vector<64x128xi32>
    %sign3A_36 = arith.extui %sign3A_35 : vector<64x128xi1> to vector<64x128xi32>
    %sign3A_37 = arith.subi %sign3A_32, %sign3A_36 : vector<64x128xi32>
    %sign3A_38 = arith.constant 0 : i32
    %sign3A_39 = arith.cmpi sgt, %jit3A_28, %sign3A_38 : i32
    %sign3A_40 = arith.extui %sign3A_39 : i1 to i32
    %sign3A_41 = arith.constant 0 : i32
    %sign3A_42 = arith.cmpi slt, %jit3A_28, %sign3A_41 : i32
    %sign3A_43 = arith.extui %sign3A_42 : i1 to i32
    %sign3A_44 = arith.subi %sign3A_40, %sign3A_43 : i32
    %ne3A = vector.broadcast %sign3A_44 : i32 to vector<64x128xi32>
    %ne3A_45 = arith.cmpi ne, %sign3A_37, %ne3A : vector<64x128xi32>
    %rem3A = vector.broadcast %jit3A_28 : i32 to vector<64x128xi32>
    %rem3A_46 = arith.remsi %iota3A_27, %rem3A : vector<64x128xi32>
    %ne3A_47 = arith.constant 0 : i32
    %ne3A_48 = vector.broadcast %ne3A_47 : i32 to vector<64x128xi32>
    %ne3A_49 = arith.cmpi ne, %rem3A_46, %ne3A_48 : vector<64x128xi32>
    %and3A = arith.andi %ne3A_45, %ne3A_49 : vector<64x128xi1>
    %sub3A = arith.constant 1 : i32
    %sub3A_50 = vector.broadcast %sub3A : i32 to vector<64x128xi32>
    %sub3A_51 = arith.subi %div3A_29, %sub3A_50 : vector<64x128xi32>
    %select_n3A_52 = arith.select %and3A, %sub3A_51, %div3A_29 : vector<64x128xi1>, vector<64x128xi32>
    %broadcast_in_dim3A_53 = arith.constant 1.000000e+00 : f32
    %broadcast_in_dim3A_54 = vector.broadcast %broadcast_in_dim3A_53 : f32 to vector<256x128xf32>
    %broadcast_in_dim3A_55 = arith.constant 0.000000e+00 : f32
    %broadcast_in_dim3A_56 = vector.broadcast %broadcast_in_dim3A_55 : f32 to vector<64x128xf32>
    %broadcast_in_dim3A_57 = arith.constant 0.000000e+00 : f32
    %broadcast_in_dim3A_58 = vector.broadcast %broadcast_in_dim3A_57 : f32 to vector<64x128xf32>
    %get3A_59 = arith.constant 0 : index
    %get3A_60 = arith.constant 0 : index
    %get3A_61 = vector.load %arg7[%get3A_59, %get3A_60] : memref<8x256xi32, #tpu.memory_space<vmem>>, vector<1x256xi32>
    %broadcast_in_dim3A_62 = vector.shape_cast %get3A_61 : vector<1x256xi32> to vector<1x256xi32>
    %broadcast_in_dim3A_63 = vector.broadcast %broadcast_in_dim3A_62 : vector<1x256xi32> to vector<64x256xi32>
    %eq3A_64 = arith.cmpi eq, %broadcast_in_dim3A_63, %iota3A : vector<64x256xi32>
    %convert_element_type3A_65 = arith.extui %eq3A_64 : vector<64x256xi1> to vector<64x256xi32>
    %convert_element_type3A_66 = arith.sitofp %convert_element_type3A_65 : vector<64x256xi32> to vector<64x256xf32>
    %eq3A_67 = arith.constant 0 : i32
    %eq3A_68 = vector.broadcast %eq3A_67 : i32 to vector<64x128xi32>
    %eq3A_69 = arith.cmpi eq, %select_n3A_52, %eq3A_68 : vector<64x128xi32>
    %convert_element_type3A_70 = arith.extui %eq3A_69 : vector<64x128xi1> to vector<64x128xi32>
    %convert_element_type3A_71 = arith.sitofp %convert_element_type3A_70 : vector<64x128xi32> to vector<64x128xf32>
    %dot_general3A_72 = arith.constant dense<0.000000e+00> : vector<64x128xf32>
    %dot_general3A_73 = tpu.matmul %convert_element_type3A_66, %select_n3A, %dot_general3A_72 {dimension_numbers = #tpu.dot_dimension_numbers<[1], [0], [0], [1], [0, 0, 1, 1], [], []>, transpose_lhs_hint = false} : vector<64x256xf32>, vector<256x128xf32>, vector<64x128xf32> -> vector<64x128xf32>
    %mul3A_74 = arith.mulf %dot_general3A_73, %convert_element_type3A_71 : vector<64x128xf32>
    %add3A_75 = arith.addf %broadcast_in_dim3A_56, %mul3A_74 : vector<64x128xf32>
    %dot_general3A_76 = arith.constant dense<0.000000e+00> : vector<64x128xf32>
    %dot_general3A_77 = tpu.matmul %convert_element_type3A_66, %broadcast_in_dim3A_54, %dot_general3A_76 {dimension_numbers = #tpu.dot_dimension_numbers<[1], [0], [0], [1], [0, 0, 1, 1], [], []>, transpose_lhs_hint = false} : vector<64x256xf32>, vector<256x128xf32>, vector<64x128xf32> -> vector<64x128xf32>
    %mul3A_78 = arith.mulf %dot_general3A_77, %convert_element_type3A_71 : vector<64x128xf32>
    %add3A_79 = arith.addf %broadcast_in_dim3A_58, %mul3A_78 : vector<64x128xf32>
    %get3A_80 = arith.constant 1 : index
    %get3A_81 = arith.constant 0 : index
    %get3A_82 = vector.load %arg7[%get3A_80, %get3A_81] : memref<8x256xi32, #tpu.memory_space<vmem>>, vector<1x256xi32>
    %broadcast_in_dim3A_83 = vector.shape_cast %get3A_82 : vector<1x256xi32> to vector<1x256xi32>
    %broadcast_in_dim3A_84 = vector.broadcast %broadcast_in_dim3A_83 : vector<1x256xi32> to vector<64x256xi32>
    %eq3A_85 = arith.cmpi eq, %broadcast_in_dim3A_84, %iota3A : vector<64x256xi32>
    %convert_element_type3A_86 = arith.extui %eq3A_85 : vector<64x256xi1> to vector<64x256xi32>
    %convert_element_type3A_87 = arith.sitofp %convert_element_type3A_86 : vector<64x256xi32> to vector<64x256xf32>
    %eq3A_88 = arith.constant 1 : i32
    %eq3A_89 = vector.broadcast %eq3A_88 : i32 to vector<64x128xi32>
    %eq3A_90 = arith.cmpi eq, %select_n3A_52, %eq3A_89 : vector<64x128xi32>
    %convert_element_type3A_91 = arith.extui %eq3A_90 : vector<64x128xi1> to vector<64x128xi32>
    %convert_element_type3A_92 = arith.sitofp %convert_element_type3A_91 : vector<64x128xi32> to vector<64x128xf32>
    %dot_general3A_93 = arith.constant dense<0.000000e+00> : vector<64x128xf32>
    %dot_general3A_94 = tpu.matmul %convert_element_type3A_87, %select_n3A, %dot_general3A_93 {dimension_numbers = #tpu.dot_dimension_numbers<[1], [0], [0], [1], [0, 0, 1, 1], [], []>, transpose_lhs_hint = false} : vector<64x256xf32>, vector<256x128xf32>, vector<64x128xf32> -> vector<64x128xf32>
    %mul3A_95 = arith.mulf %dot_general3A_94, %convert_element_type3A_92 : vector<64x128xf32>
    %add3A_96 = arith.addf %add3A_75, %mul3A_95 : vector<64x128xf32>
    %dot_general3A_97 = arith.constant dense<0.000000e+00> : vector<64x128xf32>
    %dot_general3A_98 = tpu.matmul %convert_element_type3A_87, %broadcast_in_dim3A_54, %dot_general3A_97 {dimension_numbers = #tpu.dot_dimension_numbers<[1], [0], [0], [1], [0, 0, 1, 1], [], []>, transpose_lhs_hint = false} : vector<64x256xf32>, vector<256x128xf32>, vector<64x128xf32> -> vector<64x128xf32>
    %mul3A_99 = arith.mulf %dot_general3A_98, %convert_element_type3A_92 : vector<64x128xf32>
    %add3A_100 = arith.addf %add3A_79, %mul3A_99 : vector<64x128xf32>
    %get3A_101 = arith.constant 2 : index
    %get3A_102 = arith.constant 0 : index
    %get3A_103 = vector.load %arg7[%get3A_101, %get3A_102] : memref<8x256xi32, #tpu.memory_space<vmem>>, vector<1x256xi32>
    %broadcast_in_dim3A_104 = vector.shape_cast %get3A_103 : vector<1x256xi32> to vector<1x256xi32>
    %broadcast_in_dim3A_105 = vector.broadcast %broadcast_in_dim3A_104 : vector<1x256xi32> to vector<64x256xi32>
    %eq3A_106 = arith.cmpi eq, %broadcast_in_dim3A_105, %iota3A : vector<64x256xi32>
    %convert_element_type3A_107 = arith.extui %eq3A_106 : vector<64x256xi1> to vector<64x256xi32>
    %convert_element_type3A_108 = arith.sitofp %convert_element_type3A_107 : vector<64x256xi32> to vector<64x256xf32>
    %eq3A_109 = arith.constant 2 : i32
    %eq3A_110 = vector.broadcast %eq3A_109 : i32 to vector<64x128xi32>
    %eq3A_111 = arith.cmpi eq, %select_n3A_52, %eq3A_110 : vector<64x128xi32>
    %convert_element_type3A_112 = arith.extui %eq3A_111 : vector<64x128xi1> to vector<64x128xi32>
    %convert_element_type3A_113 = arith.sitofp %convert_element_type3A_112 : vector<64x128xi32> to vector<64x128xf32>
    %dot_general3A_114 = arith.constant dense<0.000000e+00> : vector<64x128xf32>
    %dot_general3A_115 = tpu.matmul %convert_element_type3A_108, %select_n3A, %dot_general3A_114 {dimension_numbers = #tpu.dot_dimension_numbers<[1], [0], [0], [1], [0, 0, 1, 1], [], []>, transpose_lhs_hint = false} : vector<64x256xf32>, vector<256x128xf32>, vector<64x128xf32> -> vector<64x128xf32>
    %mul3A_116 = arith.mulf %dot_general3A_115, %convert_element_type3A_113 : vector<64x128xf32>
    %add3A_117 = arith.addf %add3A_96, %mul3A_116 : vector<64x128xf32>
    %dot_general3A_118 = arith.constant dense<0.000000e+00> : vector<64x128xf32>
    %dot_general3A_119 = tpu.matmul %convert_element_type3A_108, %broadcast_in_dim3A_54, %dot_general3A_118 {dimension_numbers = #tpu.dot_dimension_numbers<[1], [0], [0], [1], [0, 0, 1, 1], [], []>, transpose_lhs_hint = false} : vector<64x256xf32>, vector<256x128xf32>, vector<64x128xf32> -> vector<64x128xf32>
    %mul3A_120 = arith.mulf %dot_general3A_119, %convert_element_type3A_113 : vector<64x128xf32>
    %add3A_121 = arith.addf %add3A_100, %mul3A_120 : vector<64x128xf32>
    %get3A_122 = arith.constant 3 : index
    %get3A_123 = arith.constant 0 : index
    %get3A_124 = vector.load %arg7[%get3A_122, %get3A_123] : memref<8x256xi32, #tpu.memory_space<vmem>>, vector<1x256xi32>
    %broadcast_in_dim3A_125 = vector.shape_cast %get3A_124 : vector<1x256xi32> to vector<1x256xi32>
    %broadcast_in_dim3A_126 = vector.broadcast %broadcast_in_dim3A_125 : vector<1x256xi32> to vector<64x256xi32>
    %eq3A_127 = arith.cmpi eq, %broadcast_in_dim3A_126, %iota3A : vector<64x256xi32>
    %convert_element_type3A_128 = arith.extui %eq3A_127 : vector<64x256xi1> to vector<64x256xi32>
    %convert_element_type3A_129 = arith.sitofp %convert_element_type3A_128 : vector<64x256xi32> to vector<64x256xf32>
    %eq3A_130 = arith.constant 3 : i32
    %eq3A_131 = vector.broadcast %eq3A_130 : i32 to vector<64x128xi32>
    %eq3A_132 = arith.cmpi eq, %select_n3A_52, %eq3A_131 : vector<64x128xi32>
    %convert_element_type3A_133 = arith.extui %eq3A_132 : vector<64x128xi1> to vector<64x128xi32>
    %convert_element_type3A_134 = arith.sitofp %convert_element_type3A_133 : vector<64x128xi32> to vector<64x128xf32>
    %dot_general3A_135 = arith.constant dense<0.000000e+00> : vector<64x128xf32>
    %dot_general3A_136 = tpu.matmul %convert_element_type3A_129, %select_n3A, %dot_general3A_135 {dimension_numbers = #tpu.dot_dimension_numbers<[1], [0], [0], [1], [0, 0, 1, 1], [], []>, transpose_lhs_hint = false} : vector<64x256xf32>, vector<256x128xf32>, vector<64x128xf32> -> vector<64x128xf32>
    %mul3A_137 = arith.mulf %dot_general3A_136, %convert_element_type3A_134 : vector<64x128xf32>
    %add3A_138 = arith.addf %add3A_117, %mul3A_137 : vector<64x128xf32>
    %dot_general3A_139 = arith.constant dense<0.000000e+00> : vector<64x128xf32>
    %dot_general3A_140 = tpu.matmul %convert_element_type3A_129, %broadcast_in_dim3A_54, %dot_general3A_139 {dimension_numbers = #tpu.dot_dimension_numbers<[1], [0], [0], [1], [0, 0, 1, 1], [], []>, transpose_lhs_hint = false} : vector<64x256xf32>, vector<256x128xf32>, vector<64x128xf32> -> vector<64x128xf32>
    %mul3A_141 = arith.mulf %dot_general3A_140, %convert_element_type3A_134 : vector<64x128xf32>
    %add3A_142 = arith.addf %add3A_121, %mul3A_141 : vector<64x128xf32>
    %get3A_143 = arith.constant 4 : index
    %get3A_144 = arith.constant 0 : index
    %get3A_145 = vector.load %arg7[%get3A_143, %get3A_144] : memref<8x256xi32, #tpu.memory_space<vmem>>, vector<1x256xi32>
    %broadcast_in_dim3A_146 = vector.shape_cast %get3A_145 : vector<1x256xi32> to vector<1x256xi32>
    %broadcast_in_dim3A_147 = vector.broadcast %broadcast_in_dim3A_146 : vector<1x256xi32> to vector<64x256xi32>
    %eq3A_148 = arith.cmpi eq, %broadcast_in_dim3A_147, %iota3A : vector<64x256xi32>
    %convert_element_type3A_149 = arith.extui %eq3A_148 : vector<64x256xi1> to vector<64x256xi32>
    %convert_element_type3A_150 = arith.sitofp %convert_element_type3A_149 : vector<64x256xi32> to vector<64x256xf32>
    %eq3A_151 = arith.constant 4 : i32
    %eq3A_152 = vector.broadcast %eq3A_151 : i32 to vector<64x128xi32>
    %eq3A_153 = arith.cmpi eq, %select_n3A_52, %eq3A_152 : vector<64x128xi32>
    %convert_element_type3A_154 = arith.extui %eq3A_153 : vector<64x128xi1> to vector<64x128xi32>
    %convert_element_type3A_155 = arith.sitofp %convert_element_type3A_154 : vector<64x128xi32> to vector<64x128xf32>
    %dot_general3A_156 = arith.constant dense<0.000000e+00> : vector<64x128xf32>
    %dot_general3A_157 = tpu.matmul %convert_element_type3A_150, %select_n3A, %dot_general3A_156 {dimension_numbers = #tpu.dot_dimension_numbers<[1], [0], [0], [1], [0, 0, 1, 1], [], []>, transpose_lhs_hint = false} : vector<64x256xf32>, vector<256x128xf32>, vector<64x128xf32> -> vector<64x128xf32>
    %mul3A_158 = arith.mulf %dot_general3A_157, %convert_element_type3A_155 : vector<64x128xf32>
    %add3A_159 = arith.addf %add3A_138, %mul3A_158 : vector<64x128xf32>
    %dot_general3A_160 = arith.constant dense<0.000000e+00> : vector<64x128xf32>
    %dot_general3A_161 = tpu.matmul %convert_element_type3A_150, %broadcast_in_dim3A_54, %dot_general3A_160 {dimension_numbers = #tpu.dot_dimension_numbers<[1], [0], [0], [1], [0, 0, 1, 1], [], []>, transpose_lhs_hint = false} : vector<64x256xf32>, vector<256x128xf32>, vector<64x128xf32> -> vector<64x128xf32>
    %mul3A_162 = arith.mulf %dot_general3A_161, %convert_element_type3A_155 : vector<64x128xf32>
    %add3A_163 = arith.addf %add3A_142, %mul3A_162 : vector<64x128xf32>
    %get3A_164 = arith.constant 5 : index
    %get3A_165 = arith.constant 0 : index
    %get3A_166 = vector.load %arg7[%get3A_164, %get3A_165] : memref<8x256xi32, #tpu.memory_space<vmem>>, vector<1x256xi32>
    %broadcast_in_dim3A_167 = vector.shape_cast %get3A_166 : vector<1x256xi32> to vector<1x256xi32>
    %broadcast_in_dim3A_168 = vector.broadcast %broadcast_in_dim3A_167 : vector<1x256xi32> to vector<64x256xi32>
    %eq3A_169 = arith.cmpi eq, %broadcast_in_dim3A_168, %iota3A : vector<64x256xi32>
    %convert_element_type3A_170 = arith.extui %eq3A_169 : vector<64x256xi1> to vector<64x256xi32>
    %convert_element_type3A_171 = arith.sitofp %convert_element_type3A_170 : vector<64x256xi32> to vector<64x256xf32>
    %eq3A_172 = arith.constant 5 : i32
    %eq3A_173 = vector.broadcast %eq3A_172 : i32 to vector<64x128xi32>
    %eq3A_174 = arith.cmpi eq, %select_n3A_52, %eq3A_173 : vector<64x128xi32>
    %convert_element_type3A_175 = arith.extui %eq3A_174 : vector<64x128xi1> to vector<64x128xi32>
    %convert_element_type3A_176 = arith.sitofp %convert_element_type3A_175 : vector<64x128xi32> to vector<64x128xf32>
    %dot_general3A_177 = arith.constant dense<0.000000e+00> : vector<64x128xf32>
    %dot_general3A_178 = tpu.matmul %convert_element_type3A_171, %select_n3A, %dot_general3A_177 {dimension_numbers = #tpu.dot_dimension_numbers<[1], [0], [0], [1], [0, 0, 1, 1], [], []>, transpose_lhs_hint = false} : vector<64x256xf32>, vector<256x128xf32>, vector<64x128xf32> -> vector<64x128xf32>
    %mul3A_179 = arith.mulf %dot_general3A_178, %convert_element_type3A_176 : vector<64x128xf32>
    %add3A_180 = arith.addf %add3A_159, %mul3A_179 : vector<64x128xf32>
    %dot_general3A_181 = arith.constant dense<0.000000e+00> : vector<64x128xf32>
    %dot_general3A_182 = tpu.matmul %convert_element_type3A_171, %broadcast_in_dim3A_54, %dot_general3A_181 {dimension_numbers = #tpu.dot_dimension_numbers<[1], [0], [0], [1], [0, 0, 1, 1], [], []>, transpose_lhs_hint = false} : vector<64x256xf32>, vector<256x128xf32>, vector<64x128xf32> -> vector<64x128xf32>
    %mul3A_183 = arith.mulf %dot_general3A_182, %convert_element_type3A_176 : vector<64x128xf32>
    %add3A_184 = arith.addf %add3A_163, %mul3A_183 : vector<64x128xf32>
    %get3A_185 = arith.constant 6 : index
    %get3A_186 = arith.constant 0 : index
    %get3A_187 = vector.load %arg7[%get3A_185, %get3A_186] : memref<8x256xi32, #tpu.memory_space<vmem>>, vector<1x256xi32>
    %broadcast_in_dim3A_188 = vector.shape_cast %get3A_187 : vector<1x256xi32> to vector<1x256xi32>
    %broadcast_in_dim3A_189 = vector.broadcast %broadcast_in_dim3A_188 : vector<1x256xi32> to vector<64x256xi32>
    %eq3A_190 = arith.cmpi eq, %broadcast_in_dim3A_189, %iota3A : vector<64x256xi32>
    %convert_element_type3A_191 = arith.extui %eq3A_190 : vector<64x256xi1> to vector<64x256xi32>
    %convert_element_type3A_192 = arith.sitofp %convert_element_type3A_191 : vector<64x256xi32> to vector<64x256xf32>
    %eq3A_193 = arith.constant 6 : i32
    %eq3A_194 = vector.broadcast %eq3A_193 : i32 to vector<64x128xi32>
    %eq3A_195 = arith.cmpi eq, %select_n3A_52, %eq3A_194 : vector<64x128xi32>
    %convert_element_type3A_196 = arith.extui %eq3A_195 : vector<64x128xi1> to vector<64x128xi32>
    %convert_element_type3A_197 = arith.sitofp %convert_element_type3A_196 : vector<64x128xi32> to vector<64x128xf32>
    %dot_general3A_198 = arith.constant dense<0.000000e+00> : vector<64x128xf32>
    %dot_general3A_199 = tpu.matmul %convert_element_type3A_192, %select_n3A, %dot_general3A_198 {dimension_numbers = #tpu.dot_dimension_numbers<[1], [0], [0], [1], [0, 0, 1, 1], [], []>, transpose_lhs_hint = false} : vector<64x256xf32>, vector<256x128xf32>, vector<64x128xf32> -> vector<64x128xf32>
    %mul3A_200 = arith.mulf %dot_general3A_199, %convert_element_type3A_197 : vector<64x128xf32>
    %add3A_201 = arith.addf %add3A_180, %mul3A_200 : vector<64x128xf32>
    %dot_general3A_202 = arith.constant dense<0.000000e+00> : vector<64x128xf32>
    %dot_general3A_203 = tpu.matmul %convert_element_type3A_192, %broadcast_in_dim3A_54, %dot_general3A_202 {dimension_numbers = #tpu.dot_dimension_numbers<[1], [0], [0], [1], [0, 0, 1, 1], [], []>, transpose_lhs_hint = false} : vector<64x256xf32>, vector<256x128xf32>, vector<64x128xf32> -> vector<64x128xf32>
    %mul3A_204 = arith.mulf %dot_general3A_203, %convert_element_type3A_197 : vector<64x128xf32>
    %add3A_205 = arith.addf %add3A_184, %mul3A_204 : vector<64x128xf32>
    %get3A_206 = arith.constant 7 : index
    %get3A_207 = arith.constant 0 : index
    %get3A_208 = vector.load %arg7[%get3A_206, %get3A_207] : memref<8x256xi32, #tpu.memory_space<vmem>>, vector<1x256xi32>
    %broadcast_in_dim3A_209 = vector.shape_cast %get3A_208 : vector<1x256xi32> to vector<1x256xi32>
    %broadcast_in_dim3A_210 = vector.broadcast %broadcast_in_dim3A_209 : vector<1x256xi32> to vector<64x256xi32>
    %eq3A_211 = arith.cmpi eq, %broadcast_in_dim3A_210, %iota3A : vector<64x256xi32>
    %convert_element_type3A_212 = arith.extui %eq3A_211 : vector<64x256xi1> to vector<64x256xi32>
    %convert_element_type3A_213 = arith.sitofp %convert_element_type3A_212 : vector<64x256xi32> to vector<64x256xf32>
    %eq3A_214 = arith.constant 7 : i32
    %eq3A_215 = vector.broadcast %eq3A_214 : i32 to vector<64x128xi32>
    %eq3A_216 = arith.cmpi eq, %select_n3A_52, %eq3A_215 : vector<64x128xi32>
    %convert_element_type3A_217 = arith.extui %eq3A_216 : vector<64x128xi1> to vector<64x128xi32>
    %convert_element_type3A_218 = arith.sitofp %convert_element_type3A_217 : vector<64x128xi32> to vector<64x128xf32>
    %dot_general3A_219 = arith.constant dense<0.000000e+00> : vector<64x128xf32>
    %dot_general3A_220 = tpu.matmul %convert_element_type3A_213, %select_n3A, %dot_general3A_219 {dimension_numbers = #tpu.dot_dimension_numbers<[1], [0], [0], [1], [0, 0, 1, 1], [], []>, transpose_lhs_hint = false} : vector<64x256xf32>, vector<256x128xf32>, vector<64x128xf32> -> vector<64x128xf32>
    %mul3A_221 = arith.mulf %dot_general3A_220, %convert_element_type3A_218 : vector<64x128xf32>
    %add3A_222 = arith.addf %add3A_201, %mul3A_221 : vector<64x128xf32>
    %dot_general3A_223 = arith.constant dense<0.000000e+00> : vector<64x128xf32>
    %dot_general3A_224 = tpu.matmul %convert_element_type3A_213, %broadcast_in_dim3A_54, %dot_general3A_223 {dimension_numbers = #tpu.dot_dimension_numbers<[1], [0], [0], [1], [0, 0, 1, 1], [], []>, transpose_lhs_hint = false} : vector<64x256xf32>, vector<256x128xf32>, vector<64x128xf32> -> vector<64x128xf32>
    %mul3A_225 = arith.mulf %dot_general3A_224, %convert_element_type3A_218 : vector<64x128xf32>
    %add3A_226 = arith.addf %add3A_205, %mul3A_225 : vector<64x128xf32>
    %get3A_227 = arith.constant 0 : index
    %get3A_228 = arith.constant 0 : index
    %get3A_229 = vector.load %arg8[%get3A_227, %get3A_228] : memref<128x16xf32, #tpu.memory_space<vmem>>, vector<128x16xf32>
    %get3A_230 = arith.constant 0 : index
    %get3A_231 = arith.constant 0 : index
    %get3A_232 = vector.load %arg14[%get3A_230, %get3A_231] : memref<64x16xf32, #tpu.memory_space<vmem>>, vector<64x16xf32>
    %dot_general3A_233 = arith.constant dense<0.000000e+00> : vector<64x16xf32>
    %dot_general3A_234 = tpu.matmul %add3A_222, %get3A_229, %dot_general3A_233 {dimension_numbers = #tpu.dot_dimension_numbers<[1], [0], [0], [1], [0, 0, 1, 1], [], []>, transpose_lhs_hint = false} : vector<64x128xf32>, vector<128x16xf32>, vector<64x16xf32> -> vector<64x16xf32>
    %add3A_235 = arith.addf %get3A_232, %dot_general3A_234 : vector<64x16xf32>
    %swap3A = arith.constant 0 : index
    %swap3A_236 = arith.constant 0 : index
    %swap3A_237 = vector.load %arg14[%swap3A, %swap3A_236] : memref<64x16xf32, #tpu.memory_space<vmem>>, vector<64x16xf32>
    tpu.vector_store %arg14[%swap3A, %swap3A_236], %add3A_235 {strides = array<i32>} : memref<64x16xf32, #tpu.memory_space<vmem>>, vector<64x16xf32>,
    %get3A_238 = arith.constant 0 : index
    %get3A_239 = arith.constant 0 : index
    %get3A_240 = vector.load %arg15[%get3A_238, %get3A_239] : memref<64x16xf32, #tpu.memory_space<vmem>>, vector<64x16xf32>
    %dot_general3A_241 = arith.constant dense<0.000000e+00> : vector<64x16xf32>
    %dot_general3A_242 = tpu.matmul %add3A_226, %get3A_229, %dot_general3A_241 {dimension_numbers = #tpu.dot_dimension_numbers<[1], [0], [0], [1], [0, 0, 1, 1], [], []>, transpose_lhs_hint = false} : vector<64x128xf32>, vector<128x16xf32>, vector<64x16xf32> -> vector<64x16xf32>
    %add3A_243 = arith.addf %get3A_240, %dot_general3A_242 : vector<64x16xf32>
    %swap3A_244 = arith.constant 0 : index
    %swap3A_245 = arith.constant 0 : index
    %swap3A_246 = vector.load %arg15[%swap3A_244, %swap3A_245] : memref<64x16xf32, #tpu.memory_space<vmem>>, vector<64x16xf32>
    tpu.vector_store %arg15[%swap3A_244, %swap3A_245], %add3A_243 {strides = array<i32>} : memref<64x16xf32, #tpu.memory_space<vmem>>, vector<64x16xf32>,
    %eq3A_247 = arith.constant 48 : i32
    %eq3A_248 = arith.cmpi eq, %arg0, %eq3A_247 : i32
    %convert_element_type3A_249 = arith.extui %eq3A_248 : i1 to i32
    %cond3A_250 = arith.constant 0 : i32
    %cond3A_251 = arith.cmpi ne, %convert_element_type3A_249, %cond3A_250 : i32
    scf.if %cond3A_251 {
      %get3A_252 = arith.constant 0 : index
      %get3A_253 = arith.constant 0 : index
      %get3A_254 = vector.load %arg14[%get3A_252, %get3A_253] : memref<64x16xf32, #tpu.memory_space<vmem>>, vector<64x16xf32>
      %get3A_255 = arith.constant 0 : index
      %get3A_256 = arith.constant 0 : index
      %get3A_257 = vector.load %arg15[%get3A_255, %get3A_256] : memref<64x16xf32, #tpu.memory_space<vmem>>, vector<64x16xf32>
      %max3A_258 = arith.constant 1.000000e+00 : f32
      %max3A_259 = vector.broadcast %max3A_258 : f32 to vector<64x16xf32>
      %max3A_260 = arith.maximumf %get3A_257, %max3A_259 : vector<64x16xf32>
      %div3A_261 = arith.divf %get3A_254, %max3A_260 : vector<64x16xf32>
      %get3A_262 = arith.constant 0 : index
      %get3A_263 = arith.constant 0 : index
      %get3A_264 = vector.load %arg9[%get3A_262, %get3A_263] : memref<16x16xf32, #tpu.memory_space<vmem>>, vector<16x16xf32>
      %dot_general3A_265 = arith.constant dense<0.000000e+00> : vector<64x16xf32>
      %dot_general3A_266 = tpu.matmul %div3A_261, %get3A_264, %dot_general3A_265 {dimension_numbers = #tpu.dot_dimension_numbers<[1], [0], [0], [1], [0, 0, 1, 1], [], []>, transpose_lhs_hint = false} : vector<64x16xf32>, vector<16x16xf32>, vector<64x16xf32> -> vector<64x16xf32>
      %get3A_267 = arith.constant 0 : index
      %get3A_268 = arith.constant 0 : index
      %get3A_269 = vector.load %arg10[%get3A_267, %get3A_268] : memref<1x16xf32, #tpu.memory_space<vmem>>, vector<1x16xf32>
      %add3A_270 = vector.broadcast %get3A_269 : vector<1x16xf32> to vector<64x16xf32>
      %add3A_271 = arith.addf %dot_general3A_266, %add3A_270 : vector<64x16xf32>
      %max3A_272 = arith.constant 0.000000e+00 : f32
      %max3A_273 = vector.broadcast %max3A_272 : f32 to vector<64x16xf32>
      %max3A_274 = arith.maximumf %add3A_271, %max3A_273 : vector<64x16xf32>
      %get3A_275 = arith.constant 0 : index
      %get3A_276 = arith.constant 0 : index
      %get3A_277 = vector.load %arg11[%get3A_275, %get3A_276] : memref<16x1xf32, #tpu.memory_space<vmem>>, vector<16x1xf32>
      %dot_general3A_278 = arith.constant dense<0.000000e+00> : vector<64x1xf32>
      %dot_general3A_279 = tpu.matmul %max3A_274, %get3A_277, %dot_general3A_278 {dimension_numbers = #tpu.dot_dimension_numbers<[1], [0], [0], [1], [0, 0, 1, 1], [], []>, transpose_lhs_hint = false} : vector<64x16xf32>, vector<16x1xf32>, vector<64x1xf32> -> vector<64x1xf32>
      %get3A_280 = arith.constant 0 : index
      %get3A_281 = arith.constant 0 : index
      %get3A_282 = vector.load %arg12[%get3A_280, %get3A_281] : memref<1x1xf32, #tpu.memory_space<vmem>>, vector<1x1xf32>
      %add3A_283 = vector.broadcast %get3A_282 : vector<1x1xf32> to vector<64x1xf32>
      %add3A_284 = arith.addf %dot_general3A_279, %add3A_283 : vector<64x1xf32>
      %swap3A_285 = arith.constant 0 : index
      %swap3A_286 = arith.constant 0 : index
      %swap3A_287 = vector.load %arg13[%swap3A_285, %swap3A_286] : memref<64x1xf32, #tpu.memory_space<vmem>>, vector<64x1xf32>
      tpu.vector_store %arg13[%swap3A_285, %swap3A_286], %add3A_284 {strides = array<i32>} : memref<64x1xf32, #tpu.memory_space<vmem>>, vector<64x1xf32>,
    } else {
    }
    return
  }
  func.func @transform_0(%arg0: i32) -> (i32, i32) {
    %c0_i32 = arith.constant 0 : i32
    %c0_i32_0 = arith.constant 0 : i32
    return %arg0, %c0_i32 : i32, i32
  }
  func.func @transform_1(%arg0: i32) -> (i32, i32) {
    %c0_i32 = arith.constant 0 : i32
    %c0_i32_0 = arith.constant 0 : i32
    return %arg0, %c0_i32 : i32, i32
  }
  func.func @transform_2(%arg0: i32) -> (i32, i32) {
    %c0_i32 = arith.constant 0 : i32
    %c0_i32_0 = arith.constant 0 : i32
    return %arg0, %c0_i32 : i32, i32
  }
  func.func @transform_3(%arg0: i32) -> (i32, i32) {
    %c0_i32 = arith.constant 0 : i32
    %c0_i32_0 = arith.constant 0 : i32
    return %arg0, %c0_i32 : i32, i32
  }
  func.func @transform_4(%arg0: i32) -> (i32, i32) {
    %c0_i32 = arith.constant 0 : i32
    %c0_i32_0 = arith.constant 0 : i32
    %c0_i32_1 = arith.constant 0 : i32
    return %c0_i32, %c0_i32_0 : i32, i32
  }
  func.func @transform_5(%arg0: i32) -> (i32, i32) {
    %c0_i32 = arith.constant 0 : i32
    %c0_i32_0 = arith.constant 0 : i32
    %c0_i32_1 = arith.constant 0 : i32
    return %c0_i32, %c0_i32_0 : i32, i32
  }
  func.func @transform_6(%arg0: i32) -> (i32, i32) {
    %c0_i32 = arith.constant 0 : i32
    %c0_i32_0 = arith.constant 0 : i32
    return %c0_i32, %arg0 : i32, i32
  }
  func.func @transform_7(%arg0: i32) -> (i32, i32) {
    %c0_i32 = arith.constant 0 : i32
    %c0_i32_0 = arith.constant 0 : i32
    %c0_i32_1 = arith.constant 0 : i32
    return %c0_i32, %c0_i32_0 : i32, i32
  }
  func.func @transform_8(%arg0: i32) -> (i32, i32) {
    %c0_i32 = arith.constant 0 : i32
    %c0_i32_0 = arith.constant 0 : i32
    %c0_i32_1 = arith.constant 0 : i32
    return %c0_i32, %c0_i32_0 : i32, i32
  }
  func.func @transform_9(%arg0: i32) -> (i32, i32) {
    %c0_i32 = arith.constant 0 : i32
    %c0_i32_0 = arith.constant 0 : i32
    %c0_i32_1 = arith.constant 0 : i32
    return %c0_i32, %c0_i32_0 : i32, i32
  }
  func.func @transform_10(%arg0: i32) -> (i32, i32) {
    %c0_i32 = arith.constant 0 : i32
    %c0_i32_0 = arith.constant 0 : i32
    %c0_i32_1 = arith.constant 0 : i32
    return %c0_i32, %c0_i32_0 : i32, i32
  }
  func.func @transform_11(%arg0: i32) -> (i32, i32) {
    %c0_i32 = arith.constant 0 : i32
    %c0_i32_0 = arith.constant 0 : i32
    %c0_i32_1 = arith.constant 0 : i32
    return %c0_i32, %c0_i32_0 : i32, i32
  }
  func.func @transform_12(%arg0: i32) -> (i32, i32) {
    %c0_i32 = arith.constant 0 : i32
    %c0_i32_0 = arith.constant 0 : i32
    %c0_i32_1 = arith.constant 0 : i32
    return %c0_i32, %c0_i32_0 : i32, i32
  }
}

</mosaic_0001>

<sc_bundles>
// kernel: kernel.11.cloned.1.call-start
scs
__scs_entry_jumppad:
0x0: {  	(pc) =	sbr.rel $0x88, $3  }
0x1: {  	(tag) =	ssettag $0x0;
	lr =	simm.s32 $0x1  }
0x2: {  	[smem:$0x3F96] =	sst lr;
	_ =	strace $0xD0000000  }
0x3: {  	_ = 	snop  }
0x4: {  	_ = 	snop  }
0x5: {  	_ = 	snop  }
0x6: {  	_ = 	snop  }
0x7: {  	_ = 	snop  }
__scs_overlays_trampoline_lowered:
0x8: {  	[smem:$0x3FA5] =	sst s0  }
0x9: {  	[smem:$0x3FA6] =	sst s1  }
0xa: {  	[smem:$0x3FA7] =	sst s2  }
0xb: {  	[smem:$0x3FA8] =	sst s3  }
0xc: {  	[smem:$0x3FA9] =	sst s4  }
0xd: {  	[smem:$0x3FAA] =	sst s5  }
0xe: {  	[smem:$0x3FAB] =	sst s6  }
0xf: {  	[smem:$0x3FAC] =	sst s7  }
0x10: {  	[smem:$0x3FAD] =	sst s8  }
0x11: {  	[smem:$0x3FAE] =	sst s9;
	s0 =	simm.s32 @!p0 $0x0  }
0x12: {  	s1 =	sld [smem:$0x3F94];
	s0 =	simm.s32 @p0 $0x1  }
0x13: {  	[smem:$0x3FAF] =	sst s0;
	s0 =	simm.s32 @!p1 $0x0  }
0x14: {  	s2 =	sld [smem:$0x3F93];
	s0 =	simm.s32 @p1 $0x1  }
0x15: {  	[smem:$0x3FB0] =	sst s0;
	s0 =	simm.s32 @!p2 $0x0  }
0x16: {  	s3 =	sld [smem:$0x3FDB];
	s0 =	simm.s32 @p2 $0x1  }
0x17: {  	s4 =	simm.s32 $0x1BF5;
	[smem:$0x3FB2] =	sst s0  }
0x18: {  	s0 =	sld [smem:$0x3F95];
	_ =	swait.ge [sflag:s4], $0x0  }
0x19: {  	s7 =	sld [smem:$0x3F96]  }
0x1a: {  	s8 =	sadd.s32 $0xFFFFE003, lr  }
0x1b: {  	s9 =	sadd.s32 $0xFFFFFEF7, lr;
	s5 =	simm.s32 $0xFFFFFFFF;
	p2 =	slt.u32 s8, $0xFFFFF086  }
0x1c: {  	p1 =	slt.u32 s9, $0xF7A;
	s5 =	simm.s32 @!p2 $0x0  }
0x1d: {  	s5 =	simm.s32 @p1 $0x1;
	p0 =	seq.s32 s7, s2  }
0x1e: {  	s7 =	smul.u32 @!p0 $0xF7A, s2;
	p2 =	seq.s32 @!p0 s5, $0x0  }
0x1f: {  	s9 =	smul.u32 $0xF7A, s1;
	s8 =	simm.s32 @!p0 $0x1BF5;
	p2 =	por !p2, p0  }
0x20: {  	[sflag:s8] =	ssyncset.s32 @!p0 $0xFFFFF086;
	s6 =	sadd.s32 @!p0 s3, s7;
	s7 =	simm.s32 @!p0 $0x108  }
0x21: {  	s3 =	sadd.s32 s3, s9;
	s6 =	sadd.s32 @!p0 $0x88, s6;
	s7 =	simm.s32 @p2 $0x1082  }
0x22: {  	[simem:s7], [sflag:s8] =	dma.local @!p0 [hbm:s6], $0xF7A  }
0x23: {  	s9 =	sor.u32 $0xD0000000, s2;
	s6 =	simm.s32 $0x108;
	_ =	swait.ge @!p0 [sflag:s8], $0x0  }
0x24: {  	s3 =	sadd.s32 $0x88, s3;
	s6 =	simm.s32 @!p1 $0x1082;
	[sflag:s4] =	ssyncset.s32 $0xFFFFF086  }
0x25: {  	[simem:s6], [sflag:s4] =	dma.local [hbm:s3], $0xF7A  }
0x26: {  	[smem:$0x3F96] =	sst s1;
	(tag) =	ssettag s2;
	_ =	strace s9  }
0x27: {  	s1 =	sld [smem:$0x3FA6]  }
0x28: {  	s2 =	sld [smem:$0x3FA7]  }
0x29: {  	s4 =	sld [smem:$0x3FA9]  }
0x2a: {  	p0 =	seq.s32 s5, $0x0;
	s5 =	sld [smem:$0x3FAA]  }
0x2b: {  	s6 =	sld [smem:$0x3FAB]  }
0x2c: {  	s7 =	sld [smem:$0x3FAC]  }
0x2d: {  	s3 =	simm.s32 $0x108;
	s8 =	sld [smem:$0x3FAD]  }
0x2e: {  	s3 =	simm.s32 @!p0 $0x1082;
	s9 =	sld [smem:$0x3FAE]  }
0x2f: {  	lr =	sadd.s32 s0, s3;
	s0 =	sld [smem:$0x3FA5]  }
0x30: {  	s3 =	sld [smem:$0x3FA8]  }
0x31: {  	[smem:$0x3FB1] =	sst s10  }
0x32: {  	s10 =	sld [smem:$0x3FAF];
	_ =	sdelay $0x3  }
0x33: {  	p0 =	seq.s32 s10, $0x1;
	s10 =	sld [smem:$0x3FB1];
	_ =	sdelay $0x3  }
0x34: {  	[smem:$0x3FB1] =	sst s10  }
0x35: {  	s10 =	sld [smem:$0x3FB0];
	_ =	sdelay $0x3  }
0x36: {  	p1 =	seq.s32 s10, $0x1;
	s10 =	sld [smem:$0x3FB1];
	_ =	sdelay $0x3  }
0x37: {  	[smem:$0x3FB1] =	sst s10  }
0x38: {  	s10 =	sld [smem:$0x3FB2]  }
0x39: {  	_ = 	snop;
	(pc) =	sbr.ind lr, $3  }
0x3a: {  	_ = 	snop  }
0x3b: {  	_ = 	snop  }
0x3c: {  	p2 =	seq.s32 s10, $0x1;
	s10 =	sld [smem:$0x3FB1]  }
0x3d: {  	_ =	shalt  }
0x3e: {  	_ =	shalt  }
0x3f: {  	_ =	shalt  }
0x40: {  	_ =	shalt  }
0x41: {  	_ =	shalt  }
0x42: {  	_ =	shalt  }
0x43: {  	_ =	shalt  }
0x44: {  	_ =	shalt  }
0x45: {  	_ =	shalt  }
0x46: {  	_ =	shalt  }
0x47: {  	_ =	shalt  }
0x48: {  	_ =	shalt  }
0x49: {  	_ =	shalt  }
0x4a: {  	_ =	shalt  }
0x4b: {  	_ =	shalt  }
0x4c: {  	_ =	shalt  }
0x4d: {  	_ =	shalt  }
0x4e: {  	_ =	shalt  }
0x4f: {  	_ =	shalt  }
0x50: {  	_ =	shalt  }
0x51: {  	_ =	shalt  }
0x52: {  	_ =	shalt  }
0x53: {  	_ =	shalt  }
0x54: {  	_ =	shalt  }
0x55: {  	_ =	shalt  }
0x56: {  	_ =	shalt  }
0x57: {  	_ =	shalt  }
0x58: {  	_ =	shalt  }
0x59: {  	_ =	shalt  }
0x5a: {  	_ =	shalt  }
0x5b: {  	_ =	shalt  }
0x5c: {  	_ =	shalt  }
0x5d: {  	_ =	shalt  }
0x5e: {  	_ =	shalt  }
0x5f: {  	_ =	shalt  }
0x60: {  	_ =	shalt  }
0x61: {  	_ =	shalt  }
0x62: {  	_ =	shalt  }
0x63: {  	_ =	shalt  }
0x64: {  	_ =	shalt  }
0x65: {  	_ =	shalt  }
0x66: {  	_ =	shalt  }
0x67: {  	_ =	shalt  }
0x68: {  	_ =	shalt  }
0x69: {  	_ =	shalt  }
0x6a: {  	_ =	shalt  }
0x6b: {  	_ =	shalt  }
0x6c: {  	_ =	shalt  }
0x6d: {  	_ =	shalt  }
0x6e: {  	_ =	shalt  }
0x6f: {  	_ =	shalt  }
0x70: {  	_ =	shalt  }
0x71: {  	_ =	shalt  }
0x72: {  	_ =	shalt  }
0x73: {  	_ =	shalt  }
0x74: {  	_ =	shalt  }
0x75: {  	_ =	shalt  }
0x76: {  	_ =	shalt  }
0x77: {  	_ =	shalt  }
0x78: {  	_ =	shalt  }
0x79: {  	_ =	shalt  }
0x7a: {  	_ =	shalt  }
0x7b: {  	_ =	shalt  }
0x7c: {  	_ =	shalt  }
0x7d: {  	_ =	shalt  }
0x7e: {  	_ =	shalt  }
0x7f: {  	_ =	shalt  }
0x80: {  	_ =	shalt  }
0x81: {  	_ =	shalt  }
0x82: {  	_ =	shalt  }
0x83: {  	_ =	shalt  }
0x84: {  	_ =	shalt  }
0x85: {  	_ =	shalt  }
0x86: {  	_ =	shalt  }
0x87: {  	_ =	shalt  }
.Lfunc_end0:
.L_simem_size_0:
called_computation.1_lowered:
.L_overlay_start_0:
0x88: {  	s2 =	sld [smem:$0x3FD9]  }
0x89: {  	s3 =	sld [smem:$0x3FFE];
	_ =	sdelay $0x1  }
0x8a: {  	s1 =	srdreg.scid  }
0x8b: {  	s0 =	sand.u32 $0x1, s1  }
0x8c: {  	s16 =	sshll.u32 s0, $0xA;
	s2 =	sadd.s32 s3, s2  }
0x8d: {  	s2 =	sadd.s32 s2, s16  }
0x8e: {  	[smem:$0x3FBD] =	sst s2  }
0x8f: {  	_ = 	snop  }
0x90: {  	(tm) =	ssettm $0x1  }
0x91: {  	s17 =	sld [smem:$0x3FFB];
	_ =	sdelay $0x3  }
0x92: {  	_ =	strace s17  }
0x93: {  	s2 =	sld [smem:$0x3FFC];
	_ =	sdelay $0x3  }
0x94: {  	_ =	strace s2  }
0x95: {  	s2 =	sld [smem:$0x3FFD];
	_ =	sdelay $0x3  }
0x96: {  	_ =	strace s2  }
0x97: {  	_ =	strace $0x8FFFFFFF  }
0x98: {  	s18 =	sld [smem:$0x3FDB];
	_ =	sdelay $0x1  }
0x99: {  	s19 =	simm.s32 $_scs_section_size  }
0x9a: {  	s4 =	simm.s32 $_size__tile_overlayer_lowered;
	s5 =	simm.s32 $_tile_overlayer_lowered  }
0x9b: {  	s22 =	simm.s32 $0x1BFF;
	s21 =	sshll.u32 s5, $0x1;
	s2 =	sadd.s32 s19, s18  }
0x9c: {  	s6 =	simm.s32 $0x0;
	s20 =	sshll.u32 s4, $0x1;
	s4 =	sadd.s32 s21, s2  }
0x9d: {  	[timem:s6], [sflag:s22] =	dma.local [hbm:s4], s20  }
0x9e: {  	_ =	swait.ge [sflag:s22], s20  }
0x9f: {  	s3 =	ssub.s32 $0x0, s20;
	[sflag:s22] =	ssyncset.done $0x0  }
0xa0: {  	[sflag:s22] =	ssyncadd.s32 s3;
	_ =	sdelay $0x1  }
0xa1: {  	s23 =	simm.s32 $0x1B8B  }
0xa2: {  	_ =	swait.ge [sflag:s23], $0x1  }
0xa3: {  	[sflag:s23] =	ssyncset.done $0x0  }
0xa4: {  	s25 =	simm.s32 $0x1B8E;
	s24 =	sld [smem:$0x3FFE];
	[sflag:s23] =	ssyncadd.s32 $0xFFFFFFFF  }
0xa5: {  	s26 =	simm.s32 $execute0_lowered;
	[smem:$0x3FD2] =	sst s25  }
0xa6: {  	s4 =	sshll.u32 s26, $0x1;
	_ =	strace $0x80000049;
	[dreg:$0x1] =	wrdreg $0xFFFFFFFF  }
0xa7: {  	s28 =	simm.s32 $_size_execute0_lowered;
	s2 =	sadd.s32 s2, s4;
	[dreg:$0x0] =	wrdreg $0x0  }
0xa8: {  	s4 =	sshll.u32 s28, $0x1;
	[dreg:$0x2] =	wrdreg s2  }
0xa9: {  	[dreg:$0x3] =	wrdreg s4  }
0xaa: {  	[dreg:$0x4] =	wrdreg $0xC0  }
0xab: {  	_ =	task [dreg:s6], $0x5FFFF  }
0xac: {  	[dreg:$0x1] =	wrdreg $0xFFFFFFFF  }
0xad: {  	[dreg:$0x0] =	wrdreg $0x60  }
0xae: {  	[dreg:$0x2] =	wrdreg s24  }
0xaf: {  	[dreg:$0x3] =	wrdreg $0x50000  }
0xb0: {  	[dreg:$0x4] =	wrdreg $0x9  }
0xb1: {  	_ =	task.clear_ibuf [dreg:s6], $0x5FFFF;
	_ =	strace $0x90000049  }
0xb2: {  	s29 =	simm.s32 $0x9;
	_ =	strace $0x8000004B  }
0xb3: {  	_ =	swait.ge [sflag:s29], $0x1  }
0xb4: {  	[sflag:s29] =	ssyncadd.s32 $0xFFFFFFFF  }
0xb5: {  	_ =	strace $0x9000004B  }
0xb6: {  	_ =	sfence  }
0xb7: {  	s30 =	sld [smem:$0x0];
	_ =	sdelay $0x2  }
0xb8: {  	s31 =	sshll.u32 s1, $0xD;
	s1 =	sshrl.u32 s1, $0x2  }
0xb9: {  	s3 =	sand.u32 $0x4000, s31;
	s1 =	sadd.s32 s1, s30  }
0xba: {  	s0 =	sor.u32 s3, s0;
	s1 =	sshll.u32 s1, $0x11  }
0xbb: {  	s0 =	sor.u32 s1, s0  }
0xbc: {  	s0 =	sadd.s32 $0x8F2B, s0  }
0xbd: {  	[sflag:s0] =	ssyncadd.remote.s32 $0x1  }
0xbe: {  	_ =	sfence.sel $0xFFFF  }
0xbf: {  	[dreg:$0x0] =	wrdreg $0xFFFFFFFF;
	(pc) =	sbr.abs _section_cstart, $3  }
0xc0: {  	[dreg:$0x1] =	wrdreg $0xFFFFFFFF  }
0xc1: {  	_ =	task.clear_ibuf [dreg:s6], $0x2FFFF;
	_ =	strace $0x9FFFFFFF  }
0xc2: {  	(tm) =	ssettm $0x7FFFFFFF  }
0xc3: {  	_ =	shalt  }
tec
execute0_lowered:
.L_overlay_start_1:
0x0: {  	(tag) =	ssettag $0x1  }
0x1: {  	s0 =	rddreg [dreg:$0x0]  }
0x2: {  	s1 =	rddreg [dreg:$0x1];
	s2 =	simm.s32 $0x0  }
0x3: {  	s4 =	srdreg.scid;
	s5 =	stileid.u32;
	s12 =	simm.s32 $0x400  }
0x4: {  	s13 =	simm.s32 $0x100;
	s14 =	simm.s32 $0x1000;
	s15 =	simm.s32 $0x2000  }
0x5: {  	s16 =	simm.s32 $0x200;
	s17 =	simm.s32 $0x3000;
	s18 =	simm.s32 $0x300  }
0x6: {  	s19 =	simm.s32 $0x4000;
	s20 =	simm.s32 $0x1;
	s21 =	simm.s32 $0x500  }
0x7: {  	s22 =	simm.s32 $0x800;
	s23 =	simm.s32 $0xC00;
	s24 =	simm.s32 $0x2  }
0x8: {  	s28 =	simm.s32 $0x3;
	s29 =	simm.s32 $0x900;
	s30 =	simm.s32 $0xD00  }
0x9: {  	s31 =	simm.s32 $0x4;
	[smem:$0x7FF] =	sst s2;
	s3 =	sand.u32 $0x1, s4  }
0xa: {  	s7 =	sshll.u32 s5, $0x7;
	s11 =	sadd.s32 $0x128800, s0;
	s4 =	sshll.u32 s4, $0x4  }
0xb: {  	p0 =	sne.s32 s5, $0x0;
	_ =	strace $0x8000004A;
	s6 =	sshll.u32 s3, $0xB  }
0xc: {  	s25 =	smul.u32 $0x31000, s3;
	s8 =	ssub.s32 $0x2, s3;
	s3 =	sadd.s32 $0xC6800, s0  }
0xd: {  	[dreg:$0x3] =	wrdreg s11;
	s4 =	sor.u32 s4, s5;
	s6 =	sor.u32 s7, s6  }
0xe: {  	s10 =	sshrl.u32 s8, $0x1;
	s4 =	sor.u32 $0xFFFFFFE0, s4;
	s9 =	sadd.s32 s6, s0  }
0xf: {  	s7 =	sadd.s32 s25, s0;
	s8 =	ssub.s32 s8, s10;
	s0 =	sadd.s32 $0x64C80, s0  }
.Ltmp0:
0x10: {  	[dreg:$0x6] =	wrdreg s4;
	s10 =	simm.s32 $0x5;
	(pc) =	sbr.rel .LBB2_1-.Ltmp0, $4  }
0x11: {  	s4 =	simm.s32 $0xB00;
	s7 =	sadd.s32 $0x159600, s7;
	s26 =	smax.u32 s8, $0x1  }
0x12: {  	s8 =	sshrl.u32 @!p0 s1, $0x3;
	s11 =	sadd.s32 s0, s6;
	[dreg:$0x4] =	wrdreg s7  }
0x13: {  	s0 =	simm.s32 $0xA00;
	[dreg:$0x5] =	wrdreg s26;
	s7 =	sadd.s32 $0x3200, s9  }
0x14: {  	s26 =	simm.s32 $0x700;
	s9 =	simm.s32 $0x0;
	[dreg:$0x7] =	wrdreg s8  }
.LBB2_6:
0x15: {  	_ =	swait.ge [sflag:s28], $0x1000  }
0x16: {  	[sflag:s28] =	ssyncset.done $0x0  }
0x17: {  	[sflag:s28] =	ssyncadd.s32 $0xFFFFF000  }
0x18: {  	_ =	swait.ge [sflag:s28], $0x1000  }
0x19: {  	[sflag:s28] =	ssyncset.done $0x0  }
0x1a: {  	[sflag:s28] =	ssyncadd.s32 $0xFFFFF000  }
0x1b: {  	_ =	swait.ge [sflag:s31], $0x1000  }
0x1c: {  	[sflag:s31] =	ssyncset.done $0x0  }
0x1d: {  	[sflag:s31] =	ssyncadd.s32 $0xFFFFF000  }
0x1e: {  	_ =	swait.ge [sflag:s31], $0x1000  }
0x1f: {  	[sflag:s31] =	ssyncset.done $0x0  }
0x20: {  	[sflag:s31] =	ssyncadd.s32 $0xFFFFF000  }
0x21: {  	[bflag:$0x0] =	sbarrier.arrive $0xFFFF  }
0x22: {  	s6 =	rddreg [dreg:$0x4]  }
0x23: {  	s5 =	simm.s32 @!p0 $0x1C05;
	s8 =	rddreg [dreg:$0x7]  }
0x24: {  	[hbm:s6], [sflag:s5] =	dma.local @!p0 [spmem:s8], $0x30D40  }
0x25: {  	s5 =	simm.s32 @!p0 $0x5  }
0x26: {  	_ =	swait.ge @!p0 [sflag:s5], $0x30D40  }
0x27: {  	s9 =	rddreg [dreg:$0x8]  }
0x28: {  	s25 =	rddreg [dreg:$0x5];
	s9 =	sadd.s32 $0x1, s9  }
0x29: {  	p1 =	sne.s32 s9, s25  }
.Ltmp1:
0x2a: {  	_ = 	snop;
	(pc) =	sbr.rel @!p1 .LBB2_7-.Ltmp1, $3  }
0x2b: {  	_ =	sdelay $0x1  }
0x2c: {  	[sflag:s5] =	ssyncset.done @!p0 $0x0  }
0x2d: {  	[sflag:s5] =	ssyncadd.s32 @!p0 $0xFFFCF2C0  }
.LBB2_1:
0x2e: {  	[dreg:$0x8] =	wrdreg s9  }
0x2f: {  	s5 =	simm.s32 @!p0 $0x1C05;
	s6 =	rddreg [dreg:$0x3]  }
0x30: {  	[spmem:s8], [sflag:s5] =	dma.local @!p0 [hbm:s6], $0x30D40  }
0x31: {  	s5 =	simm.s32 @!p0 $0x5  }
.Ltmp2:
0x32: {  	_ =	swait.ge @!p0 [sflag:s5], $0x30D40;
	(pc) =	sbr.rel .LBB2_2-.Ltmp2, $4  }
0x33: {  	[sflag:s5] =	ssyncset.done @!p0 $0x0  }
0x34: {  	[sflag:s5] =	ssyncadd.s32 @!p0 $0xFFFCF2C0  }
0x35: {  	[bflag:$0x0] =	sbarrier.arrive $0xFFFF  }
0x36: {  	s6 =	simm.s32 $0x0;
	s8 =	rddreg [dreg:$0x6]  }
.LBB2_4:
0x37: {  	s9 =	sadd.s32 $0x1000, s9  }
0x38: {  	[tilespmem:s22], [sflag:$0x5] =	stream.linear.gather [hbm4b:s9+s2], $0x400, $0x38;
	[tilespmem:$0x1D6A0] =	vst v63  }
0x39: {  	_ =	swait.ge [sflag:s10], $0x400  }
0x3a: {  	[sflag:s10] =	ssyncset.done $0x0  }
0x3b: {  	s5 =	sadd.s32 $0x1000, s5;
	[sflag:s10] =	ssyncadd.s32 $0xFFFFFC00  }
0x3c: {  	[tilespmem:s23], [sflag:$0x5] =	stream.linear.gather [hbm4b:s5+s2], $0x400, $0x38;
	[tilespmem:$0x1D6A0] =	vst v63  }
0x3d: {  	_ =	swait.ge [sflag:s10], $0x400  }
0x3e: {  	[sflag:s10] =	ssyncset.done $0x0  }
0x3f: {  	[sflag:s10] =	ssyncadd.s32 $0xFFFFFC00  }
0x40: {  	_ =	swait.ge [sflag:s24], $0x1000  }
0x41: {  	[sflag:s24] =	ssyncset.done $0x0  }
0x42: {  	[sflag:s24] =	ssyncadd.s32 $0xFFFFF000  }
0x43: {  	_ =	swait.ge [sflag:s24], $0x1000  }
0x44: {  	[sflag:s24] =	ssyncset.done $0x0  }
0x45: {  	s25 =	simm.s32 $0x600;
	[sflag:s24] =	ssyncadd.s32 $0xFFFFF000  }
0x46: {  	[spmem:s1] =	stream.indirect.scatter.add.f32 [tilespmem:s17], [sflag:$0x4], $0x10, s25, s13, $0xb8;
	[tilespmem:$0x1D6A0] =	vst v63  }
0x47: {  	_ = 	snop  }
0x48: {  	[spmem:s1] =	stream.indirect.scatter.add.f32 [tilespmem:s19], [sflag:$0x4], $0x10, s26, s13, $0xb8;
	[tilespmem:$0x1D6A0] =	vst v63  }
0x49: {  	_ =	swait.ge [sflag:s28], $0x1000  }
0x4a: {  	[sflag:s28] =	ssyncset.done $0x0  }
0x4b: {  	[sflag:s28] =	ssyncadd.s32 $0xFFFFF000  }
0x4c: {  	_ =	swait.ge [sflag:s28], $0x1000  }
0x4d: {  	[sflag:s28] =	ssyncset.done $0x0  }
0x4e: {  	[sflag:s28] =	ssyncadd.s32 $0xFFFFF000  }
0x4f: {  	[tilespmem:s14], [sflag:$0x1] =	stream.indirect.gather [hbm4b:s3+s13], $0x10, s22, s13, $0xb8;
	[tilespmem:$0x1D6A0] =	vst v63  }
0x50: {  	_ = 	snop  }
0x51: {  	[tilespmem:s15], [sflag:$0x1] =	stream.indirect.gather [hbm4b:s3+s13], $0x10, s29, s13, $0xb8;
	[tilespmem:$0x1D6A0] =	vst v63  }
0x52: {  	_ =	swait.ge [sflag:s20], $0x1000  }
0x53: {  	[sflag:s20] =	ssyncset.done $0x0  }
0x54: {  	[sflag:s20] =	ssyncadd.s32 $0xFFFFF000  }
0x55: {  	_ =	swait.ge [sflag:s20], $0x1000  }
0x56: {  	[sflag:s20] =	ssyncset.done $0x0  }
0x57: {  	[sflag:s20] =	ssyncadd.s32 $0xFFFFF000  }
0x58: {  	[spmem:s1] =	stream.indirect.scatter.add.f32 [tilespmem:s14], [sflag:$0x3], $0x10, s23, s13, $0xb8;
	[tilespmem:$0x1D6A0] =	vst v63  }
0x59: {  	_ = 	snop  }
0x5a: {  	[spmem:s1] =	stream.indirect.scatter.add.f32 [tilespmem:s15], [sflag:$0x3], $0x10, s30, s13, $0xb8;
	[tilespmem:$0x1D6A0] =	vst v63  }
0x5b: {  	_ =	swait.ge [sflag:s31], $0x1000  }
0x5c: {  	[sflag:s31] =	ssyncset.done $0x0  }
0x5d: {  	[sflag:s31] =	ssyncadd.s32 $0xFFFFF000  }
0x5e: {  	_ =	swait.ge [sflag:s31], $0x1000  }
0x5f: {  	[sflag:s31] =	ssyncset.done $0x0  }
0x60: {  	[sflag:s31] =	ssyncadd.s32 $0xFFFFF000  }
0x61: {  	[tilespmem:s17], [sflag:$0x2] =	stream.indirect.gather [hbm4b:s3+s13], $0x10, s0, s13, $0xb8;
	[tilespmem:$0x1D6A0] =	vst v63  }
0x62: {  	s9 =	simm.s32 $0xE00;
	s5 =	simm.s32 $0xF00  }
0x63: {  	[tilespmem:s19], [sflag:$0x2] =	stream.indirect.gather [hbm4b:s3+s13], $0x10, s4, s13, $0xb8;
	[tilespmem:$0x1D6A0] =	vst v63  }
.LBB2_5:
0x64: {  	_ =	swait.ge [sflag:s24], $0x1000  }
0x65: {  	[sflag:s24] =	ssyncset.done $0x0  }
0x66: {  	s6 =	sadd.s32 $0x2000, s6;
	[sflag:s24] =	ssyncadd.s32 $0xFFFFF000  }
0x67: {  	p1 =	sne.s32 s6, $0x62000;
	_ =	swait.ge [sflag:s24], $0x1000  }
.Ltmp3:
0x68: {  	[sflag:s24] =	ssyncset.done $0x0;
	(pc) =	sbr.rel @!p1 .LBB2_6-.Ltmp3, $4  }
0x69: {  	[sflag:s24] =	ssyncadd.s32 $0xFFFFF000  }
0x6a: {  	[spmem:s1] =	stream.indirect.scatter.add.f32 [tilespmem:s17], [sflag:$0x4], $0x10, s9, s13, $0xb8;
	[tilespmem:$0x1D6A0] =	vst v63  }
0x6b: {  	_ = 	snop  }
0x6c: {  	[spmem:s1] =	stream.indirect.scatter.add.f32 [tilespmem:s19], [sflag:$0x4], $0x10, s5, s13, $0xb8;
	[tilespmem:$0x1D6A0] =	vst v63  }
.LBB2_2:
0x6d: {  	p1 =	sgt.u32 s8, $0xC34  }
0x6e: {  	s5 =	simm.s32 @!p1 $0x3  }
0x6f: {  	_ =	swait.ge @!p1 [sflag:s5], $0x1000  }
0x70: {  	[sflag:s5] =	ssyncset.done @!p1 $0x0  }
0x71: {  	[sflag:s5] =	ssyncadd.s32 @!p1 $0xFFFFF000  }
0x72: {  	_ =	swait.ge @!p1 [sflag:s5], $0x1000  }
0x73: {  	[sflag:s5] =	ssyncset.done @!p1 $0x0  }
0x74: {  	s9 =	sadd.s32 s6, s7;
	[sflag:s5] =	ssyncadd.s32 @!p1 $0xFFFFF000  }
0x75: {  	[tilespmem:s2], [sflag:$0x5] =	stream.linear.gather [hbm4b:s9+s2], $0x400, $0x38;
	[tilespmem:$0x1D6A0] =	vst v63  }
0x76: {  	_ =	swait.ge [sflag:s10], $0x400  }
0x77: {  	[sflag:s10] =	ssyncset.done $0x0  }
0x78: {  	s5 =	sadd.s32 s6, s11;
	[sflag:s10] =	ssyncadd.s32 $0xFFFFFC00  }
0x79: {  	[tilespmem:s12], [sflag:$0x5] =	stream.linear.gather [hbm4b:s5+s2], $0x400, $0x38;
	[tilespmem:$0x1D6A0] =	vst v63  }
0x7a: {  	_ =	swait.ge [sflag:s10], $0x400  }
0x7b: {  	[sflag:s10] =	ssyncset.done $0x0  }
0x7c: {  	[sflag:s10] =	ssyncadd.s32 $0xFFFFFC00  }
0x7d: {  	[tilespmem:s14], [sflag:$0x1] =	stream.indirect.gather [hbm4b:s3+s13], $0x10, s2, s13, $0xb8;
	[tilespmem:$0x1D6A0] =	vst v63  }
0x7e: {  	s25 =	simm.s32 @!p1 $0x4  }
0x7f: {  	[tilespmem:s15], [sflag:$0x1] =	stream.indirect.gather [hbm4b:s3+s13], $0x10, s13, s13, $0xb8;
	[tilespmem:$0x1D6A0] =	vst v63  }
0x80: {  	_ =	swait.ge @!p1 [sflag:s25], $0x1000  }
0x81: {  	[sflag:s25] =	ssyncset.done @!p1 $0x0  }
0x82: {  	[sflag:s25] =	ssyncadd.s32 @!p1 $0xFFFFF000  }
0x83: {  	_ =	swait.ge @!p1 [sflag:s25], $0x1000  }
0x84: {  	[sflag:s25] =	ssyncset.done @!p1 $0x0  }
0x85: {  	[sflag:s25] =	ssyncadd.s32 @!p1 $0xFFFFF000  }
0x86: {  	[tilespmem:s17], [sflag:$0x2] =	stream.indirect.gather [hbm4b:s3+s13], $0x10, s16, s13, $0xb8;
	[tilespmem:$0x1D6A0] =	vst v63  }
0x87: {  	_ = 	snop  }
0x88: {  	[tilespmem:s19], [sflag:$0x2] =	stream.indirect.gather [hbm4b:s3+s13], $0x10, s18, s13, $0xb8;
	[tilespmem:$0x1D6A0] =	vst v63  }
0x89: {  	_ =	swait.ge [sflag:s20], $0x1000  }
0x8a: {  	[sflag:s20] =	ssyncset.done $0x0  }
0x8b: {  	s8 =	sadd.s32 $0x40, s8;
	[sflag:s20] =	ssyncadd.s32 $0xFFFFF000  }
0x8c: {  	p1 =	sgt.u32 s8, $0xC34;
	_ =	swait.ge [sflag:s20], $0x1000  }
.Ltmp4:
0x8d: {  	[sflag:s20] =	ssyncset.done $0x0;
	(pc) =	sbr.rel @!p1 .LBB2_4-.Ltmp4, $4  }
0x8e: {  	[sflag:s20] =	ssyncadd.s32 $0xFFFFF000  }
0x8f: {  	[spmem:s1] =	stream.indirect.scatter.add.f32 [tilespmem:s14], [sflag:$0x3], $0x10, s12, s13, $0xb8;
	[tilespmem:$0x1D6A0] =	vst v63  }
0x90: {  	_ = 	snop  }
0x91: {  	[spmem:s1] =	stream.indirect.scatter.add.f32 [tilespmem:s15], [sflag:$0x3], $0x10, s21, s13, $0xb8;
	[tilespmem:$0x1D6A0] =	vst v63  }
.Ltmp5:
0x92: {  	(pc) =	sbr.rel .LBB2_5-.Ltmp5, $2  }
0x93: {  	_ =	sdelay $0x2  }
0x94: {  	s5 =	simm.s32 $0x700;
	s9 =	simm.s32 $0x600  }
.LBB2_7:
0x95: {  	_ =	sfence.sel $0x180000  }
0x96: {  	[bflag:$0x0] =	sbarrier.arrive $0xFFFF  }
0x97: {  	_ =	strace $0x9000004A  }
0x98: {  	[bflag:$0x2] =	sbarrier.arrive $0xFFFF  }
0x99: {  	s0 =	rddreg [dreg:$0x2]  }
0x9a: {  	s0 =	sadd.s32 @!p0 $0x100000, s0  }
0x9b: {  	[sflag:s0] =	ssyncadd.tile.s32 @!p0 $0x1;
	_ =	shalt  }
.Lfunc_end2:
_tile_overlayer_lowered:
.L_overlay_start_2:
0x9c: {  	(tag) =	ssettag $0x2  }
0x9d: {  	s0 =	rddreg [dreg:$0x0];
	s2 =	stileid.u32  }
0x9e: {  	s1 =	rddreg [dreg:$0x1];
	p0 =	sne.s32 s2, $0x0  }
0x9f: {  	s3 =	rddreg [dreg:$0x2];
	[bflag:$0x3] =	sbarrier.arrive $0xFFFF;
	s2 =	simm.s32 @!p0 $0x1C05  }
0xa0: {  	[timem:s3], [sflag:s2] =	dma.local @!p0 [hbm:s0], s1  }
0xa1: {  	s0 =	simm.s32 @!p0 $0x5  }
0xa2: {  	_ =	swait.ge @!p0 [sflag:s0], s1  }
0xa3: {  	s1 =	ssub.s32 @!p0 $0x0, s1;
	[sflag:s0] =	ssyncset.done @!p0 $0x0  }
0xa4: {  	[sflag:s0] =	ssyncadd.s32 @!p0 s1  }
0xa5: {  	[bflag:$0x3] =	sbarrier.arrive $0xFFFF  }
0xa6: {  	_ =	shalt  }

// kernel: kernel.14.cloned.1.call-start
scs
__scs_entry_jumppad:
0x0: {  	(pc) =	sbr.rel $0x88, $3  }
0x1: {  	(tag) =	ssettag $0x0;
	lr =	simm.s32 $0x1  }
0x2: {  	[smem:$0x3F96] =	sst lr;
	_ =	strace $0xD0000000  }
0x3: {  	_ = 	snop  }
0x4: {  	_ = 	snop  }
0x5: {  	_ = 	snop  }
0x6: {  	_ = 	snop  }
0x7: {  	_ = 	snop  }
__scs_overlays_trampoline_lowered:
0x8: {  	[smem:$0x3FA5] =	sst s0  }
0x9: {  	[smem:$0x3FA6] =	sst s1  }
0xa: {  	[smem:$0x3FA7] =	sst s2  }
0xb: {  	[smem:$0x3FA8] =	sst s3  }
0xc: {  	[smem:$0x3FA9] =	sst s4  }
0xd: {  	[smem:$0x3FAA] =	sst s5  }
0xe: {  	[smem:$0x3FAB] =	sst s6  }
0xf: {  	[smem:$0x3FAC] =	sst s7  }
0x10: {  	[smem:$0x3FAD] =	sst s8  }
0x11: {  	[smem:$0x3FAE] =	sst s9;
	s0 =	simm.s32 @!p0 $0x0  }
0x12: {  	s1 =	sld [smem:$0x3F94];
	s0 =	simm.s32 @p0 $0x1  }
0x13: {  	[smem:$0x3FAF] =	sst s0;
	s0 =	simm.s32 @!p1 $0x0  }
0x14: {  	s2 =	sld [smem:$0x3F93];
	s0 =	simm.s32 @p1 $0x1  }
0x15: {  	[smem:$0x3FB0] =	sst s0;
	s0 =	simm.s32 @!p2 $0x0  }
0x16: {  	s3 =	sld [smem:$0x3FDB];
	s0 =	simm.s32 @p2 $0x1  }
0x17: {  	s4 =	simm.s32 $0x1BF5;
	[smem:$0x3FB2] =	sst s0  }
0x18: {  	s0 =	sld [smem:$0x3F95];
	_ =	swait.ge [sflag:s4], $0x0  }
0x19: {  	s7 =	sld [smem:$0x3F96]  }
0x1a: {  	s8 =	sadd.s32 $0xFFFFE003, lr  }
0x1b: {  	s9 =	sadd.s32 $0xFFFFFEF7, lr;
	s5 =	simm.s32 $0xFFFFFFFF;
	p2 =	slt.u32 s8, $0xFFFFF086  }
0x1c: {  	p1 =	slt.u32 s9, $0xF7A;
	s5 =	simm.s32 @!p2 $0x0  }
0x1d: {  	s5 =	simm.s32 @p1 $0x1;
	p0 =	seq.s32 s7, s2  }
0x1e: {  	s7 =	smul.u32 @!p0 $0xF7A, s2;
	p2 =	seq.s32 @!p0 s5, $0x0  }
0x1f: {  	s9 =	smul.u32 $0xF7A, s1;
	s8 =	simm.s32 @!p0 $0x1BF5;
	p2 =	por !p2, p0  }
0x20: {  	[sflag:s8] =	ssyncset.s32 @!p0 $0xFFFFF086;
	s6 =	sadd.s32 @!p0 s3, s7;
	s7 =	simm.s32 @!p0 $0x108  }
0x21: {  	s3 =	sadd.s32 s3, s9;
	s6 =	sadd.s32 @!p0 $0x88, s6;
	s7 =	simm.s32 @p2 $0x1082  }
0x22: {  	[simem:s7], [sflag:s8] =	dma.local @!p0 [hbm:s6], $0xF7A  }
0x23: {  	s9 =	sor.u32 $0xD0000000, s2;
	s6 =	simm.s32 $0x108;
	_ =	swait.ge @!p0 [sflag:s8], $0x0  }
0x24: {  	s3 =	sadd.s32 $0x88, s3;
	s6 =	simm.s32 @!p1 $0x1082;
	[sflag:s4] =	ssyncset.s32 $0xFFFFF086  }
0x25: {  	[simem:s6], [sflag:s4] =	dma.local [hbm:s3], $0xF7A  }
0x26: {  	[smem:$0x3F96] =	sst s1;
	(tag) =	ssettag s2;
	_ =	strace s9  }
0x27: {  	s1 =	sld [smem:$0x3FA6]  }
0x28: {  	s2 =	sld [smem:$0x3FA7]  }
0x29: {  	s4 =	sld [smem:$0x3FA9]  }
0x2a: {  	p0 =	seq.s32 s5, $0x0;
	s5 =	sld [smem:$0x3FAA]  }
0x2b: {  	s6 =	sld [smem:$0x3FAB]  }
0x2c: {  	s7 =	sld [smem:$0x3FAC]  }
0x2d: {  	s3 =	simm.s32 $0x108;
	s8 =	sld [smem:$0x3FAD]  }
0x2e: {  	s3 =	simm.s32 @!p0 $0x1082;
	s9 =	sld [smem:$0x3FAE]  }
0x2f: {  	lr =	sadd.s32 s0, s3;
	s0 =	sld [smem:$0x3FA5]  }
0x30: {  	s3 =	sld [smem:$0x3FA8]  }
0x31: {  	[smem:$0x3FB1] =	sst s10  }
0x32: {  	s10 =	sld [smem:$0x3FAF];
	_ =	sdelay $0x3  }
0x33: {  	p0 =	seq.s32 s10, $0x1;
	s10 =	sld [smem:$0x3FB1];
	_ =	sdelay $0x3  }
0x34: {  	[smem:$0x3FB1] =	sst s10  }
0x35: {  	s10 =	sld [smem:$0x3FB0];
	_ =	sdelay $0x3  }
0x36: {  	p1 =	seq.s32 s10, $0x1;
	s10 =	sld [smem:$0x3FB1];
	_ =	sdelay $0x3  }
0x37: {  	[smem:$0x3FB1] =	sst s10  }
0x38: {  	s10 =	sld [smem:$0x3FB2]  }
0x39: {  	_ = 	snop;
	(pc) =	sbr.ind lr, $3  }
0x3a: {  	_ = 	snop  }
0x3b: {  	_ = 	snop  }
0x3c: {  	p2 =	seq.s32 s10, $0x1;
	s10 =	sld [smem:$0x3FB1]  }
0x3d: {  	_ =	shalt  }
0x3e: {  	_ =	shalt  }
0x3f: {  	_ =	shalt  }
0x40: {  	_ =	shalt  }
0x41: {  	_ =	shalt  }
0x42: {  	_ =	shalt  }
0x43: {  	_ =	shalt  }
0x44: {  	_ =	shalt  }
0x45: {  	_ =	shalt  }
0x46: {  	_ =	shalt  }
0x47: {  	_ =	shalt  }
0x48: {  	_ =	shalt  }
0x49: {  	_ =	shalt  }
0x4a: {  	_ =	shalt  }
0x4b: {  	_ =	shalt  }
0x4c: {  	_ =	shalt  }
0x4d: {  	_ =	shalt  }
0x4e: {  	_ =	shalt  }
0x4f: {  	_ =	shalt  }
0x50: {  	_ =	shalt  }
0x51: {  	_ =	shalt  }
0x52: {  	_ =	shalt  }
0x53: {  	_ =	shalt  }
0x54: {  	_ =	shalt  }
0x55: {  	_ =	shalt  }
0x56: {  	_ =	shalt  }
0x57: {  	_ =	shalt  }
0x58: {  	_ =	shalt  }
0x59: {  	_ =	shalt  }
0x5a: {  	_ =	shalt  }
0x5b: {  	_ =	shalt  }
0x5c: {  	_ =	shalt  }
0x5d: {  	_ =	shalt  }
0x5e: {  	_ =	shalt  }
0x5f: {  	_ =	shalt  }
0x60: {  	_ =	shalt  }
0x61: {  	_ =	shalt  }
0x62: {  	_ =	shalt  }
0x63: {  	_ =	shalt  }
0x64: {  	_ =	shalt  }
0x65: {  	_ =	shalt  }
0x66: {  	_ =	shalt  }
0x67: {  	_ =	shalt  }
0x68: {  	_ =	shalt  }
0x69: {  	_ =	shalt  }
0x6a: {  	_ =	shalt  }
0x6b: {  	_ =	shalt  }
0x6c: {  	_ =	shalt  }
0x6d: {  	_ =	shalt  }
0x6e: {  	_ =	shalt  }
0x6f: {  	_ =	shalt  }
0x70: {  	_ =	shalt  }
0x71: {  	_ =	shalt  }
0x72: {  	_ =	shalt  }
0x73: {  	_ =	shalt  }
0x74: {  	_ =	shalt  }
0x75: {  	_ =	shalt  }
0x76: {  	_ =	shalt  }
0x77: {  	_ =	shalt  }
0x78: {  	_ =	shalt  }
0x79: {  	_ =	shalt  }
0x7a: {  	_ =	shalt  }
0x7b: {  	_ =	shalt  }
0x7c: {  	_ =	shalt  }
0x7d: {  	_ =	shalt  }
0x7e: {  	_ =	shalt  }
0x7f: {  	_ =	shalt  }
0x80: {  	_ =	shalt  }
0x81: {  	_ =	shalt  }
0x82: {  	_ =	shalt  }
0x83: {  	_ =	shalt  }
0x84: {  	_ =	shalt  }
0x85: {  	_ =	shalt  }
0x86: {  	_ =	shalt  }
0x87: {  	_ =	shalt  }
.Lfunc_end0:
.L_simem_size_0:
called_computation.2_lowered:
.L_overlay_start_0:
0x88: {  	s2 =	sld [smem:$0x3FD9]  }
0x89: {  	s3 =	sld [smem:$0x3FFE];
	_ =	sdelay $0x1  }
0x8a: {  	s1 =	srdreg.scid  }
0x8b: {  	s0 =	sand.u32 $0x1, s1  }
0x8c: {  	s16 =	sshll.u32 s0, $0xA;
	s2 =	sadd.s32 s3, s2  }
0x8d: {  	s2 =	sadd.s32 s2, s16  }
0x8e: {  	[smem:$0x3FBD] =	sst s2  }
0x8f: {  	_ = 	snop  }
0x90: {  	(tm) =	ssettm $0x1  }
0x91: {  	s17 =	sld [smem:$0x3FFB];
	_ =	sdelay $0x3  }
0x92: {  	_ =	strace s17  }
0x93: {  	s2 =	sld [smem:$0x3FFC];
	_ =	sdelay $0x3  }
0x94: {  	_ =	strace s2  }
0x95: {  	s2 =	sld [smem:$0x3FFD];
	_ =	sdelay $0x3  }
0x96: {  	_ =	strace s2  }
0x97: {  	_ =	strace $0x8FFFFFFF  }
0x98: {  	s18 =	sld [smem:$0x3FDB];
	_ =	sdelay $0x1  }
0x99: {  	s19 =	simm.s32 $_scs_section_size  }
0x9a: {  	s4 =	simm.s32 $_size__tile_overlayer_lowered;
	s5 =	simm.s32 $_tile_overlayer_lowered  }
0x9b: {  	s22 =	simm.s32 $0x1BFF;
	s21 =	sshll.u32 s5, $0x1;
	s2 =	sadd.s32 s19, s18  }
0x9c: {  	s6 =	simm.s32 $0x0;
	s20 =	sshll.u32 s4, $0x1;
	s4 =	sadd.s32 s21, s2  }
0x9d: {  	[timem:s6], [sflag:s22] =	dma.local [hbm:s4], s20  }
0x9e: {  	_ =	swait.ge [sflag:s22], s20  }
0x9f: {  	s3 =	ssub.s32 $0x0, s20;
	[sflag:s22] =	ssyncset.done $0x0  }
0xa0: {  	[sflag:s22] =	ssyncadd.s32 s3;
	_ =	sdelay $0x1  }
0xa1: {  	s23 =	simm.s32 $0x1B8B  }
0xa2: {  	_ =	swait.ge [sflag:s23], $0x1  }
0xa3: {  	[sflag:s23] =	ssyncset.done $0x0  }
0xa4: {  	s25 =	simm.s32 $0x1B8E;
	s24 =	sld [smem:$0x3FFE];
	[sflag:s23] =	ssyncadd.s32 $0xFFFFFFFF  }
0xa5: {  	s26 =	simm.s32 $execute0_lowered;
	[smem:$0x3FD2] =	sst s25  }
0xa6: {  	s4 =	sshll.u32 s26, $0x1;
	_ =	strace $0x8000004C;
	[dreg:$0x1] =	wrdreg $0xFFFFFFFF  }
0xa7: {  	s28 =	simm.s32 $_size_execute0_lowered;
	s2 =	sadd.s32 s2, s4;
	[dreg:$0x0] =	wrdreg $0x0  }
0xa8: {  	s4 =	sshll.u32 s28, $0x1;
	[dreg:$0x2] =	wrdreg s2  }
0xa9: {  	[dreg:$0x3] =	wrdreg s4  }
0xaa: {  	[dreg:$0x4] =	wrdreg $0xC0  }
0xab: {  	_ =	task [dreg:s6], $0x5FFFF  }
0xac: {  	[dreg:$0x1] =	wrdreg $0xFFFFFFFF  }
0xad: {  	[dreg:$0x0] =	wrdreg $0x60  }
0xae: {  	[dreg:$0x2] =	wrdreg s24  }
0xaf: {  	[dreg:$0x3] =	wrdreg $0x50000  }
0xb0: {  	[dreg:$0x4] =	wrdreg $0x9  }
0xb1: {  	_ =	task.clear_ibuf [dreg:s6], $0x5FFFF;
	_ =	strace $0x9000004C  }
0xb2: {  	s29 =	simm.s32 $0x9;
	_ =	strace $0x8000004E  }
0xb3: {  	_ =	swait.ge [sflag:s29], $0x1  }
0xb4: {  	[sflag:s29] =	ssyncadd.s32 $0xFFFFFFFF  }
0xb5: {  	_ =	strace $0x9000004E  }
0xb6: {  	_ =	sfence  }
0xb7: {  	s30 =	sld [smem:$0x0];
	_ =	sdelay $0x2  }
0xb8: {  	s31 =	sshll.u32 s1, $0xD;
	s1 =	sshrl.u32 s1, $0x2  }
0xb9: {  	s3 =	sand.u32 $0x4000, s31;
	s1 =	sadd.s32 s1, s30  }
0xba: {  	s0 =	sor.u32 s3, s0;
	s1 =	sshll.u32 s1, $0x11  }
0xbb: {  	s0 =	sor.u32 s1, s0  }
0xbc: {  	s0 =	sadd.s32 $0x8F2B, s0  }
0xbd: {  	[sflag:s0] =	ssyncadd.remote.s32 $0x1  }
0xbe: {  	_ =	sfence.sel $0xFFFF  }
0xbf: {  	[dreg:$0x0] =	wrdreg $0xFFFFFFFF;
	(pc) =	sbr.abs _section_cstart, $3  }
0xc0: {  	[dreg:$0x1] =	wrdreg $0xFFFFFFFF  }
0xc1: {  	_ =	task.clear_ibuf [dreg:s6], $0x2FFFF;
	_ =	strace $0x9FFFFFFF  }
0xc2: {  	(tm) =	ssettm $0x7FFFFFFF  }
0xc3: {  	_ =	shalt  }
tec
execute0_lowered:
.L_overlay_start_1:
0x0: {  	(tag) =	ssettag $0x1  }
0x1: {  	s0 =	rddreg [dreg:$0x0]  }
0x2: {  	s1 =	rddreg [dreg:$0x1];
	s2 =	simm.s32 $0x0  }
0x3: {  	s4 =	srdreg.scid;
	s5 =	stileid.u32;
	s12 =	simm.s32 $0x400  }
0x4: {  	s13 =	simm.s32 $0x100;
	s14 =	simm.s32 $0x1000;
	s15 =	simm.s32 $0x2000  }
0x5: {  	s16 =	simm.s32 $0x200;
	s17 =	simm.s32 $0x3000;
	s18 =	simm.s32 $0x300  }
0x6: {  	s19 =	simm.s32 $0x4000;
	s20 =	simm.s32 $0x1;
	s21 =	simm.s32 $0x500  }
0x7: {  	s22 =	simm.s32 $0x800;
	s23 =	simm.s32 $0xC00;
	s24 =	simm.s32 $0x2  }
0x8: {  	s28 =	simm.s32 $0x3;
	s29 =	simm.s32 $0x900;
	s30 =	simm.s32 $0xD00  }
0x9: {  	s31 =	simm.s32 $0x4;
	[smem:$0x7FF] =	sst s2;
	s3 =	sand.u32 $0x1, s4  }
0xa: {  	s7 =	sshll.u32 s5, $0x7;
	s11 =	sadd.s32 $0x128800, s0;
	s4 =	sshll.u32 s4, $0x4  }
0xb: {  	p0 =	sne.s32 s5, $0x0;
	_ =	strace $0x8000004D;
	s6 =	sshll.u32 s3, $0xB  }
0xc: {  	s25 =	smul.u32 $0x31000, s3;
	s8 =	ssub.s32 $0x2, s3;
	s3 =	sadd.s32 $0xC6800, s0  }
0xd: {  	[dreg:$0x3] =	wrdreg s11;
	s4 =	sor.u32 s4, s5;
	s6 =	sor.u32 s7, s6  }
0xe: {  	s10 =	sshrl.u32 s8, $0x1;
	s4 =	sor.u32 $0xFFFFFFE0, s4;
	s9 =	sadd.s32 s6, s0  }
0xf: {  	s7 =	sadd.s32 s25, s0;
	s8 =	ssub.s32 s8, s10;
	s0 =	sadd.s32 $0x64C80, s0  }
.Ltmp0:
0x10: {  	[dreg:$0x6] =	wrdreg s4;
	s10 =	simm.s32 $0x5;
	(pc) =	sbr.rel .LBB2_1-.Ltmp0, $4  }
0x11: {  	s4 =	simm.s32 $0xB00;
	s7 =	sadd.s32 $0x159600, s7;
	s26 =	smax.u32 s8, $0x1  }
0x12: {  	s8 =	sshrl.u32 @!p0 s1, $0x3;
	s11 =	sadd.s32 s0, s6;
	[dreg:$0x4] =	wrdreg s7  }
0x13: {  	s0 =	simm.s32 $0xA00;
	[dreg:$0x5] =	wrdreg s26;
	s7 =	sadd.s32 $0x3200, s9  }
0x14: {  	s26 =	simm.s32 $0x700;
	s9 =	simm.s32 $0x0;
	[dreg:$0x7] =	wrdreg s8  }
.LBB2_6:
0x15: {  	_ =	swait.ge [sflag:s28], $0x1000  }
0x16: {  	[sflag:s28] =	ssyncset.done $0x0  }
0x17: {  	[sflag:s28] =	ssyncadd.s32 $0xFFFFF000  }
0x18: {  	_ =	swait.ge [sflag:s28], $0x1000  }
0x19: {  	[sflag:s28] =	ssyncset.done $0x0  }
0x1a: {  	[sflag:s28] =	ssyncadd.s32 $0xFFFFF000  }
0x1b: {  	_ =	swait.ge [sflag:s31], $0x1000  }
0x1c: {  	[sflag:s31] =	ssyncset.done $0x0  }
0x1d: {  	[sflag:s31] =	ssyncadd.s32 $0xFFFFF000  }
0x1e: {  	_ =	swait.ge [sflag:s31], $0x1000  }
0x1f: {  	[sflag:s31] =	ssyncset.done $0x0  }
0x20: {  	[sflag:s31] =	ssyncadd.s32 $0xFFFFF000  }
0x21: {  	[bflag:$0x0] =	sbarrier.arrive $0xFFFF  }
0x22: {  	s6 =	rddreg [dreg:$0x4]  }
0x23: {  	s5 =	simm.s32 @!p0 $0x1C05;
	s8 =	rddreg [dreg:$0x7]  }
0x24: {  	[hbm:s6], [sflag:s5] =	dma.local @!p0 [spmem:s8], $0x30D40  }
0x25: {  	s5 =	simm.s32 @!p0 $0x5  }
0x26: {  	_ =	swait.ge @!p0 [sflag:s5], $0x30D40  }
0x27: {  	s9 =	rddreg [dreg:$0x8]  }
0x28: {  	s25 =	rddreg [dreg:$0x5];
	s9 =	sadd.s32 $0x1, s9  }
0x29: {  	p1 =	sne.s32 s9, s25  }
.Ltmp1:
0x2a: {  	_ = 	snop;
	(pc) =	sbr.rel @!p1 .LBB2_7-.Ltmp1, $3  }
0x2b: {  	_ =	sdelay $0x1  }
0x2c: {  	[sflag:s5] =	ssyncset.done @!p0 $0x0  }
0x2d: {  	[sflag:s5] =	ssyncadd.s32 @!p0 $0xFFFCF2C0  }
.LBB2_1:
0x2e: {  	[dreg:$0x8] =	wrdreg s9  }
0x2f: {  	s5 =	simm.s32 @!p0 $0x1C05;
	s6 =	rddreg [dreg:$0x3]  }
0x30: {  	[spmem:s8], [sflag:s5] =	dma.local @!p0 [hbm:s6], $0x30D40  }
0x31: {  	s5 =	simm.s32 @!p0 $0x5  }
.Ltmp2:
0x32: {  	_ =	swait.ge @!p0 [sflag:s5], $0x30D40;
	(pc) =	sbr.rel .LBB2_2-.Ltmp2, $4  }
0x33: {  	[sflag:s5] =	ssyncset.done @!p0 $0x0  }
0x34: {  	[sflag:s5] =	ssyncadd.s32 @!p0 $0xFFFCF2C0  }
0x35: {  	[bflag:$0x0] =	sbarrier.arrive $0xFFFF  }
0x36: {  	s6 =	simm.s32 $0x0;
	s8 =	rddreg [dreg:$0x6]  }
.LBB2_4:
0x37: {  	s9 =	sadd.s32 $0x1000, s9  }
0x38: {  	[tilespmem:s22], [sflag:$0x5] =	stream.linear.gather [hbm4b:s9+s2], $0x400, $0x38;
	[tilespmem:$0x1D6A0] =	vst v63  }
0x39: {  	_ =	swait.ge [sflag:s10], $0x400  }
0x3a: {  	[sflag:s10] =	ssyncset.done $0x0  }
0x3b: {  	s5 =	sadd.s32 $0x1000, s5;
	[sflag:s10] =	ssyncadd.s32 $0xFFFFFC00  }
0x3c: {  	[tilespmem:s23], [sflag:$0x5] =	stream.linear.gather [hbm4b:s5+s2], $0x400, $0x38;
	[tilespmem:$0x1D6A0] =	vst v63  }
0x3d: {  	_ =	swait.ge [sflag:s10], $0x400  }
0x3e: {  	[sflag:s10] =	ssyncset.done $0x0  }
0x3f: {  	[sflag:s10] =	ssyncadd.s32 $0xFFFFFC00  }
0x40: {  	_ =	swait.ge [sflag:s24], $0x1000  }
0x41: {  	[sflag:s24] =	ssyncset.done $0x0  }
0x42: {  	[sflag:s24] =	ssyncadd.s32 $0xFFFFF000  }
0x43: {  	_ =	swait.ge [sflag:s24], $0x1000  }
0x44: {  	[sflag:s24] =	ssyncset.done $0x0  }
0x45: {  	s25 =	simm.s32 $0x600;
	[sflag:s24] =	ssyncadd.s32 $0xFFFFF000  }
0x46: {  	[spmem:s1] =	stream.indirect.scatter.add.f32 [tilespmem:s17], [sflag:$0x4], $0x10, s25, s13, $0xb8;
	[tilespmem:$0x1D6A0] =	vst v63  }
0x47: {  	_ = 	snop  }
0x48: {  	[spmem:s1] =	stream.indirect.scatter.add.f32 [tilespmem:s19], [sflag:$0x4], $0x10, s26, s13, $0xb8;
	[tilespmem:$0x1D6A0] =	vst v63  }
0x49: {  	_ =	swait.ge [sflag:s28], $0x1000  }
0x4a: {  	[sflag:s28] =	ssyncset.done $0x0  }
0x4b: {  	[sflag:s28] =	ssyncadd.s32 $0xFFFFF000  }
0x4c: {  	_ =	swait.ge [sflag:s28], $0x1000  }
0x4d: {  	[sflag:s28] =	ssyncset.done $0x0  }
0x4e: {  	[sflag:s28] =	ssyncadd.s32 $0xFFFFF000  }
0x4f: {  	[tilespmem:s14], [sflag:$0x1] =	stream.indirect.gather [hbm4b:s3+s13], $0x10, s22, s13, $0xb8;
	[tilespmem:$0x1D6A0] =	vst v63  }
0x50: {  	_ = 	snop  }
0x51: {  	[tilespmem:s15], [sflag:$0x1] =	stream.indirect.gather [hbm4b:s3+s13], $0x10, s29, s13, $0xb8;
	[tilespmem:$0x1D6A0] =	vst v63  }
0x52: {  	_ =	swait.ge [sflag:s20], $0x1000  }
0x53: {  	[sflag:s20] =	ssyncset.done $0x0  }
0x54: {  	[sflag:s20] =	ssyncadd.s32 $0xFFFFF000  }
0x55: {  	_ =	swait.ge [sflag:s20], $0x1000  }
0x56: {  	[sflag:s20] =	ssyncset.done $0x0  }
0x57: {  	[sflag:s20] =	ssyncadd.s32 $0xFFFFF000  }
0x58: {  	[spmem:s1] =	stream.indirect.scatter.add.f32 [tilespmem:s14], [sflag:$0x3], $0x10, s23, s13, $0xb8;
	[tilespmem:$0x1D6A0] =	vst v63  }
0x59: {  	_ = 	snop  }
0x5a: {  	[spmem:s1] =	stream.indirect.scatter.add.f32 [tilespmem:s15], [sflag:$0x3], $0x10, s30, s13, $0xb8;
	[tilespmem:$0x1D6A0] =	vst v63  }
0x5b: {  	_ =	swait.ge [sflag:s31], $0x1000  }
0x5c: {  	[sflag:s31] =	ssyncset.done $0x0  }
0x5d: {  	[sflag:s31] =	ssyncadd.s32 $0xFFFFF000  }
0x5e: {  	_ =	swait.ge [sflag:s31], $0x1000  }
0x5f: {  	[sflag:s31] =	ssyncset.done $0x0  }
0x60: {  	[sflag:s31] =	ssyncadd.s32 $0xFFFFF000  }
0x61: {  	[tilespmem:s17], [sflag:$0x2] =	stream.indirect.gather [hbm4b:s3+s13], $0x10, s0, s13, $0xb8;
	[tilespmem:$0x1D6A0] =	vst v63  }
0x62: {  	s9 =	simm.s32 $0xE00;
	s5 =	simm.s32 $0xF00  }
0x63: {  	[tilespmem:s19], [sflag:$0x2] =	stream.indirect.gather [hbm4b:s3+s13], $0x10, s4, s13, $0xb8;
	[tilespmem:$0x1D6A0] =	vst v63  }
.LBB2_5:
0x64: {  	_ =	swait.ge [sflag:s24], $0x1000  }
0x65: {  	[sflag:s24] =	ssyncset.done $0x0  }
0x66: {  	s6 =	sadd.s32 $0x2000, s6;
	[sflag:s24] =	ssyncadd.s32 $0xFFFFF000  }
0x67: {  	p1 =	sne.s32 s6, $0x62000;
	_ =	swait.ge [sflag:s24], $0x1000  }
.Ltmp3:
0x68: {  	[sflag:s24] =	ssyncset.done $0x0;
	(pc) =	sbr.rel @!p1 .LBB2_6-.Ltmp3, $4  }
0x69: {  	[sflag:s24] =	ssyncadd.s32 $0xFFFFF000  }
0x6a: {  	[spmem:s1] =	stream.indirect.scatter.add.f32 [tilespmem:s17], [sflag:$0x4], $0x10, s9, s13, $0xb8;
	[tilespmem:$0x1D6A0] =	vst v63  }
0x6b: {  	_ = 	snop  }
0x6c: {  	[spmem:s1] =	stream.indirect.scatter.add.f32 [tilespmem:s19], [sflag:$0x4], $0x10, s5, s13, $0xb8;
	[tilespmem:$0x1D6A0] =	vst v63  }
.LBB2_2:
0x6d: {  	p1 =	sgt.u32 s8, $0xC34  }
0x6e: {  	s5 =	simm.s32 @!p1 $0x3  }
0x6f: {  	_ =	swait.ge @!p1 [sflag:s5], $0x1000  }
0x70: {  	[sflag:s5] =	ssyncset.done @!p1 $0x0  }
0x71: {  	[sflag:s5] =	ssyncadd.s32 @!p1 $0xFFFFF000  }
0x72: {  	_ =	swait.ge @!p1 [sflag:s5], $0x1000  }
0x73: {  	[sflag:s5] =	ssyncset.done @!p1 $0x0  }
0x74: {  	s9 =	sadd.s32 s6, s7;
	[sflag:s5] =	ssyncadd.s32 @!p1 $0xFFFFF000  }
0x75: {  	[tilespmem:s2], [sflag:$0x5] =	stream.linear.gather [hbm4b:s9+s2], $0x400, $0x38;
	[tilespmem:$0x1D6A0] =	vst v63  }
0x76: {  	_ =	swait.ge [sflag:s10], $0x400  }
0x77: {  	[sflag:s10] =	ssyncset.done $0x0  }
0x78: {  	s5 =	sadd.s32 s6, s11;
	[sflag:s10] =	ssyncadd.s32 $0xFFFFFC00  }
0x79: {  	[tilespmem:s12], [sflag:$0x5] =	stream.linear.gather [hbm4b:s5+s2], $0x400, $0x38;
	[tilespmem:$0x1D6A0] =	vst v63  }
0x7a: {  	_ =	swait.ge [sflag:s10], $0x400  }
0x7b: {  	[sflag:s10] =	ssyncset.done $0x0  }
0x7c: {  	[sflag:s10] =	ssyncadd.s32 $0xFFFFFC00  }
0x7d: {  	[tilespmem:s14], [sflag:$0x1] =	stream.indirect.gather [hbm4b:s3+s13], $0x10, s2, s13, $0xb8;
	[tilespmem:$0x1D6A0] =	vst v63  }
0x7e: {  	s25 =	simm.s32 @!p1 $0x4  }
0x7f: {  	[tilespmem:s15], [sflag:$0x1] =	stream.indirect.gather [hbm4b:s3+s13], $0x10, s13, s13, $0xb8;
	[tilespmem:$0x1D6A0] =	vst v63  }
0x80: {  	_ =	swait.ge @!p1 [sflag:s25], $0x1000  }
0x81: {  	[sflag:s25] =	ssyncset.done @!p1 $0x0  }
0x82: {  	[sflag:s25] =	ssyncadd.s32 @!p1 $0xFFFFF000  }
0x83: {  	_ =	swait.ge @!p1 [sflag:s25], $0x1000  }
0x84: {  	[sflag:s25] =	ssyncset.done @!p1 $0x0  }
0x85: {  	[sflag:s25] =	ssyncadd.s32 @!p1 $0xFFFFF000  }
0x86: {  	[tilespmem:s17], [sflag:$0x2] =	stream.indirect.gather [hbm4b:s3+s13], $0x10, s16, s13, $0xb8;
	[tilespmem:$0x1D6A0] =	vst v63  }
0x87: {  	_ = 	snop  }
0x88: {  	[tilespmem:s19], [sflag:$0x2] =	stream.indirect.gather [hbm4b:s3+s13], $0x10, s18, s13, $0xb8;
	[tilespmem:$0x1D6A0] =	vst v63  }
0x89: {  	_ =	swait.ge [sflag:s20], $0x1000  }
0x8a: {  	[sflag:s20] =	ssyncset.done $0x0  }
0x8b: {  	s8 =	sadd.s32 $0x40, s8;
	[sflag:s20] =	ssyncadd.s32 $0xFFFFF000  }
0x8c: {  	p1 =	sgt.u32 s8, $0xC34;
	_ =	swait.ge [sflag:s20], $0x1000  }
.Ltmp4:
0x8d: {  	[sflag:s20] =	ssyncset.done $0x0;
	(pc) =	sbr.rel @!p1 .LBB2_4-.Ltmp4, $4  }
0x8e: {  	[sflag:s20] =	ssyncadd.s32 $0xFFFFF000  }
0x8f: {  	[spmem:s1] =	stream.indirect.scatter.add.f32 [tilespmem:s14], [sflag:$0x3], $0x10, s12, s13, $0xb8;
	[tilespmem:$0x1D6A0] =	vst v63  }
0x90: {  	_ = 	snop  }
0x91: {  	[spmem:s1] =	stream.indirect.scatter.add.f32 [tilespmem:s15], [sflag:$0x3], $0x10, s21, s13, $0xb8;
	[tilespmem:$0x1D6A0] =	vst v63  }
.Ltmp5:
0x92: {  	(pc) =	sbr.rel .LBB2_5-.Ltmp5, $2  }
0x93: {  	_ =	sdelay $0x2  }
0x94: {  	s5 =	simm.s32 $0x700;
	s9 =	simm.s32 $0x600  }
.LBB2_7:
0x95: {  	_ =	sfence.sel $0x180000  }
0x96: {  	[bflag:$0x0] =	sbarrier.arrive $0xFFFF  }
0x97: {  	_ =	strace $0x9000004D  }
0x98: {  	[bflag:$0x2] =	sbarrier.arrive $0xFFFF  }
0x99: {  	s0 =	rddreg [dreg:$0x2]  }
0x9a: {  	s0 =	sadd.s32 @!p0 $0x100000, s0  }
0x9b: {  	[sflag:s0] =	ssyncadd.tile.s32 @!p0 $0x1;
	_ =	shalt  }
.Lfunc_end2:
_tile_overlayer_lowered:
.L_overlay_start_2:
0x9c: {  	(tag) =	ssettag $0x2  }
0x9d: {  	s0 =	rddreg [dreg:$0x0];
	s2 =	stileid.u32  }
0x9e: {  	s1 =	rddreg [dreg:$0x1];
	p0 =	sne.s32 s2, $0x0  }
0x9f: {  	s3 =	rddreg [dreg:$0x2];
	[bflag:$0x3] =	sbarrier.arrive $0xFFFF;
	s2 =	simm.s32 @!p0 $0x1C05  }
0xa0: {  	[timem:s3], [sflag:s2] =	dma.local @!p0 [hbm:s0], s1  }
0xa1: {  	s0 =	simm.s32 @!p0 $0x5  }
0xa2: {  	_ =	swait.ge @!p0 [sflag:s0], s1  }
0xa3: {  	s1 =	ssub.s32 @!p0 $0x0, s1;
	[sflag:s0] =	ssyncset.done @!p0 $0x0  }
0xa4: {  	[sflag:s0] =	ssyncadd.s32 @!p0 s1  }
0xa5: {  	[bflag:$0x3] =	sbarrier.arrive $0xFFFF  }
0xa6: {  	_ =	shalt  }

// kernel: kernel.8.cloned.1.call-start
scs
__scs_entry_jumppad:
0x0: {  	(pc) =	sbr.rel $0x88, $3  }
0x1: {  	(tag) =	ssettag $0x0;
	lr =	simm.s32 $0x1  }
0x2: {  	[smem:$0x3F96] =	sst lr;
	_ =	strace $0xD0000000  }
0x3: {  	_ = 	snop  }
0x4: {  	_ = 	snop  }
0x5: {  	_ = 	snop  }
0x6: {  	_ = 	snop  }
0x7: {  	_ = 	snop  }
__scs_overlays_trampoline_lowered:
0x8: {  	[smem:$0x3FA5] =	sst s0  }
0x9: {  	[smem:$0x3FA6] =	sst s1  }
0xa: {  	[smem:$0x3FA7] =	sst s2  }
0xb: {  	[smem:$0x3FA8] =	sst s3  }
0xc: {  	[smem:$0x3FA9] =	sst s4  }
0xd: {  	[smem:$0x3FAA] =	sst s5  }
0xe: {  	[smem:$0x3FAB] =	sst s6  }
0xf: {  	[smem:$0x3FAC] =	sst s7  }
0x10: {  	[smem:$0x3FAD] =	sst s8  }
0x11: {  	[smem:$0x3FAE] =	sst s9;
	s0 =	simm.s32 @!p0 $0x0  }
0x12: {  	s1 =	sld [smem:$0x3F94];
	s0 =	simm.s32 @p0 $0x1  }
0x13: {  	[smem:$0x3FAF] =	sst s0;
	s0 =	simm.s32 @!p1 $0x0  }
0x14: {  	s2 =	sld [smem:$0x3F93];
	s0 =	simm.s32 @p1 $0x1  }
0x15: {  	[smem:$0x3FB0] =	sst s0;
	s0 =	simm.s32 @!p2 $0x0  }
0x16: {  	s3 =	sld [smem:$0x3FDB];
	s0 =	simm.s32 @p2 $0x1  }
0x17: {  	s4 =	simm.s32 $0x1BF5;
	[smem:$0x3FB2] =	sst s0  }
0x18: {  	s0 =	sld [smem:$0x3F95];
	_ =	swait.ge [sflag:s4], $0x0  }
0x19: {  	s7 =	sld [smem:$0x3F96]  }
0x1a: {  	s8 =	sadd.s32 $0xFFFFE003, lr  }
0x1b: {  	s9 =	sadd.s32 $0xFFFFFEF7, lr;
	s5 =	simm.s32 $0xFFFFFFFF;
	p2 =	slt.u32 s8, $0xFFFFF086  }
0x1c: {  	p1 =	slt.u32 s9, $0xF7A;
	s5 =	simm.s32 @!p2 $0x0  }
0x1d: {  	s5 =	simm.s32 @p1 $0x1;
	p0 =	seq.s32 s7, s2  }
0x1e: {  	s7 =	smul.u32 @!p0 $0xF7A, s2;
	p2 =	seq.s32 @!p0 s5, $0x0  }
0x1f: {  	s9 =	smul.u32 $0xF7A, s1;
	s8 =	simm.s32 @!p0 $0x1BF5;
	p2 =	por !p2, p0  }
0x20: {  	[sflag:s8] =	ssyncset.s32 @!p0 $0xFFFFF086;
	s6 =	sadd.s32 @!p0 s3, s7;
	s7 =	simm.s32 @!p0 $0x108  }
0x21: {  	s3 =	sadd.s32 s3, s9;
	s6 =	sadd.s32 @!p0 $0x88, s6;
	s7 =	simm.s32 @p2 $0x1082  }
0x22: {  	[simem:s7], [sflag:s8] =	dma.local @!p0 [hbm:s6], $0xF7A  }
0x23: {  	s9 =	sor.u32 $0xD0000000, s2;
	s6 =	simm.s32 $0x108;
	_ =	swait.ge @!p0 [sflag:s8], $0x0  }
0x24: {  	s3 =	sadd.s32 $0x88, s3;
	s6 =	simm.s32 @!p1 $0x1082;
	[sflag:s4] =	ssyncset.s32 $0xFFFFF086  }
0x25: {  	[simem:s6], [sflag:s4] =	dma.local [hbm:s3], $0xF7A  }
0x26: {  	[smem:$0x3F96] =	sst s1;
	(tag) =	ssettag s2;
	_ =	strace s9  }
0x27: {  	s1 =	sld [smem:$0x3FA6]  }
0x28: {  	s2 =	sld [smem:$0x3FA7]  }
0x29: {  	s4 =	sld [smem:$0x3FA9]  }
0x2a: {  	p0 =	seq.s32 s5, $0x0;
	s5 =	sld [smem:$0x3FAA]  }
0x2b: {  	s6 =	sld [smem:$0x3FAB]  }
0x2c: {  	s7 =	sld [smem:$0x3FAC]  }
0x2d: {  	s3 =	simm.s32 $0x108;
	s8 =	sld [smem:$0x3FAD]  }
0x2e: {  	s3 =	simm.s32 @!p0 $0x1082;
	s9 =	sld [smem:$0x3FAE]  }
0x2f: {  	lr =	sadd.s32 s0, s3;
	s0 =	sld [smem:$0x3FA5]  }
0x30: {  	s3 =	sld [smem:$0x3FA8]  }
0x31: {  	[smem:$0x3FB1] =	sst s10  }
0x32: {  	s10 =	sld [smem:$0x3FAF];
	_ =	sdelay $0x3  }
0x33: {  	p0 =	seq.s32 s10, $0x1;
	s10 =	sld [smem:$0x3FB1];
	_ =	sdelay $0x3  }
0x34: {  	[smem:$0x3FB1] =	sst s10  }
0x35: {  	s10 =	sld [smem:$0x3FB0];
	_ =	sdelay $0x3  }
0x36: {  	p1 =	seq.s32 s10, $0x1;
	s10 =	sld [smem:$0x3FB1];
	_ =	sdelay $0x3  }
0x37: {  	[smem:$0x3FB1] =	sst s10  }
0x38: {  	s10 =	sld [smem:$0x3FB2]  }
0x39: {  	_ = 	snop;
	(pc) =	sbr.ind lr, $3  }
0x3a: {  	_ = 	snop  }
0x3b: {  	_ = 	snop  }
0x3c: {  	p2 =	seq.s32 s10, $0x1;
	s10 =	sld [smem:$0x3FB1]  }
0x3d: {  	_ =	shalt  }
0x3e: {  	_ =	shalt  }
0x3f: {  	_ =	shalt  }
0x40: {  	_ =	shalt  }
0x41: {  	_ =	shalt  }
0x42: {  	_ =	shalt  }
0x43: {  	_ =	shalt  }
0x44: {  	_ =	shalt  }
0x45: {  	_ =	shalt  }
0x46: {  	_ =	shalt  }
0x47: {  	_ =	shalt  }
0x48: {  	_ =	shalt  }
0x49: {  	_ =	shalt  }
0x4a: {  	_ =	shalt  }
0x4b: {  	_ =	shalt  }
0x4c: {  	_ =	shalt  }
0x4d: {  	_ =	shalt  }
0x4e: {  	_ =	shalt  }
0x4f: {  	_ =	shalt  }
0x50: {  	_ =	shalt  }
0x51: {  	_ =	shalt  }
0x52: {  	_ =	shalt  }
0x53: {  	_ =	shalt  }
0x54: {  	_ =	shalt  }
0x55: {  	_ =	shalt  }
0x56: {  	_ =	shalt  }
0x57: {  	_ =	shalt  }
0x58: {  	_ =	shalt  }
0x59: {  	_ =	shalt  }
0x5a: {  	_ =	shalt  }
0x5b: {  	_ =	shalt  }
0x5c: {  	_ =	shalt  }
0x5d: {  	_ =	shalt  }
0x5e: {  	_ =	shalt  }
0x5f: {  	_ =	shalt  }
0x60: {  	_ =	shalt  }
0x61: {  	_ =	shalt  }
0x62: {  	_ =	shalt  }
0x63: {  	_ =	shalt  }
0x64: {  	_ =	shalt  }
0x65: {  	_ =	shalt  }
0x66: {  	_ =	shalt  }
0x67: {  	_ =	shalt  }
0x68: {  	_ =	shalt  }
0x69: {  	_ =	shalt  }
0x6a: {  	_ =	shalt  }
0x6b: {  	_ =	shalt  }
0x6c: {  	_ =	shalt  }
0x6d: {  	_ =	shalt  }
0x6e: {  	_ =	shalt  }
0x6f: {  	_ =	shalt  }
0x70: {  	_ =	shalt  }
0x71: {  	_ =	shalt  }
0x72: {  	_ =	shalt  }
0x73: {  	_ =	shalt  }
0x74: {  	_ =	shalt  }
0x75: {  	_ =	shalt  }
0x76: {  	_ =	shalt  }
0x77: {  	_ =	shalt  }
0x78: {  	_ =	shalt  }
0x79: {  	_ =	shalt  }
0x7a: {  	_ =	shalt  }
0x7b: {  	_ =	shalt  }
0x7c: {  	_ =	shalt  }
0x7d: {  	_ =	shalt  }
0x7e: {  	_ =	shalt  }
0x7f: {  	_ =	shalt  }
0x80: {  	_ =	shalt  }
0x81: {  	_ =	shalt  }
0x82: {  	_ =	shalt  }
0x83: {  	_ =	shalt  }
0x84: {  	_ =	shalt  }
0x85: {  	_ =	shalt  }
0x86: {  	_ =	shalt  }
0x87: {  	_ =	shalt  }
.Lfunc_end0:
.L_simem_size_0:
called_computation_lowered:
.L_overlay_start_0:
0x88: {  	s2 =	sld [smem:$0x3FD9]  }
0x89: {  	s3 =	sld [smem:$0x3FFE];
	_ =	sdelay $0x1  }
0x8a: {  	s1 =	srdreg.scid  }
0x8b: {  	s0 =	sand.u32 $0x1, s1  }
0x8c: {  	s16 =	sshll.u32 s0, $0xA;
	s2 =	sadd.s32 s3, s2  }
0x8d: {  	s2 =	sadd.s32 s2, s16  }
0x8e: {  	[smem:$0x3FBD] =	sst s2  }
0x8f: {  	_ = 	snop  }
0x90: {  	(tm) =	ssettm $0x1  }
0x91: {  	s17 =	sld [smem:$0x3FFB];
	_ =	sdelay $0x3  }
0x92: {  	_ =	strace s17  }
0x93: {  	s2 =	sld [smem:$0x3FFC];
	_ =	sdelay $0x3  }
0x94: {  	_ =	strace s2  }
0x95: {  	s2 =	sld [smem:$0x3FFD];
	_ =	sdelay $0x3  }
0x96: {  	_ =	strace s2  }
0x97: {  	_ =	strace $0x8FFFFFFF  }
0x98: {  	s18 =	sld [smem:$0x3FDB];
	_ =	sdelay $0x1  }
0x99: {  	s19 =	simm.s32 $_scs_section_size  }
0x9a: {  	s4 =	simm.s32 $_size__tile_overlayer_lowered;
	s5 =	simm.s32 $_tile_overlayer_lowered  }
0x9b: {  	s22 =	simm.s32 $0x1BFF;
	s21 =	sshll.u32 s5, $0x1;
	s2 =	sadd.s32 s19, s18  }
0x9c: {  	s6 =	simm.s32 $0x0;
	s20 =	sshll.u32 s4, $0x1;
	s4 =	sadd.s32 s21, s2  }
0x9d: {  	[timem:s6], [sflag:s22] =	dma.local [hbm:s4], s20  }
0x9e: {  	_ =	swait.ge [sflag:s22], s20  }
0x9f: {  	s3 =	ssub.s32 $0x0, s20;
	[sflag:s22] =	ssyncset.done $0x0  }
0xa0: {  	[sflag:s22] =	ssyncadd.s32 s3;
	_ =	sdelay $0x1  }
0xa1: {  	s23 =	simm.s32 $0x1B8B  }
0xa2: {  	_ =	swait.ge [sflag:s23], $0x1  }
0xa3: {  	[sflag:s23] =	ssyncset.done $0x0  }
0xa4: {  	s25 =	simm.s32 $0x1B8E;
	s24 =	sld [smem:$0x3FFE];
	[sflag:s23] =	ssyncadd.s32 $0xFFFFFFFF  }
0xa5: {  	s26 =	simm.s32 $execute0_lowered;
	[smem:$0x3FD2] =	sst s25  }
0xa6: {  	s4 =	sshll.u32 s26, $0x1;
	_ =	strace $0x80000046;
	[dreg:$0x1] =	wrdreg $0xFFFFFFFF  }
0xa7: {  	s28 =	simm.s32 $_size_execute0_lowered;
	s2 =	sadd.s32 s2, s4;
	[dreg:$0x0] =	wrdreg $0x0  }
0xa8: {  	s4 =	sshll.u32 s28, $0x1;
	[dreg:$0x2] =	wrdreg s2  }
0xa9: {  	[dreg:$0x3] =	wrdreg s4  }
0xaa: {  	[dreg:$0x4] =	wrdreg $0xC0  }
0xab: {  	_ =	task [dreg:s6], $0x5FFFF  }
0xac: {  	[dreg:$0x1] =	wrdreg $0xFFFFFFFF  }
0xad: {  	[dreg:$0x0] =	wrdreg $0x60  }
0xae: {  	[dreg:$0x2] =	wrdreg s24  }
0xaf: {  	[dreg:$0x3] =	wrdreg $0x9000  }
0xb0: {  	[dreg:$0x4] =	wrdreg $0x9  }
0xb1: {  	_ =	task.clear_ibuf [dreg:s6], $0x5FFFF;
	_ =	strace $0x90000046  }
0xb2: {  	s29 =	simm.s32 $0x9;
	_ =	strace $0x80000048  }
0xb3: {  	_ =	swait.ge [sflag:s29], $0x1  }
0xb4: {  	[sflag:s29] =	ssyncadd.s32 $0xFFFFFFFF  }
0xb5: {  	_ =	strace $0x90000048  }
0xb6: {  	_ =	sfence  }
0xb7: {  	s30 =	sld [smem:$0x0];
	_ =	sdelay $0x2  }
0xb8: {  	s31 =	sshll.u32 s1, $0xD;
	s1 =	sshrl.u32 s1, $0x2  }
0xb9: {  	s3 =	sand.u32 $0x4000, s31;
	s1 =	sadd.s32 s1, s30  }
0xba: {  	s0 =	sor.u32 s3, s0;
	s1 =	sshll.u32 s1, $0x11  }
0xbb: {  	s0 =	sor.u32 s1, s0  }
0xbc: {  	s0 =	sadd.s32 $0x8F2B, s0  }
0xbd: {  	[sflag:s0] =	ssyncadd.remote.s32 $0x1  }
0xbe: {  	_ =	sfence.sel $0xFFFF  }
0xbf: {  	[dreg:$0x0] =	wrdreg $0xFFFFFFFF;
	(pc) =	sbr.abs _section_cstart, $3  }
0xc0: {  	[dreg:$0x1] =	wrdreg $0xFFFFFFFF  }
0xc1: {  	_ =	task.clear_ibuf [dreg:s6], $0x2FFFF;
	_ =	strace $0x9FFFFFFF  }
0xc2: {  	(tm) =	ssettm $0x7FFFFFFF  }
0xc3: {  	_ =	shalt  }
tec
execute0_lowered:
.L_overlay_start_1:
0x0: {  	(tag) =	ssettag $0x1  }
0x1: {  	s5 =	rddreg [dreg:$0x0]  }
0x2: {  	s1 =	rddreg [dreg:$0x1]  }
0x3: {  	s0 =	rddreg [dreg:$0x2]  }
0x4: {  	s2 =	simm.s32 $0x0;
	s4 =	srdreg.scid;
	s9 =	stileid.u32  }
0x5: {  	s12 =	simm.s32 $0x3;
	s14 =	simm.s32 $0x100;
	s15 =	simm.s32 $0x200  }
0x6: {  	s16 =	simm.s32 $0x300;
	s17 =	simm.s32 $0x1;
	[smem:$0x7FF] =	sst s2  }
0x7: {  	s3 =	sadd.s32 $0xC9A00, s5;
	s8 =	sand.u32 $0x1, s4;
	s4 =	sadd.s32 $0xC6800, s5  }
0x8: {  	s31 =	sshll.u32 s9, $0x7;
	p0 =	sne.s32 s9, $0x0;
	_ =	strace $0x80000047  }
0x9: {  	s6 =	smul.u32 $0x3100, s8;
	s7 =	ssub.s32 $0x2, s8;
	s11 =	sshll.u32 s8, $0x4  }
0xa: {  	s8 =	sshll.u32 s8, $0xB;
	s10 =	sshrl.u32 s7, $0x1;
	s18 =	sor.u32 s9, s11  }
0xb: {  	s8 =	sor.u32 s31, s8;
	s11 =	simm.s32 $0x800;
	s6 =	sadd.s32 s6, s5  }
0xc: {  	s7 =	ssub.s32 s7, s10;
	s5 =	sadd.s32 $0x64C80, s5;
	s9 =	sor.u32 $0x20, s18  }
0xd: {  	s10 =	sshrl.u32 @!p0 s1, $0x3;
	p1 =	sgt.u32 s18, $0x14;
	s18 =	simm.s32 $0x0  }
0xe: {  	s6 =	sadd.s32 $0xC9C00, s6;
	s7 =	smax.u32 s7, $0x1;
	s13 =	sadd.s32 s5, s8  }
.LBB2_1:
0xf: {  	s19 =	simm.s32 @!p0 $0x1C03  }
0x10: {  	[spmem:s10], [sflag:s19] =	dma.local @!p0 [hbm:s4], $0x30D4  }
0x11: {  	s19 =	simm.s32 @!p0 $0x3  }
0x12: {  	_ =	swait.ge @!p0 [sflag:s19], $0x30D4  }
0x13: {  	[sflag:s19] =	ssyncset.done @!p0 $0x0  }
0x14: {  	[sflag:s19] =	ssyncadd.s32 @!p0 $0xFFFFCF2C  }
0x15: {  	[tilespmem:s11], [sflag:$0x3] =	stream.linear.gather [hbm4b:s3+s2], $0x100, $0x38;
	[tilespmem:$0x2170] =	vst v63  }
0x16: {  	_ =	swait.ge [sflag:s12], $0x100  }
0x17: {  	s30 =	sadd.s32 $0xFFFFFFC0, s9;
	[sflag:s12] =	ssyncset.done $0x0  }
0x18: {  	p2 =	sgt.u32 s30, $0xC34;
	[sflag:s12] =	ssyncadd.s32 $0xFFFFFF00  }
0x19: {  	s19 =	simm.s32 @!p2 $0x2;
	[bflag:$0x0] =	sbarrier.arrive $0xFFFF  }
0x1a: {  	_ =	swait.ge @!p2 [sflag:s19], $0x100  }
0x1b: {  	[sflag:s19] =	ssyncset.done @!p2 $0x0  }
0x1c: {  	[sflag:s19] =	ssyncadd.s32 @!p2 $0xFFFFFF00  }
0x1d: {  	_ =	swait.ge @!p2 [sflag:s19], $0x100  }
0x1e: {  	[sflag:s19] =	ssyncset.done @!p2 $0x0  }
0x1f: {  	[sflag:s19] =	ssyncadd.s32 @!p2 $0xFFFFFF00  }
0x20: {  	_ =	swait.ge @!p2 [sflag:s19], $0x100  }
0x21: {  	[sflag:s19] =	ssyncset.done @!p2 $0x0  }
0x22: {  	[sflag:s19] =	ssyncadd.s32 @!p2 $0xFFFFFF00  }
0x23: {  	_ =	swait.ge @!p2 [sflag:s19], $0x100  }
0x24: {  	[sflag:s19] =	ssyncset.done @!p2 $0x0  }
0x25: {  	s31 =	sadd.s32 $0x0, s13;
	[sflag:s19] =	ssyncadd.s32 @!p2 $0xFFFFFF00  }
0x26: {  	[tilespmem:s2], [sflag:$0x3] =	stream.linear.gather [hbm4b:s31+s2], $0x400, $0x38;
	[tilespmem:$0x2170] =	vst v63  }
0x27: {  	_ =	swait.ge [sflag:s12], $0x400  }
0x28: {  	[sflag:s12] =	ssyncset.done $0x0  }
0x29: {  	[sflag:s12] =	ssyncadd.s32 $0xFFFFFC00  }
0x2a: {  	[spmem:s1] =	stream.indirect.scatter.add.f32 [tilespmem:s11], [sflag:$0x1], $0x1, s2, s14, $0xb8;
	[tilespmem:$0x2170] =	vst v63  }
0x2b: {  	p2 =	sgt.u32 s9, $0xC34  }
0x2c: {  	[spmem:s1] =	stream.indirect.scatter.add.f32 [tilespmem:s11], [sflag:$0x1], $0x1, s14, s14, $0xb8;
	[tilespmem:$0x2170] =	vst v63  }
0x2d: {  	s19 =	sadd.s32 @!p2 s5, s8  }
0x2e: {  	[spmem:s1] =	stream.indirect.scatter.add.f32 [tilespmem:s11], [sflag:$0x1], $0x1, s15, s14, $0xb8;
	[tilespmem:$0x2170] =	vst v63  }
0x2f: {  	s20 =	simm.s32 @!p2 $0x0;
	s19 =	sadd.s32 @!p2 $0x0, s19  }
0x30: {  	[spmem:s1] =	stream.indirect.scatter.add.f32 [tilespmem:s11], [sflag:$0x1], $0x1, s16, s14, $0xb8;
	[tilespmem:$0x2170] =	vst v63  }
0x31: {  	s21 =	simm.s32 @!p2 $0x400;
	s22 =	simm.s32 @!p2 $0x3;
	s19 =	sadd.s32 @!p2 $0x1000, s19  }
0x32: {  	[tilespmem:s21], [sflag:$0x3] =	stream.linear.gather @!p2 [hbm4b:s19+s20], $0x400, $0x38;
	[tilespmem:$0x2170] =	vst v63  }
0x33: {  	_ =	swait.ge @!p2 [sflag:s22], $0x400  }
0x34: {  	[sflag:s22] =	ssyncset.done @!p2 $0x0  }
0x35: {  	s19 =	simm.s32 @!p2 $0x100;
	s20 =	simm.s32 @!p2 $0x800;
	[sflag:s22] =	ssyncadd.s32 @!p2 $0xFFFFFC00  }
0x36: {  	[spmem:s1] =	stream.indirect.scatter.add.f32 @!p2 [tilespmem:s20], [sflag:$0x2], $0x1, s21, s19, $0xb8;
	[tilespmem:$0x2170] =	vst v63  }
0x37: {  	s21 =	simm.s32 @!p2 $0x500  }
0x38: {  	[spmem:s1] =	stream.indirect.scatter.add.f32 @!p2 [tilespmem:s20], [sflag:$0x2], $0x1, s21, s19, $0xb8;
	[tilespmem:$0x2170] =	vst v63  }
0x39: {  	s21 =	simm.s32 @!p2 $0x600  }
0x3a: {  	[spmem:s1] =	stream.indirect.scatter.add.f32 @!p2 [tilespmem:s20], [sflag:$0x2], $0x1, s21, s19, $0xb8;
	[tilespmem:$0x2170] =	vst v63  }
0x3b: {  	s21 =	simm.s32 @!p2 $0x700  }
0x3c: {  	[spmem:s1] =	stream.indirect.scatter.add.f32 @!p2 [tilespmem:s20], [sflag:$0x2], $0x1, s21, s19, $0xb8;
	[tilespmem:$0x2170] =	vst v63  }
0x3d: {  	_ =	swait.ge [sflag:s17], $0x100  }
0x3e: {  	[sflag:s17] =	ssyncset.done $0x0  }
0x3f: {  	[sflag:s17] =	ssyncadd.s32 $0xFFFFFF00  }
0x40: {  	_ =	swait.ge [sflag:s17], $0x100  }
0x41: {  	[sflag:s17] =	ssyncset.done $0x0  }
0x42: {  	[sflag:s17] =	ssyncadd.s32 $0xFFFFFF00  }
0x43: {  	_ =	swait.ge [sflag:s17], $0x100  }
0x44: {  	[sflag:s17] =	ssyncset.done $0x0  }
0x45: {  	s19 =	simm.s32 $0x2000;
	s20 =	sadd.s32 $0x40, s9;
	[sflag:s17] =	ssyncadd.s32 $0xFFFFFF00  }
0x46: {  	s21 =	simm.s32 $0x4000;
	s22 =	sadd.s32 $0xFFFFFFC0, s20;
	_ =	swait.ge [sflag:s17], $0x100  }
.LBB2_2:
0x47: {  	p3 =	sgt.u32 s22, $0xC34  }
0x48: {  	[sflag:s17] =	ssyncset.done $0x0;
	s22 =	smov.u32 s21;
	s21 =	sadd.s32 $0x2000, s21  }
0x49: {  	p2 =	sne.s32 s21, $0x62000;
	s23 =	simm.s32 @!p3 $0x2;
	[sflag:s17] =	ssyncadd.s32 $0xFFFFFF00  }
0x4a: {  	_ =	swait.ge @!p3 [sflag:s23], $0x100  }
0x4b: {  	[sflag:s23] =	ssyncset.done @!p3 $0x0  }
0x4c: {  	[sflag:s23] =	ssyncadd.s32 @!p3 $0xFFFFFF00  }
0x4d: {  	_ =	swait.ge @!p3 [sflag:s23], $0x100  }
0x4e: {  	[sflag:s23] =	ssyncset.done @!p3 $0x0  }
0x4f: {  	[sflag:s23] =	ssyncadd.s32 @!p3 $0xFFFFFF00  }
0x50: {  	_ =	swait.ge @!p3 [sflag:s23], $0x100  }
0x51: {  	[sflag:s23] =	ssyncset.done @!p3 $0x0  }
0x52: {  	[sflag:s23] =	ssyncadd.s32 @!p3 $0xFFFFFF00  }
0x53: {  	_ =	swait.ge @!p3 [sflag:s23], $0x100  }
0x54: {  	[sflag:s23] =	ssyncset.done @!p3 $0x0  }
0x55: {  	[sflag:s23] =	ssyncadd.s32 @!p3 $0xFFFFFF00;
	s23 =	sadd.s32 s19, s13  }
0x56: {  	[tilespmem:s2], [sflag:$0x3] =	stream.linear.gather [hbm4b:s23+s2], $0x400, $0x38;
	[tilespmem:$0x2170] =	vst v63  }
0x57: {  	_ =	swait.ge [sflag:s12], $0x400  }
0x58: {  	[sflag:s12] =	ssyncset.done $0x0  }
0x59: {  	[sflag:s12] =	ssyncadd.s32 $0xFFFFFC00  }
0x5a: {  	[spmem:s1] =	stream.indirect.scatter.add.f32 [tilespmem:s11], [sflag:$0x1], $0x1, s2, s14, $0xb8;
	[tilespmem:$0x2170] =	vst v63  }
0x5b: {  	_ = 	snop  }
0x5c: {  	[spmem:s1] =	stream.indirect.scatter.add.f32 [tilespmem:s11], [sflag:$0x1], $0x1, s14, s14, $0xb8;
	[tilespmem:$0x2170] =	vst v63  }
0x5d: {  	p3 =	sgt.u32 s20, $0xC34  }
0x5e: {  	[spmem:s1] =	stream.indirect.scatter.add.f32 [tilespmem:s11], [sflag:$0x1], $0x1, s15, s14, $0xb8;
	[tilespmem:$0x2170] =	vst v63  }
0x5f: {  	s23 =	sadd.s32 @!p3 s5, s8  }
0x60: {  	[spmem:s1] =	stream.indirect.scatter.add.f32 [tilespmem:s11], [sflag:$0x1], $0x1, s16, s14, $0xb8;
	[tilespmem:$0x2170] =	vst v63  }
0x61: {  	s24 =	simm.s32 @!p3 $0x400;
	s19 =	sadd.s32 @!p3 s19, s23;
	s23 =	simm.s32 @!p3 $0x0  }
0x62: {  	s26 =	simm.s32 @!p3 $0x3;
	s25 =	sadd.s32 @!p3 $0x1000, s19;
	s19 =	smov.u32 s22  }
0x63: {  	[tilespmem:s24], [sflag:$0x3] =	stream.linear.gather @!p3 [hbm4b:s25+s23], $0x400, $0x38;
	[tilespmem:$0x2170] =	vst v63  }
0x64: {  	_ =	swait.ge @!p3 [sflag:s26], $0x400  }
0x65: {  	s22 =	simm.s32 @!p3 $0x100;
	s23 =	simm.s32 @!p3 $0x800;
	[sflag:s26] =	ssyncset.done @!p3 $0x0  }
0x66: {  	s25 =	simm.s32 @!p3 $0x500;
	[sflag:s26] =	ssyncadd.s32 @!p3 $0xFFFFFC00  }
0x67: {  	[spmem:s1] =	stream.indirect.scatter.add.f32 @!p3 [tilespmem:s23], [sflag:$0x2], $0x1, s24, s22, $0xb8;
	[tilespmem:$0x2170] =	vst v63  }
0x68: {  	s24 =	simm.s32 @!p3 $0x600  }
0x69: {  	[spmem:s1] =	stream.indirect.scatter.add.f32 @!p3 [tilespmem:s23], [sflag:$0x2], $0x1, s25, s22, $0xb8;
	[tilespmem:$0x2170] =	vst v63  }
0x6a: {  	s25 =	simm.s32 @!p3 $0x700  }
0x6b: {  	[spmem:s1] =	stream.indirect.scatter.add.f32 @!p3 [tilespmem:s23], [sflag:$0x2], $0x1, s24, s22, $0xb8;
	[tilespmem:$0x2170] =	vst v63  }
0x6c: {  	_ = 	snop  }
0x6d: {  	[spmem:s1] =	stream.indirect.scatter.add.f32 @!p3 [tilespmem:s23], [sflag:$0x2], $0x1, s25, s22, $0xb8;
	[tilespmem:$0x2170] =	vst v63  }
0x6e: {  	_ =	swait.ge [sflag:s17], $0x100  }
0x6f: {  	[sflag:s17] =	ssyncset.done $0x0  }
0x70: {  	[sflag:s17] =	ssyncadd.s32 $0xFFFFFF00  }
0x71: {  	_ =	swait.ge [sflag:s17], $0x100  }
0x72: {  	[sflag:s17] =	ssyncset.done $0x0  }
.Ltmp0:
0x73: {  	[sflag:s17] =	ssyncadd.s32 $0xFFFFFF00;
	(pc) =	sbr.rel @p2 .LBB2_2-.Ltmp0, $4  }
0x74: {  	_ =	swait.ge [sflag:s17], $0x100  }
0x75: {  	[sflag:s17] =	ssyncset.done $0x0  }
0x76: {  	s20 =	sadd.s32 $0x40, s20;
	[sflag:s17] =	ssyncadd.s32 $0xFFFFFF00  }
0x77: {  	s22 =	sadd.s32 $0xFFFFFFC0, s20;
	_ =	swait.ge [sflag:s17], $0x100  }
0x78: {  	p2 =	sgt.u32 s22, $0xC34;
	[sflag:s17] =	ssyncset.done $0x0  }
0x79: {  	s21 =	simm.s32 @!p2 $0x2;
	[sflag:s17] =	ssyncadd.s32 $0xFFFFFF00  }
0x7a: {  	_ =	swait.ge @!p2 [sflag:s21], $0x100  }
0x7b: {  	[sflag:s21] =	ssyncset.done @!p2 $0x0  }
0x7c: {  	[sflag:s21] =	ssyncadd.s32 @!p2 $0xFFFFFF00  }
0x7d: {  	_ =	swait.ge @!p2 [sflag:s21], $0x100  }
0x7e: {  	[sflag:s21] =	ssyncset.done @!p2 $0x0  }
0x7f: {  	[sflag:s21] =	ssyncadd.s32 @!p2 $0xFFFFFF00  }
0x80: {  	_ =	swait.ge @!p2 [sflag:s21], $0x100  }
0x81: {  	[sflag:s21] =	ssyncset.done @!p2 $0x0  }
0x82: {  	[sflag:s21] =	ssyncadd.s32 @!p2 $0xFFFFFF00  }
0x83: {  	_ =	swait.ge @!p2 [sflag:s21], $0x100  }
0x84: {  	[sflag:s21] =	ssyncset.done @!p2 $0x0  }
0x85: {  	s31 =	sadd.s32 s19, s13;
	[sflag:s21] =	ssyncadd.s32 @!p2 $0xFFFFFF00  }
0x86: {  	[tilespmem:s2], [sflag:$0x3] =	stream.linear.gather [hbm4b:s31+s2], $0x400, $0x38;
	[tilespmem:$0x2170] =	vst v63  }
0x87: {  	_ =	swait.ge [sflag:s12], $0x400  }
0x88: {  	[sflag:s12] =	ssyncset.done $0x0  }
0x89: {  	[sflag:s12] =	ssyncadd.s32 $0xFFFFFC00  }
0x8a: {  	[spmem:s1] =	stream.indirect.scatter.add.f32 [tilespmem:s11], [sflag:$0x1], $0x1, s2, s14, $0xb8;
	[tilespmem:$0x2170] =	vst v63  }
0x8b: {  	p2 =	sgt.u32 s20, $0xC34  }
0x8c: {  	[spmem:s1] =	stream.indirect.scatter.add.f32 [tilespmem:s11], [sflag:$0x1], $0x1, s14, s14, $0xb8;
	[tilespmem:$0x2170] =	vst v63  }
0x8d: {  	s20 =	sadd.s32 @!p2 s5, s8  }
0x8e: {  	[spmem:s1] =	stream.indirect.scatter.add.f32 [tilespmem:s11], [sflag:$0x1], $0x1, s15, s14, $0xb8;
	[tilespmem:$0x2170] =	vst v63  }
0x8f: {  	s21 =	simm.s32 @!p2 $0x400;
	s19 =	sadd.s32 @!p2 s19, s20  }
0x90: {  	[spmem:s1] =	stream.indirect.scatter.add.f32 [tilespmem:s11], [sflag:$0x1], $0x1, s16, s14, $0xb8;
	[tilespmem:$0x2170] =	vst v63  }
0x91: {  	s22 =	simm.s32 @!p2 $0x3;
	s20 =	simm.s32 @!p2 $0x0;
	s19 =	sadd.s32 @!p2 $0x1000, s19  }
0x92: {  	[tilespmem:s21], [sflag:$0x3] =	stream.linear.gather @!p2 [hbm4b:s19+s20], $0x400, $0x38;
	[tilespmem:$0x2170] =	vst v63  }
0x93: {  	_ =	swait.ge @!p2 [sflag:s22], $0x400  }
0x94: {  	[sflag:s22] =	ssyncset.done @!p2 $0x0  }
0x95: {  	s19 =	simm.s32 @!p2 $0x100;
	s20 =	simm.s32 @!p2 $0x800;
	[sflag:s22] =	ssyncadd.s32 @!p2 $0xFFFFFC00  }
0x96: {  	[spmem:s1] =	stream.indirect.scatter.add.f32 @!p2 [tilespmem:s20], [sflag:$0x2], $0x1, s21, s19, $0xb8;
	[tilespmem:$0x2170] =	vst v63  }
0x97: {  	s21 =	simm.s32 @!p2 $0x500  }
0x98: {  	[spmem:s1] =	stream.indirect.scatter.add.f32 @!p2 [tilespmem:s20], [sflag:$0x2], $0x1, s21, s19, $0xb8;
	[tilespmem:$0x2170] =	vst v63  }
0x99: {  	s21 =	simm.s32 @!p2 $0x600  }
0x9a: {  	[spmem:s1] =	stream.indirect.scatter.add.f32 @!p2 [tilespmem:s20], [sflag:$0x2], $0x1, s21, s19, $0xb8;
	[tilespmem:$0x2170] =	vst v63  }
0x9b: {  	s21 =	simm.s32 @!p2 $0x700  }
0x9c: {  	[spmem:s1] =	stream.indirect.scatter.add.f32 @!p2 [tilespmem:s20], [sflag:$0x2], $0x1, s21, s19, $0xb8;
	[tilespmem:$0x2170] =	vst v63  }
0x9d: {  	_ =	swait.ge [sflag:s17], $0x100  }
0x9e: {  	[sflag:s17] =	ssyncset.done $0x0  }
0x9f: {  	[sflag:s17] =	ssyncadd.s32 $0xFFFFFF00  }
0xa0: {  	_ =	swait.ge [sflag:s17], $0x100  }
0xa1: {  	[sflag:s17] =	ssyncset.done $0x0  }
0xa2: {  	[sflag:s17] =	ssyncadd.s32 $0xFFFFFF00  }
0xa3: {  	_ =	swait.ge [sflag:s17], $0x100  }
0xa4: {  	[sflag:s17] =	ssyncset.done $0x0  }
0xa5: {  	[sflag:s17] =	ssyncadd.s32 $0xFFFFFF00  }
0xa6: {  	_ =	swait.ge [sflag:s17], $0x100  }
0xa7: {  	[sflag:s17] =	ssyncset.done $0x0  }
0xa8: {  	s19 =	simm.s32 @!p1 $0x2;
	[sflag:s17] =	ssyncadd.s32 $0xFFFFFF00  }
0xa9: {  	_ =	swait.ge @!p1 [sflag:s19], $0x100  }
0xaa: {  	[sflag:s19] =	ssyncset.done @!p1 $0x0  }
0xab: {  	[sflag:s19] =	ssyncadd.s32 @!p1 $0xFFFFFF00  }
0xac: {  	_ =	swait.ge @!p1 [sflag:s19], $0x100  }
0xad: {  	[sflag:s19] =	ssyncset.done @!p1 $0x0  }
0xae: {  	[sflag:s19] =	ssyncadd.s32 @!p1 $0xFFFFFF00  }
0xaf: {  	_ =	swait.ge @!p1 [sflag:s19], $0x100  }
0xb0: {  	[sflag:s19] =	ssyncset.done @!p1 $0x0  }
0xb1: {  	[sflag:s19] =	ssyncadd.s32 @!p1 $0xFFFFFF00  }
0xb2: {  	_ =	swait.ge @!p1 [sflag:s19], $0x100  }
0xb3: {  	[sflag:s19] =	ssyncset.done @!p1 $0x0  }
0xb4: {  	s18 =	sadd.s32 $0x1, s18;
	[sflag:s19] =	ssyncadd.s32 @!p1 $0xFFFFFF00  }
0xb5: {  	p2 =	sne.s32 s18, s7;
	s19 =	simm.s32 @!p0 $0x1C03;
	[bflag:$0x0] =	sbarrier.arrive $0xFFFF  }
0xb6: {  	[hbm:s6], [sflag:s19] =	dma.local @!p0 [spmem:s10], $0x30D4  }
.Ltmp1:
0xb7: {  	_ = 	snop;
	(pc) =	sbr.rel @p2 .LBB2_1-.Ltmp1, $4  }
0xb8: {  	s19 =	simm.s32 @!p0 $0x3  }
0xb9: {  	_ =	swait.ge @!p0 [sflag:s19], $0x30D4  }
0xba: {  	[sflag:s19] =	ssyncset.done @!p0 $0x0  }
0xbb: {  	[sflag:s19] =	ssyncadd.s32 @!p0 $0xFFFFCF2C  }
0xbc: {  	_ =	sfence.sel $0x180000  }
0xbd: {  	[bflag:$0x0] =	sbarrier.arrive $0xFFFF  }
0xbe: {  	_ =	strace $0x90000047  }
0xbf: {  	s0 =	sadd.s32 @!p0 $0x100000, s0;
	[bflag:$0x2] =	sbarrier.arrive $0xFFFF  }
0xc0: {  	[sflag:s0] =	ssyncadd.tile.s32 @!p0 $0x1;
	_ =	shalt  }
.Lfunc_end2:
_tile_overlayer_lowered:
.L_overlay_start_2:
0xc1: {  	(tag) =	ssettag $0x2  }
0xc2: {  	s0 =	rddreg [dreg:$0x0];
	s2 =	stileid.u32  }
0xc3: {  	s1 =	rddreg [dreg:$0x1];
	p0 =	sne.s32 s2, $0x0  }
0xc4: {  	s3 =	rddreg [dreg:$0x2];
	[bflag:$0x3] =	sbarrier.arrive $0xFFFF;
	s2 =	simm.s32 @!p0 $0x1C03  }
0xc5: {  	[timem:s3], [sflag:s2] =	dma.local @!p0 [hbm:s0], s1  }
0xc6: {  	s0 =	simm.s32 @!p0 $0x3  }
0xc7: {  	_ =	swait.ge @!p0 [sflag:s0], s1  }
0xc8: {  	s1 =	ssub.s32 @!p0 $0x0, s1;
	[sflag:s0] =	ssyncset.done @!p0 $0x0  }
0xc9: {  	[sflag:s0] =	ssyncadd.s32 @!p0 s1  }
0xca: {  	[bflag:$0x3] =	sbarrier.arrive $0xFFFF  }
0xcb: {  	_ =	shalt  }

</sc_bundles>
